<compile_context>
chip_gen: v7x
topology: tpu7x:2x2x1
jax: 0.10.2.dev20260603
libtpu: 0.0.44.dev20260713+nightly
codegen_flags: <defaults>
</compile_context>

<pallas_src>
import functools

import jax
import jax.numpy as jnp
from jax import lax
from jax.experimental import pallas as pl
from jax.experimental.pallas import tpu as pltpu
from jax.experimental.pallas import tpu_sc as plsc
from jax.experimental.layout import Format, Layout, with_layout_constraint

VOCAB = 23236
EMBED_DIM = 1728
BATCH = 32
SEQ = 512

_NC = 2
_NS = 16
_NW = _NC * _NS

_B = BATCH * SEQ
_BPW = _B // _NW
_K = 32
_NCH = _BPW // _K
_NFULL = EMBED_DIM // 128
_TAIL0 = _NFULL * 128


def _gather_body(table_hbm, tail_hbm, ids_hbm, out_hbm, idx_v,
                 rows0, rows1, tail0, tail1, gsem0, gsem1):
    wid = lax.axis_index("s") * _NC + lax.axis_index("c")
    base = wid * _BPW

    pltpu.sync_copy(ids_hbm.at[pl.ds(base, _BPW)], idx_v)

    def start_gathers(c, rows, tail, sem):
        idx = idx_v.at[pl.ds(c * _K, _K)]
        for j in range(_NFULL):
            pltpu.async_copy(
                table_hbm.at[idx, pl.ds(j * 128, 128)],
                rows.at[:, pl.ds(j * 128, 128)], sem)
        pltpu.async_copy(tail_hbm.at[idx], tail, sem)

    def wait_gathers(c, rows, tail, sem):
        idx = idx_v.at[pl.ds(c * _K, _K)]
        for j in range(_NFULL):
            pltpu.make_async_copy(
                table_hbm.at[idx, pl.ds(j * 128, 128)],
                rows.at[:, pl.ds(j * 128, 128)], sem).wait()
        pltpu.make_async_copy(tail_hbm.at[idx], tail, sem).wait()

    start_gathers(0, rows0, tail0, gsem0)
    start_gathers(1, rows1, tail1, gsem1)

    def step(c, rows, tail, sem):
        wait_gathers(c, rows, tail, sem)

        def merge_row(r, carry):
            for k in range(4):
                rows[r, pl.ds(_TAIL0 + 16 * k, 16)] = \
                    tail[r, pl.ds(16 * k, 16)]
            return carry
        lax.fori_loop(0, _K, merge_row, 0)

        pltpu.sync_copy(rows, out_hbm.at[pl.ds(base + c * _K, _K)])

        @pl.when(c + 2 < _NCH)
        def _():
            start_gathers(c + 2, rows, tail, sem)

    def pair(i, carry):
        step(2 * i, rows0, tail0, gsem0)
        step(2 * i + 1, rows1, tail1, gsem1)
        return carry

    lax.fori_loop(0, _NCH // 2, pair, 0)


@jax.jit
def _embed(ids_flat, font_table, tail_table):
    mesh = plsc.VectorSubcoreMesh(core_axis_name="c", subcore_axis_name="s")
    run = pl.kernel(
        _gather_body,
        out_type=jax.ShapeDtypeStruct((_B, EMBED_DIM), jnp.float32),
        mesh=mesh,
        scratch_types=[
            pltpu.VMEM((_BPW,), jnp.int32),
            pltpu.VMEM((_K, EMBED_DIM), jnp.float32),
            pltpu.VMEM((_K, EMBED_DIM), jnp.float32),
            pltpu.VMEM((_K, 128), jnp.float32),
            pltpu.VMEM((_K, 128), jnp.float32),
            pltpu.SemaphoreType.DMA,
            pltpu.SemaphoreType.DMA,
        ],
    )
    return run(font_table, tail_table, ids_flat)


def kernel(input_ids, font_table):
    ids_flat = input_ids.reshape(-1).astype(jnp.int32)
    tail_table = jnp.pad(font_table[:, _TAIL0:], ((0, 0), (0, 64)))
    out = _embed(ids_flat, font_table, tail_table)
    out3 = out.reshape(BATCH, SEQ, EMBED_DIM)
    return with_layout_constraint(out3, Layout(major_to_minor=(0, 1, 2)))

# --- scband reference (transcript-rebuilt; emitter-appended) ---
"""Pipeline reference for scband-glyph-embedding-57818849738964 (READ-ONLY COPY).

The authoritative reference and input builder live on the scoring server;
editing this copy changes nothing except your own understanding.
"""

import jax, jax.numpy as jnp
import numpy as np

VOCAB = 23236
FONT_NUM = 3
FONT_SIZE = 24
EMBED_DIM = FONT_NUM * FONT_SIZE * FONT_SIZE  # 1728
BATCH = 32
SEQ = 512


def setup_inputs(seed: int = 0) -> dict:
    key = jax.random.key(seed)
    k_ids = jax.random.fold_in(key, 0)
    k_tab = jax.random.fold_in(key, 1)
    # stands in for np.stack of the 3 loaded font arrays reshaped to [vocab, -1]
    font_table = jax.random.uniform(k_tab, (VOCAB, EMBED_DIM), dtype=jnp.float32)
    input_ids = jax.random.randint(k_ids, (BATCH, SEQ), 0, VOCAB, dtype=jnp.int64)
    return {"input_ids": input_ids, "font_table": font_table}


def reference(input_ids, font_table):
    # nn.Embedding lookup: [batch, seq] -> [batch, seq, font_num*font_size*font_size]
    return jnp.take(font_table, input_ids, axis=0)

if __name__ == "__main__":
    import jax
    _d = setup_inputs()
    print(jax.jit(kernel)(*tuple(_d.values())))

</pallas_src>

<mosaic_0001>
#map = affine_map<(d0, d1) -> (0, 0)>
#map1 = affine_map<(d0, d1) -> (0)>
module attributes {stable_mosaic.version = 14 : i64} {
  func.func @_gather_body(%arg0: i32, %arg1: i32, %arg2: memref<23236x1728xf32, #tpu.memory_space<hbm>>, %arg3: memref<23236x128xf32, #tpu.memory_space<hbm>>, %arg4: memref<16384xi32, #tpu.memory_space<hbm>>, %arg5: memref<16384x1728xf32, #tpu.memory_space<hbm>>, %arg6: memref<512xi32, #tpu.memory_space<vmem>>, %arg7: memref<32x1728xf32, #tpu.memory_space<vmem>>, %arg8: memref<32x1728xf32, #tpu.memory_space<vmem>>, %arg9: memref<32x128xf32, #tpu.memory_space<vmem>>, %arg10: memref<32x128xf32, #tpu.memory_space<vmem>>, %arg11: memref<!tpu.dma_semaphore, #tpu.memory_space<semaphore_mem>>, %arg12: memref<!tpu.dma_semaphore, #tpu.memory_space<semaphore_mem>>) attributes {dimension_semantics = [#tpu.dimension_semantics<core_parallel>, #tpu.dimension_semantics<subcore_parallel>], iteration_bounds = array<i64: 2, 16>, scalar_prefetch = 0 : i64, scratch_operands = 7 : i64, tpu.core_type = #tpu.core_type<sc_vector_subcore>, window_params = [{transform_indices = #map}, {transform_indices = #map}, {transform_indices = #map1}, {transform_indices = #map}]} {
    %mul3A = arith.constant 2 : i32
    %mul3A_0 = arith.muli %arg1, %mul3A : i32
    %add3A = arith.addi %mul3A_0, %arg0 : i32
    %mul3A_1 = arith.constant 512 : i32
    %mul3A_2 = arith.muli %add3A, %mul3A_1 : i32
    "tpu.region"() ({
      %run_scoped3A = tpu.sem_alloc : memref<!tpu.dma_semaphore, #tpu.memory_space<semaphore_mem>>
      %dma_start3A_225 = tpu.memref_slice %arg4[%mul3A_2] : memref<16384xi32, #tpu.memory_space<hbm>> -> memref<512xi32, #tpu.memory_space<hbm>>
      %dma_start3A_226 = tpu.memref_slice %arg4[%mul3A_2] : memref<16384xi32, #tpu.memory_space<hbm>> -> memref<512xi32, #tpu.memory_space<hbm>>
      tpu.enqueue_dma source(%dma_start3A_226 : memref<512xi32, #tpu.memory_space<hbm>>) target(%arg6 : memref<512xi32, #tpu.memory_space<vmem>>) target_semaphore(%run_scoped3A : memref<!tpu.dma_semaphore, #tpu.memory_space<semaphore_mem>>)
      %dma_wait3A = tpu.memref_slice %arg4[%mul3A_2] : memref<16384xi32, #tpu.memory_space<hbm>> -> memref<512xi32, #tpu.memory_space<hbm>>
      %dma_wait3A_227 = tpu.memref_slice %arg4[%mul3A_2] : memref<16384xi32, #tpu.memory_space<hbm>> -> memref<512xi32, #tpu.memory_space<hbm>>
      tpu.wait_dma2 semaphore(%run_scoped3A : memref<!tpu.dma_semaphore, #tpu.memory_space<semaphore_mem>>) src(%dma_wait3A_227 : memref<512xi32, #tpu.memory_space<hbm>>) dst(%arg6 : memref<512xi32, #tpu.memory_space<vmem>>)
      tpu.yield
    }) : () -> ()
    %dma_start3A = arith.constant 0 : i32
    %dma_start3A_3 = arith.constant 0 : i32
    %dma_start3A_4 = tpu.memref_slice %arg7[%dma_start3A, %dma_start3A_3] : memref<32x1728xf32, #tpu.memory_space<vmem>> -> memref<32x128xf32, #tpu.memory_space<vmem>>
    %dma_start3A_5 = arith.constant 0 : i32
    %dma_start3A_6 = tpu.memref_slice %arg6[%dma_start3A_5] : memref<512xi32, #tpu.memory_space<vmem>> -> memref<32xi32, #tpu.memory_space<vmem>>
    %dma_start3A_7 = arith.constant 0 : i32
    %dma_start3A_8 = arith.constant 0 : i32
    %dma_start3A_9 = tpu.memref_slice %arg2[%dma_start3A_7, %dma_start3A_8] : memref<23236x1728xf32, #tpu.memory_space<hbm>> -> memref<23236x128xf32, #tpu.memory_space<hbm>>
    tpu.enqueue_indirect_dma source(%dma_start3A_9 : memref<23236x128xf32, #tpu.memory_space<hbm>>) target(%dma_start3A_4 : memref<32x128xf32, #tpu.memory_space<vmem>>) offsets(%dma_start3A_6 : memref<32xi32, #tpu.memory_space<vmem>>) semaphore(%arg11 : memref<!tpu.dma_semaphore, #tpu.memory_space<semaphore_mem>>)
    %dma_start3A_10 = arith.constant 0 : i32
    %dma_start3A_11 = arith.constant 128 : i32
    %dma_start3A_12 = tpu.memref_slice %arg7[%dma_start3A_10, %dma_start3A_11] : memref<32x1728xf32, #tpu.memory_space<vmem>> -> memref<32x128xf32, #tpu.memory_space<vmem>>
    %dma_start3A_13 = arith.constant 0 : i32
    %dma_start3A_14 = tpu.memref_slice %arg6[%dma_start3A_13] : memref<512xi32, #tpu.memory_space<vmem>> -> memref<32xi32, #tpu.memory_space<vmem>>
    %dma_start3A_15 = arith.constant 0 : i32
    %dma_start3A_16 = arith.constant 128 : i32
    %dma_start3A_17 = tpu.memref_slice %arg2[%dma_start3A_15, %dma_start3A_16] : memref<23236x1728xf32, #tpu.memory_space<hbm>> -> memref<23236x128xf32, #tpu.memory_space<hbm>>
    tpu.enqueue_indirect_dma source(%dma_start3A_17 : memref<23236x128xf32, #tpu.memory_space<hbm>>) target(%dma_start3A_12 : memref<32x128xf32, #tpu.memory_space<vmem>>) offsets(%dma_start3A_14 : memref<32xi32, #tpu.memory_space<vmem>>) semaphore(%arg11 : memref<!tpu.dma_semaphore, #tpu.memory_space<semaphore_mem>>)
    %dma_start3A_18 = arith.constant 0 : i32
    %dma_start3A_19 = arith.constant 256 : i32
    %dma_start3A_20 = tpu.memref_slice %arg7[%dma_start3A_18, %dma_start3A_19] : memref<32x1728xf32, #tpu.memory_space<vmem>> -> memref<32x128xf32, #tpu.memory_space<vmem>>
    %dma_start3A_21 = arith.constant 0 : i32
    %dma_start3A_22 = tpu.memref_slice %arg6[%dma_start3A_21] : memref<512xi32, #tpu.memory_space<vmem>> -> memref<32xi32, #tpu.memory_space<vmem>>
    %dma_start3A_23 = arith.constant 0 : i32
    %dma_start3A_24 = arith.constant 256 : i32
    %dma_start3A_25 = tpu.memref_slice %arg2[%dma_start3A_23, %dma_start3A_24] : memref<23236x1728xf32, #tpu.memory_space<hbm>> -> memref<23236x128xf32, #tpu.memory_space<hbm>>
    tpu.enqueue_indirect_dma source(%dma_start3A_25 : memref<23236x128xf32, #tpu.memory_space<hbm>>) target(%dma_start3A_20 : memref<32x128xf32, #tpu.memory_space<vmem>>) offsets(%dma_start3A_22 : memref<32xi32, #tpu.memory_space<vmem>>) semaphore(%arg11 : memref<!tpu.dma_semaphore, #tpu.memory_space<semaphore_mem>>)
    %dma_start3A_26 = arith.constant 0 : i32
    %dma_start3A_27 = arith.constant 384 : i32
    %dma_start3A_28 = tpu.memref_slice %arg7[%dma_start3A_26, %dma_start3A_27] : memref<32x1728xf32, #tpu.memory_space<vmem>> -> memref<32x128xf32, #tpu.memory_space<vmem>>
    %dma_start3A_29 = arith.constant 0 : i32
    %dma_start3A_30 = tpu.memref_slice %arg6[%dma_start3A_29] : memref<512xi32, #tpu.memory_space<vmem>> -> memref<32xi32, #tpu.memory_space<vmem>>
    %dma_start3A_31 = arith.constant 0 : i32
    %dma_start3A_32 = arith.constant 384 : i32
    %dma_start3A_33 = tpu.memref_slice %arg2[%dma_start3A_31, %dma_start3A_32] : memref<23236x1728xf32, #tpu.memory_space<hbm>> -> memref<23236x128xf32, #tpu.memory_space<hbm>>
    tpu.enqueue_indirect_dma source(%dma_start3A_33 : memref<23236x128xf32, #tpu.memory_space<hbm>>) target(%dma_start3A_28 : memref<32x128xf32, #tpu.memory_space<vmem>>) offsets(%dma_start3A_30 : memref<32xi32, #tpu.memory_space<vmem>>) semaphore(%arg11 : memref<!tpu.dma_semaphore, #tpu.memory_space<semaphore_mem>>)
    %dma_start3A_34 = arith.constant 0 : i32
    %dma_start3A_35 = arith.constant 512 : i32
    %dma_start3A_36 = tpu.memref_slice %arg7[%dma_start3A_34, %dma_start3A_35] : memref<32x1728xf32, #tpu.memory_space<vmem>> -> memref<32x128xf32, #tpu.memory_space<vmem>>
    %dma_start3A_37 = arith.constant 0 : i32
    %dma_start3A_38 = tpu.memref_slice %arg6[%dma_start3A_37] : memref<512xi32, #tpu.memory_space<vmem>> -> memref<32xi32, #tpu.memory_space<vmem>>
    %dma_start3A_39 = arith.constant 0 : i32
    %dma_start3A_40 = arith.constant 512 : i32
    %dma_start3A_41 = tpu.memref_slice %arg2[%dma_start3A_39, %dma_start3A_40] : memref<23236x1728xf32, #tpu.memory_space<hbm>> -> memref<23236x128xf32, #tpu.memory_space<hbm>>
    tpu.enqueue_indirect_dma source(%dma_start3A_41 : memref<23236x128xf32, #tpu.memory_space<hbm>>) target(%dma_start3A_36 : memref<32x128xf32, #tpu.memory_space<vmem>>) offsets(%dma_start3A_38 : memref<32xi32, #tpu.memory_space<vmem>>) semaphore(%arg11 : memref<!tpu.dma_semaphore, #tpu.memory_space<semaphore_mem>>)
    %dma_start3A_42 = arith.constant 0 : i32
    %dma_start3A_43 = arith.constant 640 : i32
    %dma_start3A_44 = tpu.memref_slice %arg7[%dma_start3A_42, %dma_start3A_43] : memref<32x1728xf32, #tpu.memory_space<vmem>> -> memref<32x128xf32, #tpu.memory_space<vmem>>
    %dma_start3A_45 = arith.constant 0 : i32
    %dma_start3A_46 = tpu.memref_slice %arg6[%dma_start3A_45] : memref<512xi32, #tpu.memory_space<vmem>> -> memref<32xi32, #tpu.memory_space<vmem>>
    %dma_start3A_47 = arith.constant 0 : i32
    %dma_start3A_48 = arith.constant 640 : i32
    %dma_start3A_49 = tpu.memref_slice %arg2[%dma_start3A_47, %dma_start3A_48] : memref<23236x1728xf32, #tpu.memory_space<hbm>> -> memref<23236x128xf32, #tpu.memory_space<hbm>>
    tpu.enqueue_indirect_dma source(%dma_start3A_49 : memref<23236x128xf32, #tpu.memory_space<hbm>>) target(%dma_start3A_44 : memref<32x128xf32, #tpu.memory_space<vmem>>) offsets(%dma_start3A_46 : memref<32xi32, #tpu.memory_space<vmem>>) semaphore(%arg11 : memref<!tpu.dma_semaphore, #tpu.memory_space<semaphore_mem>>)
    %dma_start3A_50 = arith.constant 0 : i32
    %dma_start3A_51 = arith.constant 768 : i32
    %dma_start3A_52 = tpu.memref_slice %arg7[%dma_start3A_50, %dma_start3A_51] : memref<32x1728xf32, #tpu.memory_space<vmem>> -> memref<32x128xf32, #tpu.memory_space<vmem>>
    %dma_start3A_53 = arith.constant 0 : i32
    %dma_start3A_54 = tpu.memref_slice %arg6[%dma_start3A_53] : memref<512xi32, #tpu.memory_space<vmem>> -> memref<32xi32, #tpu.memory_space<vmem>>
    %dma_start3A_55 = arith.constant 0 : i32
    %dma_start3A_56 = arith.constant 768 : i32
    %dma_start3A_57 = tpu.memref_slice %arg2[%dma_start3A_55, %dma_start3A_56] : memref<23236x1728xf32, #tpu.memory_space<hbm>> -> memref<23236x128xf32, #tpu.memory_space<hbm>>
    tpu.enqueue_indirect_dma source(%dma_start3A_57 : memref<23236x128xf32, #tpu.memory_space<hbm>>) target(%dma_start3A_52 : memref<32x128xf32, #tpu.memory_space<vmem>>) offsets(%dma_start3A_54 : memref<32xi32, #tpu.memory_space<vmem>>) semaphore(%arg11 : memref<!tpu.dma_semaphore, #tpu.memory_space<semaphore_mem>>)
    %dma_start3A_58 = arith.constant 0 : i32
    %dma_start3A_59 = arith.constant 896 : i32
    %dma_start3A_60 = tpu.memref_slice %arg7[%dma_start3A_58, %dma_start3A_59] : memref<32x1728xf32, #tpu.memory_space<vmem>> -> memref<32x128xf32, #tpu.memory_space<vmem>>
    %dma_start3A_61 = arith.constant 0 : i32
    %dma_start3A_62 = tpu.memref_slice %arg6[%dma_start3A_61] : memref<512xi32, #tpu.memory_space<vmem>> -> memref<32xi32, #tpu.memory_space<vmem>>
    %dma_start3A_63 = arith.constant 0 : i32
    %dma_start3A_64 = arith.constant 896 : i32
    %dma_start3A_65 = tpu.memref_slice %arg2[%dma_start3A_63, %dma_start3A_64] : memref<23236x1728xf32, #tpu.memory_space<hbm>> -> memref<23236x128xf32, #tpu.memory_space<hbm>>
    tpu.enqueue_indirect_dma source(%dma_start3A_65 : memref<23236x128xf32, #tpu.memory_space<hbm>>) target(%dma_start3A_60 : memref<32x128xf32, #tpu.memory_space<vmem>>) offsets(%dma_start3A_62 : memref<32xi32, #tpu.memory_space<vmem>>) semaphore(%arg11 : memref<!tpu.dma_semaphore, #tpu.memory_space<semaphore_mem>>)
    %dma_start3A_66 = arith.constant 0 : i32
    %dma_start3A_67 = arith.constant 1024 : i32
    %dma_start3A_68 = tpu.memref_slice %arg7[%dma_start3A_66, %dma_start3A_67] : memref<32x1728xf32, #tpu.memory_space<vmem>> -> memref<32x128xf32, #tpu.memory_space<vmem>>
    %dma_start3A_69 = arith.constant 0 : i32
    %dma_start3A_70 = tpu.memref_slice %arg6[%dma_start3A_69] : memref<512xi32, #tpu.memory_space<vmem>> -> memref<32xi32, #tpu.memory_space<vmem>>
    %dma_start3A_71 = arith.constant 0 : i32
    %dma_start3A_72 = arith.constant 1024 : i32
    %dma_start3A_73 = tpu.memref_slice %arg2[%dma_start3A_71, %dma_start3A_72] : memref<23236x1728xf32, #tpu.memory_space<hbm>> -> memref<23236x128xf32, #tpu.memory_space<hbm>>
    tpu.enqueue_indirect_dma source(%dma_start3A_73 : memref<23236x128xf32, #tpu.memory_space<hbm>>) target(%dma_start3A_68 : memref<32x128xf32, #tpu.memory_space<vmem>>) offsets(%dma_start3A_70 : memref<32xi32, #tpu.memory_space<vmem>>) semaphore(%arg11 : memref<!tpu.dma_semaphore, #tpu.memory_space<semaphore_mem>>)
    %dma_start3A_74 = arith.constant 0 : i32
    %dma_start3A_75 = arith.constant 1152 : i32
    %dma_start3A_76 = tpu.memref_slice %arg7[%dma_start3A_74, %dma_start3A_75] : memref<32x1728xf32, #tpu.memory_space<vmem>> -> memref<32x128xf32, #tpu.memory_space<vmem>>
    %dma_start3A_77 = arith.constant 0 : i32
    %dma_start3A_78 = tpu.memref_slice %arg6[%dma_start3A_77] : memref<512xi32, #tpu.memory_space<vmem>> -> memref<32xi32, #tpu.memory_space<vmem>>
    %dma_start3A_79 = arith.constant 0 : i32
    %dma_start3A_80 = arith.constant 1152 : i32
    %dma_start3A_81 = tpu.memref_slice %arg2[%dma_start3A_79, %dma_start3A_80] : memref<23236x1728xf32, #tpu.memory_space<hbm>> -> memref<23236x128xf32, #tpu.memory_space<hbm>>
    tpu.enqueue_indirect_dma source(%dma_start3A_81 : memref<23236x128xf32, #tpu.memory_space<hbm>>) target(%dma_start3A_76 : memref<32x128xf32, #tpu.memory_space<vmem>>) offsets(%dma_start3A_78 : memref<32xi32, #tpu.memory_space<vmem>>) semaphore(%arg11 : memref<!tpu.dma_semaphore, #tpu.memory_space<semaphore_mem>>)
    %dma_start3A_82 = arith.constant 0 : i32
    %dma_start3A_83 = arith.constant 1280 : i32
    %dma_start3A_84 = tpu.memref_slice %arg7[%dma_start3A_82, %dma_start3A_83] : memref<32x1728xf32, #tpu.memory_space<vmem>> -> memref<32x128xf32, #tpu.memory_space<vmem>>
    %dma_start3A_85 = arith.constant 0 : i32
    %dma_start3A_86 = tpu.memref_slice %arg6[%dma_start3A_85] : memref<512xi32, #tpu.memory_space<vmem>> -> memref<32xi32, #tpu.memory_space<vmem>>
    %dma_start3A_87 = arith.constant 0 : i32
    %dma_start3A_88 = arith.constant 1280 : i32
    %dma_start3A_89 = tpu.memref_slice %arg2[%dma_start3A_87, %dma_start3A_88] : memref<23236x1728xf32, #tpu.memory_space<hbm>> -> memref<23236x128xf32, #tpu.memory_space<hbm>>
    tpu.enqueue_indirect_dma source(%dma_start3A_89 : memref<23236x128xf32, #tpu.memory_space<hbm>>) target(%dma_start3A_84 : memref<32x128xf32, #tpu.memory_space<vmem>>) offsets(%dma_start3A_86 : memref<32xi32, #tpu.memory_space<vmem>>) semaphore(%arg11 : memref<!tpu.dma_semaphore, #tpu.memory_space<semaphore_mem>>)
    %dma_start3A_90 = arith.constant 0 : i32
    %dma_start3A_91 = arith.constant 1408 : i32
    %dma_start3A_92 = tpu.memref_slice %arg7[%dma_start3A_90, %dma_start3A_91] : memref<32x1728xf32, #tpu.memory_space<vmem>> -> memref<32x128xf32, #tpu.memory_space<vmem>>
    %dma_start3A_93 = arith.constant 0 : i32
    %dma_start3A_94 = tpu.memref_slice %arg6[%dma_start3A_93] : memref<512xi32, #tpu.memory_space<vmem>> -> memref<32xi32, #tpu.memory_space<vmem>>
    %dma_start3A_95 = arith.constant 0 : i32
    %dma_start3A_96 = arith.constant 1408 : i32
    %dma_start3A_97 = tpu.memref_slice %arg2[%dma_start3A_95, %dma_start3A_96] : memref<23236x1728xf32, #tpu.memory_space<hbm>> -> memref<23236x128xf32, #tpu.memory_space<hbm>>
    tpu.enqueue_indirect_dma source(%dma_start3A_97 : memref<23236x128xf32, #tpu.memory_space<hbm>>) target(%dma_start3A_92 : memref<32x128xf32, #tpu.memory_space<vmem>>) offsets(%dma_start3A_94 : memref<32xi32, #tpu.memory_space<vmem>>) semaphore(%arg11 : memref<!tpu.dma_semaphore, #tpu.memory_space<semaphore_mem>>)
    %dma_start3A_98 = arith.constant 0 : i32
    %dma_start3A_99 = arith.constant 1536 : i32
    %dma_start3A_100 = tpu.memref_slice %arg7[%dma_start3A_98, %dma_start3A_99] : memref<32x1728xf32, #tpu.memory_space<vmem>> -> memref<32x128xf32, #tpu.memory_space<vmem>>
    %dma_start3A_101 = arith.constant 0 : i32
    %dma_start3A_102 = tpu.memref_slice %arg6[%dma_start3A_101] : memref<512xi32, #tpu.memory_space<vmem>> -> memref<32xi32, #tpu.memory_space<vmem>>
    %dma_start3A_103 = arith.constant 0 : i32
    %dma_start3A_104 = arith.constant 1536 : i32
    %dma_start3A_105 = tpu.memref_slice %arg2[%dma_start3A_103, %dma_start3A_104] : memref<23236x1728xf32, #tpu.memory_space<hbm>> -> memref<23236x128xf32, #tpu.memory_space<hbm>>
    tpu.enqueue_indirect_dma source(%dma_start3A_105 : memref<23236x128xf32, #tpu.memory_space<hbm>>) target(%dma_start3A_100 : memref<32x128xf32, #tpu.memory_space<vmem>>) offsets(%dma_start3A_102 : memref<32xi32, #tpu.memory_space<vmem>>) semaphore(%arg11 : memref<!tpu.dma_semaphore, #tpu.memory_space<semaphore_mem>>)
    %dma_start3A_106 = arith.constant 0 : i32
    %dma_start3A_107 = tpu.memref_slice %arg6[%dma_start3A_106] : memref<512xi32, #tpu.memory_space<vmem>> -> memref<32xi32, #tpu.memory_space<vmem>>
    %dma_start3A_108 = arith.constant 0 : i32
    %dma_start3A_109 = arith.constant 0 : i32
    %dma_start3A_110 = tpu.memref_slice %arg3[%dma_start3A_108, %dma_start3A_109] : memref<23236x128xf32, #tpu.memory_space<hbm>> -> memref<23236x128xf32, #tpu.memory_space<hbm>>
    tpu.enqueue_indirect_dma source(%dma_start3A_110 : memref<23236x128xf32, #tpu.memory_space<hbm>>) target(%arg9 : memref<32x128xf32, #tpu.memory_space<vmem>>) offsets(%dma_start3A_107 : memref<32xi32, #tpu.memory_space<vmem>>) semaphore(%arg11 : memref<!tpu.dma_semaphore, #tpu.memory_space<semaphore_mem>>)
    %dma_start3A_111 = arith.constant 0 : i32
    %dma_start3A_112 = arith.constant 0 : i32
    %dma_start3A_113 = tpu.memref_slice %arg8[%dma_start3A_111, %dma_start3A_112] : memref<32x1728xf32, #tpu.memory_space<vmem>> -> memref<32x128xf32, #tpu.memory_space<vmem>>
    %dma_start3A_114 = arith.constant 32 : i32
    %dma_start3A_115 = tpu.memref_slice %arg6[%dma_start3A_114] : memref<512xi32, #tpu.memory_space<vmem>> -> memref<32xi32, #tpu.memory_space<vmem>>
    %dma_start3A_116 = arith.constant 0 : i32
    %dma_start3A_117 = arith.constant 0 : i32
    %dma_start3A_118 = tpu.memref_slice %arg2[%dma_start3A_116, %dma_start3A_117] : memref<23236x1728xf32, #tpu.memory_space<hbm>> -> memref<23236x128xf32, #tpu.memory_space<hbm>>
    tpu.enqueue_indirect_dma source(%dma_start3A_118 : memref<23236x128xf32, #tpu.memory_space<hbm>>) target(%dma_start3A_113 : memref<32x128xf32, #tpu.memory_space<vmem>>) offsets(%dma_start3A_115 : memref<32xi32, #tpu.memory_space<vmem>>) semaphore(%arg12 : memref<!tpu.dma_semaphore, #tpu.memory_space<semaphore_mem>>)
    %dma_start3A_119 = arith.constant 0 : i32
    %dma_start3A_120 = arith.constant 128 : i32
    %dma_start3A_121 = tpu.memref_slice %arg8[%dma_start3A_119, %dma_start3A_120] : memref<32x1728xf32, #tpu.memory_space<vmem>> -> memref<32x128xf32, #tpu.memory_space<vmem>>
    %dma_start3A_122 = arith.constant 32 : i32
    %dma_start3A_123 = tpu.memref_slice %arg6[%dma_start3A_122] : memref<512xi32, #tpu.memory_space<vmem>> -> memref<32xi32, #tpu.memory_space<vmem>>
    %dma_start3A_124 = arith.constant 0 : i32
    %dma_start3A_125 = arith.constant 128 : i32
    %dma_start3A_126 = tpu.memref_slice %arg2[%dma_start3A_124, %dma_start3A_125] : memref<23236x1728xf32, #tpu.memory_space<hbm>> -> memref<23236x128xf32, #tpu.memory_space<hbm>>
    tpu.enqueue_indirect_dma source(%dma_start3A_126 : memref<23236x128xf32, #tpu.memory_space<hbm>>) target(%dma_start3A_121 : memref<32x128xf32, #tpu.memory_space<vmem>>) offsets(%dma_start3A_123 : memref<32xi32, #tpu.memory_space<vmem>>) semaphore(%arg12 : memref<!tpu.dma_semaphore, #tpu.memory_space<semaphore_mem>>)
    %dma_start3A_127 = arith.constant 0 : i32
    %dma_start3A_128 = arith.constant 256 : i32
    %dma_start3A_129 = tpu.memref_slice %arg8[%dma_start3A_127, %dma_start3A_128] : memref<32x1728xf32, #tpu.memory_space<vmem>> -> memref<32x128xf32, #tpu.memory_space<vmem>>
    %dma_start3A_130 = arith.constant 32 : i32
    %dma_start3A_131 = tpu.memref_slice %arg6[%dma_start3A_130] : memref<512xi32, #tpu.memory_space<vmem>> -> memref<32xi32, #tpu.memory_space<vmem>>
    %dma_start3A_132 = arith.constant 0 : i32
    %dma_start3A_133 = arith.constant 256 : i32
    %dma_start3A_134 = tpu.memref_slice %arg2[%dma_start3A_132, %dma_start3A_133] : memref<23236x1728xf32, #tpu.memory_space<hbm>> -> memref<23236x128xf32, #tpu.memory_space<hbm>>
    tpu.enqueue_indirect_dma source(%dma_start3A_134 : memref<23236x128xf32, #tpu.memory_space<hbm>>) target(%dma_start3A_129 : memref<32x128xf32, #tpu.memory_space<vmem>>) offsets(%dma_start3A_131 : memref<32xi32, #tpu.memory_space<vmem>>) semaphore(%arg12 : memref<!tpu.dma_semaphore, #tpu.memory_space<semaphore_mem>>)
    %dma_start3A_135 = arith.constant 0 : i32
    %dma_start3A_136 = arith.constant 384 : i32
    %dma_start3A_137 = tpu.memref_slice %arg8[%dma_start3A_135, %dma_start3A_136] : memref<32x1728xf32, #tpu.memory_space<vmem>> -> memref<32x128xf32, #tpu.memory_space<vmem>>
    %dma_start3A_138 = arith.constant 32 : i32
    %dma_start3A_139 = tpu.memref_slice %arg6[%dma_start3A_138] : memref<512xi32, #tpu.memory_space<vmem>> -> memref<32xi32, #tpu.memory_space<vmem>>
    %dma_start3A_140 = arith.constant 0 : i32
    %dma_start3A_141 = arith.constant 384 : i32
    %dma_start3A_142 = tpu.memref_slice %arg2[%dma_start3A_140, %dma_start3A_141] : memref<23236x1728xf32, #tpu.memory_space<hbm>> -> memref<23236x128xf32, #tpu.memory_space<hbm>>
    tpu.enqueue_indirect_dma source(%dma_start3A_142 : memref<23236x128xf32, #tpu.memory_space<hbm>>) target(%dma_start3A_137 : memref<32x128xf32, #tpu.memory_space<vmem>>) offsets(%dma_start3A_139 : memref<32xi32, #tpu.memory_space<vmem>>) semaphore(%arg12 : memref<!tpu.dma_semaphore, #tpu.memory_space<semaphore_mem>>)
    %dma_start3A_143 = arith.constant 0 : i32
    %dma_start3A_144 = arith.constant 512 : i32
    %dma_start3A_145 = tpu.memref_slice %arg8[%dma_start3A_143, %dma_start3A_144] : memref<32x1728xf32, #tpu.memory_space<vmem>> -> memref<32x128xf32, #tpu.memory_space<vmem>>
    %dma_start3A_146 = arith.constant 32 : i32
    %dma_start3A_147 = tpu.memref_slice %arg6[%dma_start3A_146] : memref<512xi32, #tpu.memory_space<vmem>> -> memref<32xi32, #tpu.memory_space<vmem>>
    %dma_start3A_148 = arith.constant 0 : i32
    %dma_start3A_149 = arith.constant 512 : i32
    %dma_start3A_150 = tpu.memref_slice %arg2[%dma_start3A_148, %dma_start3A_149] : memref<23236x1728xf32, #tpu.memory_space<hbm>> -> memref<23236x128xf32, #tpu.memory_space<hbm>>
    tpu.enqueue_indirect_dma source(%dma_start3A_150 : memref<23236x128xf32, #tpu.memory_space<hbm>>) target(%dma_start3A_145 : memref<32x128xf32, #tpu.memory_space<vmem>>) offsets(%dma_start3A_147 : memref<32xi32, #tpu.memory_space<vmem>>) semaphore(%arg12 : memref<!tpu.dma_semaphore, #tpu.memory_space<semaphore_mem>>)
    %dma_start3A_151 = arith.constant 0 : i32
    %dma_start3A_152 = arith.constant 640 : i32
    %dma_start3A_153 = tpu.memref_slice %arg8[%dma_start3A_151, %dma_start3A_152] : memref<32x1728xf32, #tpu.memory_space<vmem>> -> memref<32x128xf32, #tpu.memory_space<vmem>>
    %dma_start3A_154 = arith.constant 32 : i32
    %dma_start3A_155 = tpu.memref_slice %arg6[%dma_start3A_154] : memref<512xi32, #tpu.memory_space<vmem>> -> memref<32xi32, #tpu.memory_space<vmem>>
    %dma_start3A_156 = arith.constant 0 : i32
    %dma_start3A_157 = arith.constant 640 : i32
    %dma_start3A_158 = tpu.memref_slice %arg2[%dma_start3A_156, %dma_start3A_157] : memref<23236x1728xf32, #tpu.memory_space<hbm>> -> memref<23236x128xf32, #tpu.memory_space<hbm>>
    tpu.enqueue_indirect_dma source(%dma_start3A_158 : memref<23236x128xf32, #tpu.memory_space<hbm>>) target(%dma_start3A_153 : memref<32x128xf32, #tpu.memory_space<vmem>>) offsets(%dma_start3A_155 : memref<32xi32, #tpu.memory_space<vmem>>) semaphore(%arg12 : memref<!tpu.dma_semaphore, #tpu.memory_space<semaphore_mem>>)
    %dma_start3A_159 = arith.constant 0 : i32
    %dma_start3A_160 = arith.constant 768 : i32
    %dma_start3A_161 = tpu.memref_slice %arg8[%dma_start3A_159, %dma_start3A_160] : memref<32x1728xf32, #tpu.memory_space<vmem>> -> memref<32x128xf32, #tpu.memory_space<vmem>>
    %dma_start3A_162 = arith.constant 32 : i32
    %dma_start3A_163 = tpu.memref_slice %arg6[%dma_start3A_162] : memref<512xi32, #tpu.memory_space<vmem>> -> memref<32xi32, #tpu.memory_space<vmem>>
    %dma_start3A_164 = arith.constant 0 : i32
    %dma_start3A_165 = arith.constant 768 : i32
    %dma_start3A_166 = tpu.memref_slice %arg2[%dma_start3A_164, %dma_start3A_165] : memref<23236x1728xf32, #tpu.memory_space<hbm>> -> memref<23236x128xf32, #tpu.memory_space<hbm>>
    tpu.enqueue_indirect_dma source(%dma_start3A_166 : memref<23236x128xf32, #tpu.memory_space<hbm>>) target(%dma_start3A_161 : memref<32x128xf32, #tpu.memory_space<vmem>>) offsets(%dma_start3A_163 : memref<32xi32, #tpu.memory_space<vmem>>) semaphore(%arg12 : memref<!tpu.dma_semaphore, #tpu.memory_space<semaphore_mem>>)
    %dma_start3A_167 = arith.constant 0 : i32
    %dma_start3A_168 = arith.constant 896 : i32
    %dma_start3A_169 = tpu.memref_slice %arg8[%dma_start3A_167, %dma_start3A_168] : memref<32x1728xf32, #tpu.memory_space<vmem>> -> memref<32x128xf32, #tpu.memory_space<vmem>>
    %dma_start3A_170 = arith.constant 32 : i32
    %dma_start3A_171 = tpu.memref_slice %arg6[%dma_start3A_170] : memref<512xi32, #tpu.memory_space<vmem>> -> memref<32xi32, #tpu.memory_space<vmem>>
    %dma_start3A_172 = arith.constant 0 : i32
    %dma_start3A_173 = arith.constant 896 : i32
    %dma_start3A_174 = tpu.memref_slice %arg2[%dma_start3A_172, %dma_start3A_173] : memref<23236x1728xf32, #tpu.memory_space<hbm>> -> memref<23236x128xf32, #tpu.memory_space<hbm>>
    tpu.enqueue_indirect_dma source(%dma_start3A_174 : memref<23236x128xf32, #tpu.memory_space<hbm>>) target(%dma_start3A_169 : memref<32x128xf32, #tpu.memory_space<vmem>>) offsets(%dma_start3A_171 : memref<32xi32, #tpu.memory_space<vmem>>) semaphore(%arg12 : memref<!tpu.dma_semaphore, #tpu.memory_space<semaphore_mem>>)
    %dma_start3A_175 = arith.constant 0 : i32
    %dma_start3A_176 = arith.constant 1024 : i32
    %dma_start3A_177 = tpu.memref_slice %arg8[%dma_start3A_175, %dma_start3A_176] : memref<32x1728xf32, #tpu.memory_space<vmem>> -> memref<32x128xf32, #tpu.memory_space<vmem>>
    %dma_start3A_178 = arith.constant 32 : i32
    %dma_start3A_179 = tpu.memref_slice %arg6[%dma_start3A_178] : memref<512xi32, #tpu.memory_space<vmem>> -> memref<32xi32, #tpu.memory_space<vmem>>
    %dma_start3A_180 = arith.constant 0 : i32
    %dma_start3A_181 = arith.constant 1024 : i32
    %dma_start3A_182 = tpu.memref_slice %arg2[%dma_start3A_180, %dma_start3A_181] : memref<23236x1728xf32, #tpu.memory_space<hbm>> -> memref<23236x128xf32, #tpu.memory_space<hbm>>
    tpu.enqueue_indirect_dma source(%dma_start3A_182 : memref<23236x128xf32, #tpu.memory_space<hbm>>) target(%dma_start3A_177 : memref<32x128xf32, #tpu.memory_space<vmem>>) offsets(%dma_start3A_179 : memref<32xi32, #tpu.memory_space<vmem>>) semaphore(%arg12 : memref<!tpu.dma_semaphore, #tpu.memory_space<semaphore_mem>>)
    %dma_start3A_183 = arith.constant 0 : i32
    %dma_start3A_184 = arith.constant 1152 : i32
    %dma_start3A_185 = tpu.memref_slice %arg8[%dma_start3A_183, %dma_start3A_184] : memref<32x1728xf32, #tpu.memory_space<vmem>> -> memref<32x128xf32, #tpu.memory_space<vmem>>
    %dma_start3A_186 = arith.constant 32 : i32
    %dma_start3A_187 = tpu.memref_slice %arg6[%dma_start3A_186] : memref<512xi32, #tpu.memory_space<vmem>> -> memref<32xi32, #tpu.memory_space<vmem>>
    %dma_start3A_188 = arith.constant 0 : i32
    %dma_start3A_189 = arith.constant 1152 : i32
    %dma_start3A_190 = tpu.memref_slice %arg2[%dma_start3A_188, %dma_start3A_189] : memref<23236x1728xf32, #tpu.memory_space<hbm>> -> memref<23236x128xf32, #tpu.memory_space<hbm>>
    tpu.enqueue_indirect_dma source(%dma_start3A_190 : memref<23236x128xf32, #tpu.memory_space<hbm>>) target(%dma_start3A_185 : memref<32x128xf32, #tpu.memory_space<vmem>>) offsets(%dma_start3A_187 : memref<32xi32, #tpu.memory_space<vmem>>) semaphore(%arg12 : memref<!tpu.dma_semaphore, #tpu.memory_space<semaphore_mem>>)
    %dma_start3A_191 = arith.constant 0 : i32
    %dma_start3A_192 = arith.constant 1280 : i32
    %dma_start3A_193 = tpu.memref_slice %arg8[%dma_start3A_191, %dma_start3A_192] : memref<32x1728xf32, #tpu.memory_space<vmem>> -> memref<32x128xf32, #tpu.memory_space<vmem>>
    %dma_start3A_194 = arith.constant 32 : i32
    %dma_start3A_195 = tpu.memref_slice %arg6[%dma_start3A_194] : memref<512xi32, #tpu.memory_space<vmem>> -> memref<32xi32, #tpu.memory_space<vmem>>
    %dma_start3A_196 = arith.constant 0 : i32
    %dma_start3A_197 = arith.constant 1280 : i32
    %dma_start3A_198 = tpu.memref_slice %arg2[%dma_start3A_196, %dma_start3A_197] : memref<23236x1728xf32, #tpu.memory_space<hbm>> -> memref<23236x128xf32, #tpu.memory_space<hbm>>
    tpu.enqueue_indirect_dma source(%dma_start3A_198 : memref<23236x128xf32, #tpu.memory_space<hbm>>) target(%dma_start3A_193 : memref<32x128xf32, #tpu.memory_space<vmem>>) offsets(%dma_start3A_195 : memref<32xi32, #tpu.memory_space<vmem>>) semaphore(%arg12 : memref<!tpu.dma_semaphore, #tpu.memory_space<semaphore_mem>>)
    %dma_start3A_199 = arith.constant 0 : i32
    %dma_start3A_200 = arith.constant 1408 : i32
    %dma_start3A_201 = tpu.memref_slice %arg8[%dma_start3A_199, %dma_start3A_200] : memref<32x1728xf32, #tpu.memory_space<vmem>> -> memref<32x128xf32, #tpu.memory_space<vmem>>
    %dma_start3A_202 = arith.constant 32 : i32
    %dma_start3A_203 = tpu.memref_slice %arg6[%dma_start3A_202] : memref<512xi32, #tpu.memory_space<vmem>> -> memref<32xi32, #tpu.memory_space<vmem>>
    %dma_start3A_204 = arith.constant 0 : i32
    %dma_start3A_205 = arith.constant 1408 : i32
    %dma_start3A_206 = tpu.memref_slice %arg2[%dma_start3A_204, %dma_start3A_205] : memref<23236x1728xf32, #tpu.memory_space<hbm>> -> memref<23236x128xf32, #tpu.memory_space<hbm>>
    tpu.enqueue_indirect_dma source(%dma_start3A_206 : memref<23236x128xf32, #tpu.memory_space<hbm>>) target(%dma_start3A_201 : memref<32x128xf32, #tpu.memory_space<vmem>>) offsets(%dma_start3A_203 : memref<32xi32, #tpu.memory_space<vmem>>) semaphore(%arg12 : memref<!tpu.dma_semaphore, #tpu.memory_space<semaphore_mem>>)
    %dma_start3A_207 = arith.constant 0 : i32
    %dma_start3A_208 = arith.constant 1536 : i32
    %dma_start3A_209 = tpu.memref_slice %arg8[%dma_start3A_207, %dma_start3A_208] : memref<32x1728xf32, #tpu.memory_space<vmem>> -> memref<32x128xf32, #tpu.memory_space<vmem>>
    %dma_start3A_210 = arith.constant 32 : i32
    %dma_start3A_211 = tpu.memref_slice %arg6[%dma_start3A_210] : memref<512xi32, #tpu.memory_space<vmem>> -> memref<32xi32, #tpu.memory_space<vmem>>
    %dma_start3A_212 = arith.constant 0 : i32
    %dma_start3A_213 = arith.constant 1536 : i32
    %dma_start3A_214 = tpu.memref_slice %arg2[%dma_start3A_212, %dma_start3A_213] : memref<23236x1728xf32, #tpu.memory_space<hbm>> -> memref<23236x128xf32, #tpu.memory_space<hbm>>
    tpu.enqueue_indirect_dma source(%dma_start3A_214 : memref<23236x128xf32, #tpu.memory_space<hbm>>) target(%dma_start3A_209 : memref<32x128xf32, #tpu.memory_space<vmem>>) offsets(%dma_start3A_211 : memref<32xi32, #tpu.memory_space<vmem>>) semaphore(%arg12 : memref<!tpu.dma_semaphore, #tpu.memory_space<semaphore_mem>>)
    %dma_start3A_215 = arith.constant 32 : i32
    %dma_start3A_216 = tpu.memref_slice %arg6[%dma_start3A_215] : memref<512xi32, #tpu.memory_space<vmem>> -> memref<32xi32, #tpu.memory_space<vmem>>
    %dma_start3A_217 = arith.constant 0 : i32
    %dma_start3A_218 = arith.constant 0 : i32
    %dma_start3A_219 = tpu.memref_slice %arg3[%dma_start3A_217, %dma_start3A_218] : memref<23236x128xf32, #tpu.memory_space<hbm>> -> memref<23236x128xf32, #tpu.memory_space<hbm>>
    tpu.enqueue_indirect_dma source(%dma_start3A_219 : memref<23236x128xf32, #tpu.memory_space<hbm>>) target(%arg10 : memref<32x128xf32, #tpu.memory_space<vmem>>) offsets(%dma_start3A_216 : memref<32xi32, #tpu.memory_space<vmem>>) semaphore(%arg12 : memref<!tpu.dma_semaphore, #tpu.memory_space<semaphore_mem>>)
    %scan3A = arith.constant 0 : i32
    %scan3A_220 = arith.constant 0 : i32
    %scan3A_221 = arith.constant 8 : i32
    %scan3A_222 = arith.addi %scan3A_220, %scan3A_221 : i32
    %scan3A_223 = arith.constant 1 : i32
    scf.for %scan3A_225 = %scan3A_220 to %scan3A_222 step %scan3A_223  : i32 {
      %mul3A_226 = arith.constant 2 : i32
      %mul3A_227 = arith.muli %mul3A_226, %scan3A_225 : i32
      %mul3A_228 = arith.constant 32 : i32
      %mul3A_229 = arith.muli %mul3A_227, %mul3A_228 : i32
      %dma_wait3A = arith.constant 0 : i32
      %dma_wait3A_230 = arith.constant 0 : i32
      %dma_wait3A_231 = tpu.memref_slice %arg7[%dma_wait3A, %dma_wait3A_230] : memref<32x1728xf32, #tpu.memory_space<vmem>> -> memref<32x128xf32, #tpu.memory_space<vmem>>
      %dma_wait3A_232 = tpu.memref_slice %arg6[%mul3A_229] : memref<512xi32, #tpu.memory_space<vmem>> -> memref<32xi32, #tpu.memory_space<vmem>>
      %dma_wait3A_233 = arith.constant 0 : i32
      %dma_wait3A_234 = arith.constant 0 : i32
      %dma_wait3A_235 = tpu.memref_slice %arg2[%dma_wait3A_233, %dma_wait3A_234] : memref<23236x1728xf32, #tpu.memory_space<hbm>> -> memref<23236x128xf32, #tpu.memory_space<hbm>>
      tpu.wait_indirect_dma semaphore(%arg11 : memref<!tpu.dma_semaphore, #tpu.memory_space<semaphore_mem>>) src(%dma_wait3A_235 : memref<23236x128xf32, #tpu.memory_space<hbm>>) dst(%dma_wait3A_231 : memref<32x128xf32, #tpu.memory_space<vmem>>)
      %dma_wait3A_236 = arith.constant 0 : i32
      %dma_wait3A_237 = arith.constant 128 : i32
      %dma_wait3A_238 = tpu.memref_slice %arg7[%dma_wait3A_236, %dma_wait3A_237] : memref<32x1728xf32, #tpu.memory_space<vmem>> -> memref<32x128xf32, #tpu.memory_space<vmem>>
      %dma_wait3A_239 = tpu.memref_slice %arg6[%mul3A_229] : memref<512xi32, #tpu.memory_space<vmem>> -> memref<32xi32, #tpu.memory_space<vmem>>
      %dma_wait3A_240 = arith.constant 0 : i32
      %dma_wait3A_241 = arith.constant 128 : i32
      %dma_wait3A_242 = tpu.memref_slice %arg2[%dma_wait3A_240, %dma_wait3A_241] : memref<23236x1728xf32, #tpu.memory_space<hbm>> -> memref<23236x128xf32, #tpu.memory_space<hbm>>
      tpu.wait_indirect_dma semaphore(%arg11 : memref<!tpu.dma_semaphore, #tpu.memory_space<semaphore_mem>>) src(%dma_wait3A_242 : memref<23236x128xf32, #tpu.memory_space<hbm>>) dst(%dma_wait3A_238 : memref<32x128xf32, #tpu.memory_space<vmem>>)
      %dma_wait3A_243 = arith.constant 0 : i32
      %dma_wait3A_244 = arith.constant 256 : i32
      %dma_wait3A_245 = tpu.memref_slice %arg7[%dma_wait3A_243, %dma_wait3A_244] : memref<32x1728xf32, #tpu.memory_space<vmem>> -> memref<32x128xf32, #tpu.memory_space<vmem>>
      %dma_wait3A_246 = tpu.memref_slice %arg6[%mul3A_229] : memref<512xi32, #tpu.memory_space<vmem>> -> memref<32xi32, #tpu.memory_space<vmem>>
      %dma_wait3A_247 = arith.constant 0 : i32
      %dma_wait3A_248 = arith.constant 256 : i32
      %dma_wait3A_249 = tpu.memref_slice %arg2[%dma_wait3A_247, %dma_wait3A_248] : memref<23236x1728xf32, #tpu.memory_space<hbm>> -> memref<23236x128xf32, #tpu.memory_space<hbm>>
      tpu.wait_indirect_dma semaphore(%arg11 : memref<!tpu.dma_semaphore, #tpu.memory_space<semaphore_mem>>) src(%dma_wait3A_249 : memref<23236x128xf32, #tpu.memory_space<hbm>>) dst(%dma_wait3A_245 : memref<32x128xf32, #tpu.memory_space<vmem>>)
      %dma_wait3A_250 = arith.constant 0 : i32
      %dma_wait3A_251 = arith.constant 384 : i32
      %dma_wait3A_252 = tpu.memref_slice %arg7[%dma_wait3A_250, %dma_wait3A_251] : memref<32x1728xf32, #tpu.memory_space<vmem>> -> memref<32x128xf32, #tpu.memory_space<vmem>>
      %dma_wait3A_253 = tpu.memref_slice %arg6[%mul3A_229] : memref<512xi32, #tpu.memory_space<vmem>> -> memref<32xi32, #tpu.memory_space<vmem>>
      %dma_wait3A_254 = arith.constant 0 : i32
      %dma_wait3A_255 = arith.constant 384 : i32
      %dma_wait3A_256 = tpu.memref_slice %arg2[%dma_wait3A_254, %dma_wait3A_255] : memref<23236x1728xf32, #tpu.memory_space<hbm>> -> memref<23236x128xf32, #tpu.memory_space<hbm>>
      tpu.wait_indirect_dma semaphore(%arg11 : memref<!tpu.dma_semaphore, #tpu.memory_space<semaphore_mem>>) src(%dma_wait3A_256 : memref<23236x128xf32, #tpu.memory_space<hbm>>) dst(%dma_wait3A_252 : memref<32x128xf32, #tpu.memory_space<vmem>>)
      %dma_wait3A_257 = arith.constant 0 : i32
      %dma_wait3A_258 = arith.constant 512 : i32
      %dma_wait3A_259 = tpu.memref_slice %arg7[%dma_wait3A_257, %dma_wait3A_258] : memref<32x1728xf32, #tpu.memory_space<vmem>> -> memref<32x128xf32, #tpu.memory_space<vmem>>
      %dma_wait3A_260 = tpu.memref_slice %arg6[%mul3A_229] : memref<512xi32, #tpu.memory_space<vmem>> -> memref<32xi32, #tpu.memory_space<vmem>>
      %dma_wait3A_261 = arith.constant 0 : i32
      %dma_wait3A_262 = arith.constant 512 : i32
      %dma_wait3A_263 = tpu.memref_slice %arg2[%dma_wait3A_261, %dma_wait3A_262] : memref<23236x1728xf32, #tpu.memory_space<hbm>> -> memref<23236x128xf32, #tpu.memory_space<hbm>>
      tpu.wait_indirect_dma semaphore(%arg11 : memref<!tpu.dma_semaphore, #tpu.memory_space<semaphore_mem>>) src(%dma_wait3A_263 : memref<23236x128xf32, #tpu.memory_space<hbm>>) dst(%dma_wait3A_259 : memref<32x128xf32, #tpu.memory_space<vmem>>)
      %dma_wait3A_264 = arith.constant 0 : i32
      %dma_wait3A_265 = arith.constant 640 : i32
      %dma_wait3A_266 = tpu.memref_slice %arg7[%dma_wait3A_264, %dma_wait3A_265] : memref<32x1728xf32, #tpu.memory_space<vmem>> -> memref<32x128xf32, #tpu.memory_space<vmem>>
      %dma_wait3A_267 = tpu.memref_slice %arg6[%mul3A_229] : memref<512xi32, #tpu.memory_space<vmem>> -> memref<32xi32, #tpu.memory_space<vmem>>
      %dma_wait3A_268 = arith.constant 0 : i32
      %dma_wait3A_269 = arith.constant 640 : i32
      %dma_wait3A_270 = tpu.memref_slice %arg2[%dma_wait3A_268, %dma_wait3A_269] : memref<23236x1728xf32, #tpu.memory_space<hbm>> -> memref<23236x128xf32, #tpu.memory_space<hbm>>
      tpu.wait_indirect_dma semaphore(%arg11 : memref<!tpu.dma_semaphore, #tpu.memory_space<semaphore_mem>>) src(%dma_wait3A_270 : memref<23236x128xf32, #tpu.memory_space<hbm>>) dst(%dma_wait3A_266 : memref<32x128xf32, #tpu.memory_space<vmem>>)
      %dma_wait3A_271 = arith.constant 0 : i32
      %dma_wait3A_272 = arith.constant 768 : i32
      %dma_wait3A_273 = tpu.memref_slice %arg7[%dma_wait3A_271, %dma_wait3A_272] : memref<32x1728xf32, #tpu.memory_space<vmem>> -> memref<32x128xf32, #tpu.memory_space<vmem>>
      %dma_wait3A_274 = tpu.memref_slice %arg6[%mul3A_229] : memref<512xi32, #tpu.memory_space<vmem>> -> memref<32xi32, #tpu.memory_space<vmem>>
      %dma_wait3A_275 = arith.constant 0 : i32
      %dma_wait3A_276 = arith.constant 768 : i32
      %dma_wait3A_277 = tpu.memref_slice %arg2[%dma_wait3A_275, %dma_wait3A_276] : memref<23236x1728xf32, #tpu.memory_space<hbm>> -> memref<23236x128xf32, #tpu.memory_space<hbm>>
      tpu.wait_indirect_dma semaphore(%arg11 : memref<!tpu.dma_semaphore, #tpu.memory_space<semaphore_mem>>) src(%dma_wait3A_277 : memref<23236x128xf32, #tpu.memory_space<hbm>>) dst(%dma_wait3A_273 : memref<32x128xf32, #tpu.memory_space<vmem>>)
      %dma_wait3A_278 = arith.constant 0 : i32
      %dma_wait3A_279 = arith.constant 896 : i32
      %dma_wait3A_280 = tpu.memref_slice %arg7[%dma_wait3A_278, %dma_wait3A_279] : memref<32x1728xf32, #tpu.memory_space<vmem>> -> memref<32x128xf32, #tpu.memory_space<vmem>>
      %dma_wait3A_281 = tpu.memref_slice %arg6[%mul3A_229] : memref<512xi32, #tpu.memory_space<vmem>> -> memref<32xi32, #tpu.memory_space<vmem>>
      %dma_wait3A_282 = arith.constant 0 : i32
      %dma_wait3A_283 = arith.constant 896 : i32
      %dma_wait3A_284 = tpu.memref_slice %arg2[%dma_wait3A_282, %dma_wait3A_283] : memref<23236x1728xf32, #tpu.memory_space<hbm>> -> memref<23236x128xf32, #tpu.memory_space<hbm>>
      tpu.wait_indirect_dma semaphore(%arg11 : memref<!tpu.dma_semaphore, #tpu.memory_space<semaphore_mem>>) src(%dma_wait3A_284 : memref<23236x128xf32, #tpu.memory_space<hbm>>) dst(%dma_wait3A_280 : memref<32x128xf32, #tpu.memory_space<vmem>>)
      %dma_wait3A_285 = arith.constant 0 : i32
      %dma_wait3A_286 = arith.constant 1024 : i32
      %dma_wait3A_287 = tpu.memref_slice %arg7[%dma_wait3A_285, %dma_wait3A_286] : memref<32x1728xf32, #tpu.memory_space<vmem>> -> memref<32x128xf32, #tpu.memory_space<vmem>>
      %dma_wait3A_288 = tpu.memref_slice %arg6[%mul3A_229] : memref<512xi32, #tpu.memory_space<vmem>> -> memref<32xi32, #tpu.memory_space<vmem>>
      %dma_wait3A_289 = arith.constant 0 : i32
      %dma_wait3A_290 = arith.constant 1024 : i32
      %dma_wait3A_291 = tpu.memref_slice %arg2[%dma_wait3A_289, %dma_wait3A_290] : memref<23236x1728xf32, #tpu.memory_space<hbm>> -> memref<23236x128xf32, #tpu.memory_space<hbm>>
      tpu.wait_indirect_dma semaphore(%arg11 : memref<!tpu.dma_semaphore, #tpu.memory_space<semaphore_mem>>) src(%dma_wait3A_291 : memref<23236x128xf32, #tpu.memory_space<hbm>>) dst(%dma_wait3A_287 : memref<32x128xf32, #tpu.memory_space<vmem>>)
      %dma_wait3A_292 = arith.constant 0 : i32
      %dma_wait3A_293 = arith.constant 1152 : i32
      %dma_wait3A_294 = tpu.memref_slice %arg7[%dma_wait3A_292, %dma_wait3A_293] : memref<32x1728xf32, #tpu.memory_space<vmem>> -> memref<32x128xf32, #tpu.memory_space<vmem>>
      %dma_wait3A_295 = tpu.memref_slice %arg6[%mul3A_229] : memref<512xi32, #tpu.memory_space<vmem>> -> memref<32xi32, #tpu.memory_space<vmem>>
      %dma_wait3A_296 = arith.constant 0 : i32
      %dma_wait3A_297 = arith.constant 1152 : i32
      %dma_wait3A_298 = tpu.memref_slice %arg2[%dma_wait3A_296, %dma_wait3A_297] : memref<23236x1728xf32, #tpu.memory_space<hbm>> -> memref<23236x128xf32, #tpu.memory_space<hbm>>
      tpu.wait_indirect_dma semaphore(%arg11 : memref<!tpu.dma_semaphore, #tpu.memory_space<semaphore_mem>>) src(%dma_wait3A_298 : memref<23236x128xf32, #tpu.memory_space<hbm>>) dst(%dma_wait3A_294 : memref<32x128xf32, #tpu.memory_space<vmem>>)
      %dma_wait3A_299 = arith.constant 0 : i32
      %dma_wait3A_300 = arith.constant 1280 : i32
      %dma_wait3A_301 = tpu.memref_slice %arg7[%dma_wait3A_299, %dma_wait3A_300] : memref<32x1728xf32, #tpu.memory_space<vmem>> -> memref<32x128xf32, #tpu.memory_space<vmem>>
      %dma_wait3A_302 = tpu.memref_slice %arg6[%mul3A_229] : memref<512xi32, #tpu.memory_space<vmem>> -> memref<32xi32, #tpu.memory_space<vmem>>
      %dma_wait3A_303 = arith.constant 0 : i32
      %dma_wait3A_304 = arith.constant 1280 : i32
      %dma_wait3A_305 = tpu.memref_slice %arg2[%dma_wait3A_303, %dma_wait3A_304] : memref<23236x1728xf32, #tpu.memory_space<hbm>> -> memref<23236x128xf32, #tpu.memory_space<hbm>>
      tpu.wait_indirect_dma semaphore(%arg11 : memref<!tpu.dma_semaphore, #tpu.memory_space<semaphore_mem>>) src(%dma_wait3A_305 : memref<23236x128xf32, #tpu.memory_space<hbm>>) dst(%dma_wait3A_301 : memref<32x128xf32, #tpu.memory_space<vmem>>)
      %dma_wait3A_306 = arith.constant 0 : i32
      %dma_wait3A_307 = arith.constant 1408 : i32
      %dma_wait3A_308 = tpu.memref_slice %arg7[%dma_wait3A_306, %dma_wait3A_307] : memref<32x1728xf32, #tpu.memory_space<vmem>> -> memref<32x128xf32, #tpu.memory_space<vmem>>
      %dma_wait3A_309 = tpu.memref_slice %arg6[%mul3A_229] : memref<512xi32, #tpu.memory_space<vmem>> -> memref<32xi32, #tpu.memory_space<vmem>>
      %dma_wait3A_310 = arith.constant 0 : i32
      %dma_wait3A_311 = arith.constant 1408 : i32
      %dma_wait3A_312 = tpu.memref_slice %arg2[%dma_wait3A_310, %dma_wait3A_311] : memref<23236x1728xf32, #tpu.memory_space<hbm>> -> memref<23236x128xf32, #tpu.memory_space<hbm>>
      tpu.wait_indirect_dma semaphore(%arg11 : memref<!tpu.dma_semaphore, #tpu.memory_space<semaphore_mem>>) src(%dma_wait3A_312 : memref<23236x128xf32, #tpu.memory_space<hbm>>) dst(%dma_wait3A_308 : memref<32x128xf32, #tpu.memory_space<vmem>>)
      %dma_wait3A_313 = arith.constant 0 : i32
      %dma_wait3A_314 = arith.constant 1536 : i32
      %dma_wait3A_315 = tpu.memref_slice %arg7[%dma_wait3A_313, %dma_wait3A_314] : memref<32x1728xf32, #tpu.memory_space<vmem>> -> memref<32x128xf32, #tpu.memory_space<vmem>>
      %dma_wait3A_316 = tpu.memref_slice %arg6[%mul3A_229] : memref<512xi32, #tpu.memory_space<vmem>> -> memref<32xi32, #tpu.memory_space<vmem>>
      %dma_wait3A_317 = arith.constant 0 : i32
      %dma_wait3A_318 = arith.constant 1536 : i32
      %dma_wait3A_319 = tpu.memref_slice %arg2[%dma_wait3A_317, %dma_wait3A_318] : memref<23236x1728xf32, #tpu.memory_space<hbm>> -> memref<23236x128xf32, #tpu.memory_space<hbm>>
      tpu.wait_indirect_dma semaphore(%arg11 : memref<!tpu.dma_semaphore, #tpu.memory_space<semaphore_mem>>) src(%dma_wait3A_319 : memref<23236x128xf32, #tpu.memory_space<hbm>>) dst(%dma_wait3A_315 : memref<32x128xf32, #tpu.memory_space<vmem>>)
      %dma_wait3A_320 = tpu.memref_slice %arg6[%mul3A_229] : memref<512xi32, #tpu.memory_space<vmem>> -> memref<32xi32, #tpu.memory_space<vmem>>
      %dma_wait3A_321 = arith.constant 0 : i32
      %dma_wait3A_322 = arith.constant 0 : i32
      %dma_wait3A_323 = tpu.memref_slice %arg3[%dma_wait3A_321, %dma_wait3A_322] : memref<23236x128xf32, #tpu.memory_space<hbm>> -> memref<23236x128xf32, #tpu.memory_space<hbm>>
      tpu.wait_indirect_dma semaphore(%arg11 : memref<!tpu.dma_semaphore, #tpu.memory_space<semaphore_mem>>) src(%dma_wait3A_323 : memref<23236x128xf32, #tpu.memory_space<hbm>>) dst(%arg9 : memref<32x128xf32, #tpu.memory_space<vmem>>)
      %scan3A_324 = arith.constant 0 : i32
      %scan3A_325 = arith.constant 0 : i32
      %scan3A_326 = arith.constant 32 : i32
      %scan3A_327 = arith.addi %scan3A_325, %scan3A_326 : i32
      %scan3A_328 = arith.constant 1 : i32
      scf.for %scan3A_454 = %scan3A_325 to %scan3A_327 step %scan3A_328  : i32 {
        %get3A = arith.index_cast %scan3A_454 : i32 to index
        %get3A_455 = arith.constant 0 : index
        %get3A_456 = tpu.vector_load %arg9[%get3A, %get3A_455] {strides = array<i32>} : memref<32x128xf32, #tpu.memory_space<vmem>>, vector<1x16xf32>,
        %get3A_457 = vector.shape_cast %get3A_456 : vector<1x16xf32> to vector<16xf32>
        %swap3A = arith.index_cast %scan3A_454 : i32 to index
        %swap3A_458 = arith.constant 1664 : index
        %swap3A_459 = tpu.vector_load %arg7[%swap3A, %swap3A_458] {strides = array<i32>} : memref<32x1728xf32, #tpu.memory_space<vmem>>, vector<1x16xf32>,
        %swap3A_460 = vector.shape_cast %swap3A_459 : vector<1x16xf32> to vector<16xf32>
        %swap3A_461 = vector.shape_cast %get3A_457 : vector<16xf32> to vector<1x16xf32>
        tpu.vector_store %arg7[%swap3A, %swap3A_458], %swap3A_461 {strides = array<i32>} : memref<32x1728xf32, #tpu.memory_space<vmem>>, vector<1x16xf32>,
        %get3A_462 = arith.index_cast %scan3A_454 : i32 to index
        %get3A_463 = arith.constant 16 : index
        %get3A_464 = tpu.vector_load %arg9[%get3A_462, %get3A_463] {strides = array<i32>} : memref<32x128xf32, #tpu.memory_space<vmem>>, vector<1x16xf32>,
        %get3A_465 = vector.shape_cast %get3A_464 : vector<1x16xf32> to vector<16xf32>
        %swap3A_466 = arith.index_cast %scan3A_454 : i32 to index
        %swap3A_467 = arith.constant 1680 : index
        %swap3A_468 = tpu.vector_load %arg7[%swap3A_466, %swap3A_467] {strides = array<i32>} : memref<32x1728xf32, #tpu.memory_space<vmem>>, vector<1x16xf32>,
        %swap3A_469 = vector.shape_cast %swap3A_468 : vector<1x16xf32> to vector<16xf32>
        %swap3A_470 = vector.shape_cast %get3A_465 : vector<16xf32> to vector<1x16xf32>
        tpu.vector_store %arg7[%swap3A_466, %swap3A_467], %swap3A_470 {strides = array<i32>} : memref<32x1728xf32, #tpu.memory_space<vmem>>, vector<1x16xf32>,
        %get3A_471 = arith.index_cast %scan3A_454 : i32 to index
        %get3A_472 = arith.constant 32 : index
        %get3A_473 = tpu.vector_load %arg9[%get3A_471, %get3A_472] {strides = array<i32>} : memref<32x128xf32, #tpu.memory_space<vmem>>, vector<1x16xf32>,
        %get3A_474 = vector.shape_cast %get3A_473 : vector<1x16xf32> to vector<16xf32>
        %swap3A_475 = arith.index_cast %scan3A_454 : i32 to index
        %swap3A_476 = arith.constant 1696 : index
        %swap3A_477 = tpu.vector_load %arg7[%swap3A_475, %swap3A_476] {strides = array<i32>} : memref<32x1728xf32, #tpu.memory_space<vmem>>, vector<1x16xf32>,
        %swap3A_478 = vector.shape_cast %swap3A_477 : vector<1x16xf32> to vector<16xf32>
        %swap3A_479 = vector.shape_cast %get3A_474 : vector<16xf32> to vector<1x16xf32>
        tpu.vector_store %arg7[%swap3A_475, %swap3A_476], %swap3A_479 {strides = array<i32>} : memref<32x1728xf32, #tpu.memory_space<vmem>>, vector<1x16xf32>,
        %get3A_480 = arith.index_cast %scan3A_454 : i32 to index
        %get3A_481 = arith.constant 48 : index
        %get3A_482 = tpu.vector_load %arg9[%get3A_480, %get3A_481] {strides = array<i32>} : memref<32x128xf32, #tpu.memory_space<vmem>>, vector<1x16xf32>,
        %get3A_483 = vector.shape_cast %get3A_482 : vector<1x16xf32> to vector<16xf32>
        %swap3A_484 = arith.index_cast %scan3A_454 : i32 to index
        %swap3A_485 = arith.constant 1712 : index
        %swap3A_486 = tpu.vector_load %arg7[%swap3A_484, %swap3A_485] {strides = array<i32>} : memref<32x1728xf32, #tpu.memory_space<vmem>>, vector<1x16xf32>,
        %swap3A_487 = vector.shape_cast %swap3A_486 : vector<1x16xf32> to vector<16xf32>
        %swap3A_488 = vector.shape_cast %get3A_483 : vector<16xf32> to vector<1x16xf32>
        tpu.vector_store %arg7[%swap3A_484, %swap3A_485], %swap3A_488 {strides = array<i32>} : memref<32x1728xf32, #tpu.memory_space<vmem>>, vector<1x16xf32>,
      }
      %scan3A_329 = arith.constant 32 : i32
      %mul3A_330 = arith.constant 32 : i32
      %mul3A_331 = arith.muli %mul3A_227, %mul3A_330 : i32
      %add3A_332 = arith.addi %mul3A_2, %mul3A_331 : i32
      "tpu.region"() ({
        %run_scoped3A = tpu.sem_alloc : memref<!tpu.dma_semaphore, #tpu.memory_space<semaphore_mem>>
        %dma_start3A_454 = arith.constant 0 : i32
        %dma_start3A_455 = tpu.memref_slice %arg5[%add3A_332, %dma_start3A_454] : memref<16384x1728xf32, #tpu.memory_space<hbm>> -> memref<32x1728xf32, #tpu.memory_space<hbm>>
        %dma_start3A_456 = arith.constant 0 : i32
        %dma_start3A_457 = tpu.memref_slice %arg5[%add3A_332, %dma_start3A_456] : memref<16384x1728xf32, #tpu.memory_space<hbm>> -> memref<32x1728xf32, #tpu.memory_space<hbm>>
        tpu.enqueue_dma source(%arg7 : memref<32x1728xf32, #tpu.memory_space<vmem>>) target(%dma_start3A_457 : memref<32x1728xf32, #tpu.memory_space<hbm>>) target_semaphore(%run_scoped3A : memref<!tpu.dma_semaphore, #tpu.memory_space<semaphore_mem>>)
        %dma_wait3A_458 = arith.constant 0 : i32
        %dma_wait3A_459 = tpu.memref_slice %arg5[%add3A_332, %dma_wait3A_458] : memref<16384x1728xf32, #tpu.memory_space<hbm>> -> memref<32x1728xf32, #tpu.memory_space<hbm>>
        %dma_wait3A_460 = arith.constant 0 : i32
        %dma_wait3A_461 = tpu.memref_slice %arg5[%add3A_332, %dma_wait3A_460] : memref<16384x1728xf32, #tpu.memory_space<hbm>> -> memref<32x1728xf32, #tpu.memory_space<hbm>>
        tpu.wait_dma2 semaphore(%run_scoped3A : memref<!tpu.dma_semaphore, #tpu.memory_space<semaphore_mem>>) src(%arg7 : memref<32x1728xf32, #tpu.memory_space<vmem>>) dst(%dma_wait3A_461 : memref<32x1728xf32, #tpu.memory_space<hbm>>)
        tpu.yield
      }) : () -> ()
      %add3A_333 = arith.constant 2 : i32
      %add3A_334 = arith.addi %mul3A_227, %add3A_333 : i32
      %lt3A = arith.constant 16 : i32
      %lt3A_335 = arith.cmpi slt, %add3A_334, %lt3A : i32
      %convert_element_type3A = arith.extui %lt3A_335 : i1 to i32
      %cond3A = arith.constant 0 : i32
      %cond3A_336 = arith.cmpi ne, %convert_element_type3A, %cond3A : i32
      scf.if %cond3A_336 {
        %add3A_454 = arith.constant 2 : i32
        %add3A_455 = arith.addi %mul3A_227, %add3A_454 : i32
        %mul3A_456 = arith.constant 32 : i32
        %mul3A_457 = arith.muli %add3A_455, %mul3A_456 : i32
        %dma_start3A_458 = arith.constant 0 : i32
        %dma_start3A_459 = arith.constant 0 : i32
        %dma_start3A_460 = tpu.memref_slice %arg7[%dma_start3A_458, %dma_start3A_459] : memref<32x1728xf32, #tpu.memory_space<vmem>> -> memref<32x128xf32, #tpu.memory_space<vmem>>
        %dma_start3A_461 = tpu.memref_slice %arg6[%mul3A_457] : memref<512xi32, #tpu.memory_space<vmem>> -> memref<32xi32, #tpu.memory_space<vmem>>
        %dma_start3A_462 = arith.constant 0 : i32
        %dma_start3A_463 = arith.constant 0 : i32
        %dma_start3A_464 = tpu.memref_slice %arg2[%dma_start3A_462, %dma_start3A_463] : memref<23236x1728xf32, #tpu.memory_space<hbm>> -> memref<23236x128xf32, #tpu.memory_space<hbm>>
        tpu.enqueue_indirect_dma source(%dma_start3A_464 : memref<23236x128xf32, #tpu.memory_space<hbm>>) target(%dma_start3A_460 : memref<32x128xf32, #tpu.memory_space<vmem>>) offsets(%dma_start3A_461 : memref<32xi32, #tpu.memory_space<vmem>>) semaphore(%arg11 : memref<!tpu.dma_semaphore, #tpu.memory_space<semaphore_mem>>)
        %dma_start3A_465 = arith.constant 0 : i32
        %dma_start3A_466 = arith.constant 128 : i32
        %dma_start3A_467 = tpu.memref_slice %arg7[%dma_start3A_465, %dma_start3A_466] : memref<32x1728xf32, #tpu.memory_space<vmem>> -> memref<32x128xf32, #tpu.memory_space<vmem>>
        %dma_start3A_468 = tpu.memref_slice %arg6[%mul3A_457] : memref<512xi32, #tpu.memory_space<vmem>> -> memref<32xi32, #tpu.memory_space<vmem>>
        %dma_start3A_469 = arith.constant 0 : i32
        %dma_start3A_470 = arith.constant 128 : i32
        %dma_start3A_471 = tpu.memref_slice %arg2[%dma_start3A_469, %dma_start3A_470] : memref<23236x1728xf32, #tpu.memory_space<hbm>> -> memref<23236x128xf32, #tpu.memory_space<hbm>>
        tpu.enqueue_indirect_dma source(%dma_start3A_471 : memref<23236x128xf32, #tpu.memory_space<hbm>>) target(%dma_start3A_467 : memref<32x128xf32, #tpu.memory_space<vmem>>) offsets(%dma_start3A_468 : memref<32xi32, #tpu.memory_space<vmem>>) semaphore(%arg11 : memref<!tpu.dma_semaphore, #tpu.memory_space<semaphore_mem>>)
        %dma_start3A_472 = arith.constant 0 : i32
        %dma_start3A_473 = arith.constant 256 : i32
        %dma_start3A_474 = tpu.memref_slice %arg7[%dma_start3A_472, %dma_start3A_473] : memref<32x1728xf32, #tpu.memory_space<vmem>> -> memref<32x128xf32, #tpu.memory_space<vmem>>
        %dma_start3A_475 = tpu.memref_slice %arg6[%mul3A_457] : memref<512xi32, #tpu.memory_space<vmem>> -> memref<32xi32, #tpu.memory_space<vmem>>
        %dma_start3A_476 = arith.constant 0 : i32
        %dma_start3A_477 = arith.constant 256 : i32
        %dma_start3A_478 = tpu.memref_slice %arg2[%dma_start3A_476, %dma_start3A_477] : memref<23236x1728xf32, #tpu.memory_space<hbm>> -> memref<23236x128xf32, #tpu.memory_space<hbm>>
        tpu.enqueue_indirect_dma source(%dma_start3A_478 : memref<23236x128xf32, #tpu.memory_space<hbm>>) target(%dma_start3A_474 : memref<32x128xf32, #tpu.memory_space<vmem>>) offsets(%dma_start3A_475 : memref<32xi32, #tpu.memory_space<vmem>>) semaphore(%arg11 : memref<!tpu.dma_semaphore, #tpu.memory_space<semaphore_mem>>)
        %dma_start3A_479 = arith.constant 0 : i32
        %dma_start3A_480 = arith.constant 384 : i32
        %dma_start3A_481 = tpu.memref_slice %arg7[%dma_start3A_479, %dma_start3A_480] : memref<32x1728xf32, #tpu.memory_space<vmem>> -> memref<32x128xf32, #tpu.memory_space<vmem>>
        %dma_start3A_482 = tpu.memref_slice %arg6[%mul3A_457] : memref<512xi32, #tpu.memory_space<vmem>> -> memref<32xi32, #tpu.memory_space<vmem>>
        %dma_start3A_483 = arith.constant 0 : i32
        %dma_start3A_484 = arith.constant 384 : i32
        %dma_start3A_485 = tpu.memref_slice %arg2[%dma_start3A_483, %dma_start3A_484] : memref<23236x1728xf32, #tpu.memory_space<hbm>> -> memref<23236x128xf32, #tpu.memory_space<hbm>>
        tpu.enqueue_indirect_dma source(%dma_start3A_485 : memref<23236x128xf32, #tpu.memory_space<hbm>>) target(%dma_start3A_481 : memref<32x128xf32, #tpu.memory_space<vmem>>) offsets(%dma_start3A_482 : memref<32xi32, #tpu.memory_space<vmem>>) semaphore(%arg11 : memref<!tpu.dma_semaphore, #tpu.memory_space<semaphore_mem>>)
        %dma_start3A_486 = arith.constant 0 : i32
        %dma_start3A_487 = arith.constant 512 : i32
        %dma_start3A_488 = tpu.memref_slice %arg7[%dma_start3A_486, %dma_start3A_487] : memref<32x1728xf32, #tpu.memory_space<vmem>> -> memref<32x128xf32, #tpu.memory_space<vmem>>
        %dma_start3A_489 = tpu.memref_slice %arg6[%mul3A_457] : memref<512xi32, #tpu.memory_space<vmem>> -> memref<32xi32, #tpu.memory_space<vmem>>
        %dma_start3A_490 = arith.constant 0 : i32
        %dma_start3A_491 = arith.constant 512 : i32
        %dma_start3A_492 = tpu.memref_slice %arg2[%dma_start3A_490, %dma_start3A_491] : memref<23236x1728xf32, #tpu.memory_space<hbm>> -> memref<23236x128xf32, #tpu.memory_space<hbm>>
        tpu.enqueue_indirect_dma source(%dma_start3A_492 : memref<23236x128xf32, #tpu.memory_space<hbm>>) target(%dma_start3A_488 : memref<32x128xf32, #tpu.memory_space<vmem>>) offsets(%dma_start3A_489 : memref<32xi32, #tpu.memory_space<vmem>>) semaphore(%arg11 : memref<!tpu.dma_semaphore, #tpu.memory_space<semaphore_mem>>)
        %dma_start3A_493 = arith.constant 0 : i32
        %dma_start3A_494 = arith.constant 640 : i32
        %dma_start3A_495 = tpu.memref_slice %arg7[%dma_start3A_493, %dma_start3A_494] : memref<32x1728xf32, #tpu.memory_space<vmem>> -> memref<32x128xf32, #tpu.memory_space<vmem>>
        %dma_start3A_496 = tpu.memref_slice %arg6[%mul3A_457] : memref<512xi32, #tpu.memory_space<vmem>> -> memref<32xi32, #tpu.memory_space<vmem>>
        %dma_start3A_497 = arith.constant 0 : i32
        %dma_start3A_498 = arith.constant 640 : i32
        %dma_start3A_499 = tpu.memref_slice %arg2[%dma_start3A_497, %dma_start3A_498] : memref<23236x1728xf32, #tpu.memory_space<hbm>> -> memref<23236x128xf32, #tpu.memory_space<hbm>>
        tpu.enqueue_indirect_dma source(%dma_start3A_499 : memref<23236x128xf32, #tpu.memory_space<hbm>>) target(%dma_start3A_495 : memref<32x128xf32, #tpu.memory_space<vmem>>) offsets(%dma_start3A_496 : memref<32xi32, #tpu.memory_space<vmem>>) semaphore(%arg11 : memref<!tpu.dma_semaphore, #tpu.memory_space<semaphore_mem>>)
        %dma_start3A_500 = arith.constant 0 : i32
        %dma_start3A_501 = arith.constant 768 : i32
        %dma_start3A_502 = tpu.memref_slice %arg7[%dma_start3A_500, %dma_start3A_501] : memref<32x1728xf32, #tpu.memory_space<vmem>> -> memref<32x128xf32, #tpu.memory_space<vmem>>
        %dma_start3A_503 = tpu.memref_slice %arg6[%mul3A_457] : memref<512xi32, #tpu.memory_space<vmem>> -> memref<32xi32, #tpu.memory_space<vmem>>
        %dma_start3A_504 = arith.constant 0 : i32
        %dma_start3A_505 = arith.constant 768 : i32
        %dma_start3A_506 = tpu.memref_slice %arg2[%dma_start3A_504, %dma_start3A_505] : memref<23236x1728xf32, #tpu.memory_space<hbm>> -> memref<23236x128xf32, #tpu.memory_space<hbm>>
        tpu.enqueue_indirect_dma source(%dma_start3A_506 : memref<23236x128xf32, #tpu.memory_space<hbm>>) target(%dma_start3A_502 : memref<32x128xf32, #tpu.memory_space<vmem>>) offsets(%dma_start3A_503 : memref<32xi32, #tpu.memory_space<vmem>>) semaphore(%arg11 : memref<!tpu.dma_semaphore, #tpu.memory_space<semaphore_mem>>)
        %dma_start3A_507 = arith.constant 0 : i32
        %dma_start3A_508 = arith.constant 896 : i32
        %dma_start3A_509 = tpu.memref_slice %arg7[%dma_start3A_507, %dma_start3A_508] : memref<32x1728xf32, #tpu.memory_space<vmem>> -> memref<32x128xf32, #tpu.memory_space<vmem>>
        %dma_start3A_510 = tpu.memref_slice %arg6[%mul3A_457] : memref<512xi32, #tpu.memory_space<vmem>> -> memref<32xi32, #tpu.memory_space<vmem>>
        %dma_start3A_511 = arith.constant 0 : i32
        %dma_start3A_512 = arith.constant 896 : i32
        %dma_start3A_513 = tpu.memref_slice %arg2[%dma_start3A_511, %dma_start3A_512] : memref<23236x1728xf32, #tpu.memory_space<hbm>> -> memref<23236x128xf32, #tpu.memory_space<hbm>>
        tpu.enqueue_indirect_dma source(%dma_start3A_513 : memref<23236x128xf32, #tpu.memory_space<hbm>>) target(%dma_start3A_509 : memref<32x128xf32, #tpu.memory_space<vmem>>) offsets(%dma_start3A_510 : memref<32xi32, #tpu.memory_space<vmem>>) semaphore(%arg11 : memref<!tpu.dma_semaphore, #tpu.memory_space<semaphore_mem>>)
        %dma_start3A_514 = arith.constant 0 : i32
        %dma_start3A_515 = arith.constant 1024 : i32
        %dma_start3A_516 = tpu.memref_slice %arg7[%dma_start3A_514, %dma_start3A_515] : memref<32x1728xf32, #tpu.memory_space<vmem>> -> memref<32x128xf32, #tpu.memory_space<vmem>>
        %dma_start3A_517 = tpu.memref_slice %arg6[%mul3A_457] : memref<512xi32, #tpu.memory_space<vmem>> -> memref<32xi32, #tpu.memory_space<vmem>>
        %dma_start3A_518 = arith.constant 0 : i32
        %dma_start3A_519 = arith.constant 1024 : i32
        %dma_start3A_520 = tpu.memref_slice %arg2[%dma_start3A_518, %dma_start3A_519] : memref<23236x1728xf32, #tpu.memory_space<hbm>> -> memref<23236x128xf32, #tpu.memory_space<hbm>>
        tpu.enqueue_indirect_dma source(%dma_start3A_520 : memref<23236x128xf32, #tpu.memory_space<hbm>>) target(%dma_start3A_516 : memref<32x128xf32, #tpu.memory_space<vmem>>) offsets(%dma_start3A_517 : memref<32xi32, #tpu.memory_space<vmem>>) semaphore(%arg11 : memref<!tpu.dma_semaphore, #tpu.memory_space<semaphore_mem>>)
        %dma_start3A_521 = arith.constant 0 : i32
        %dma_start3A_522 = arith.constant 1152 : i32
        %dma_start3A_523 = tpu.memref_slice %arg7[%dma_start3A_521, %dma_start3A_522] : memref<32x1728xf32, #tpu.memory_space<vmem>> -> memref<32x128xf32, #tpu.memory_space<vmem>>
        %dma_start3A_524 = tpu.memref_slice %arg6[%mul3A_457] : memref<512xi32, #tpu.memory_space<vmem>> -> memref<32xi32, #tpu.memory_space<vmem>>
        %dma_start3A_525 = arith.constant 0 : i32
        %dma_start3A_526 = arith.constant 1152 : i32
        %dma_start3A_527 = tpu.memref_slice %arg2[%dma_start3A_525, %dma_start3A_526] : memref<23236x1728xf32, #tpu.memory_space<hbm>> -> memref<23236x128xf32, #tpu.memory_space<hbm>>
        tpu.enqueue_indirect_dma source(%dma_start3A_527 : memref<23236x128xf32, #tpu.memory_space<hbm>>) target(%dma_start3A_523 : memref<32x128xf32, #tpu.memory_space<vmem>>) offsets(%dma_start3A_524 : memref<32xi32, #tpu.memory_space<vmem>>) semaphore(%arg11 : memref<!tpu.dma_semaphore, #tpu.memory_space<semaphore_mem>>)
        %dma_start3A_528 = arith.constant 0 : i32
        %dma_start3A_529 = arith.constant 1280 : i32
        %dma_start3A_530 = tpu.memref_slice %arg7[%dma_start3A_528, %dma_start3A_529] : memref<32x1728xf32, #tpu.memory_space<vmem>> -> memref<32x128xf32, #tpu.memory_space<vmem>>
        %dma_start3A_531 = tpu.memref_slice %arg6[%mul3A_457] : memref<512xi32, #tpu.memory_space<vmem>> -> memref<32xi32, #tpu.memory_space<vmem>>
        %dma_start3A_532 = arith.constant 0 : i32
        %dma_start3A_533 = arith.constant 1280 : i32
        %dma_start3A_534 = tpu.memref_slice %arg2[%dma_start3A_532, %dma_start3A_533] : memref<23236x1728xf32, #tpu.memory_space<hbm>> -> memref<23236x128xf32, #tpu.memory_space<hbm>>
        tpu.enqueue_indirect_dma source(%dma_start3A_534 : memref<23236x128xf32, #tpu.memory_space<hbm>>) target(%dma_start3A_530 : memref<32x128xf32, #tpu.memory_space<vmem>>) offsets(%dma_start3A_531 : memref<32xi32, #tpu.memory_space<vmem>>) semaphore(%arg11 : memref<!tpu.dma_semaphore, #tpu.memory_space<semaphore_mem>>)
        %dma_start3A_535 = arith.constant 0 : i32
        %dma_start3A_536 = arith.constant 1408 : i32
        %dma_start3A_537 = tpu.memref_slice %arg7[%dma_start3A_535, %dma_start3A_536] : memref<32x1728xf32, #tpu.memory_space<vmem>> -> memref<32x128xf32, #tpu.memory_space<vmem>>
        %dma_start3A_538 = tpu.memref_slice %arg6[%mul3A_457] : memref<512xi32, #tpu.memory_space<vmem>> -> memref<32xi32, #tpu.memory_space<vmem>>
        %dma_start3A_539 = arith.constant 0 : i32
        %dma_start3A_540 = arith.constant 1408 : i32
        %dma_start3A_541 = tpu.memref_slice %arg2[%dma_start3A_539, %dma_start3A_540] : memref<23236x1728xf32, #tpu.memory_space<hbm>> -> memref<23236x128xf32, #tpu.memory_space<hbm>>
        tpu.enqueue_indirect_dma source(%dma_start3A_541 : memref<23236x128xf32, #tpu.memory_space<hbm>>) target(%dma_start3A_537 : memref<32x128xf32, #tpu.memory_space<vmem>>) offsets(%dma_start3A_538 : memref<32xi32, #tpu.memory_space<vmem>>) semaphore(%arg11 : memref<!tpu.dma_semaphore, #tpu.memory_space<semaphore_mem>>)
        %dma_start3A_542 = arith.constant 0 : i32
        %dma_start3A_543 = arith.constant 1536 : i32
        %dma_start3A_544 = tpu.memref_slice %arg7[%dma_start3A_542, %dma_start3A_543] : memref<32x1728xf32, #tpu.memory_space<vmem>> -> memref<32x128xf32, #tpu.memory_space<vmem>>
        %dma_start3A_545 = tpu.memref_slice %arg6[%mul3A_457] : memref<512xi32, #tpu.memory_space<vmem>> -> memref<32xi32, #tpu.memory_space<vmem>>
        %dma_start3A_546 = arith.constant 0 : i32
        %dma_start3A_547 = arith.constant 1536 : i32
        %dma_start3A_548 = tpu.memref_slice %arg2[%dma_start3A_546, %dma_start3A_547] : memref<23236x1728xf32, #tpu.memory_space<hbm>> -> memref<23236x128xf32, #tpu.memory_space<hbm>>
        tpu.enqueue_indirect_dma source(%dma_start3A_548 : memref<23236x128xf32, #tpu.memory_space<hbm>>) target(%dma_start3A_544 : memref<32x128xf32, #tpu.memory_space<vmem>>) offsets(%dma_start3A_545 : memref<32xi32, #tpu.memory_space<vmem>>) semaphore(%arg11 : memref<!tpu.dma_semaphore, #tpu.memory_space<semaphore_mem>>)
        %dma_start3A_549 = tpu.memref_slice %arg6[%mul3A_457] : memref<512xi32, #tpu.memory_space<vmem>> -> memref<32xi32, #tpu.memory_space<vmem>>
        %dma_start3A_550 = arith.constant 0 : i32
        %dma_start3A_551 = arith.constant 0 : i32
        %dma_start3A_552 = tpu.memref_slice %arg3[%dma_start3A_550, %dma_start3A_551] : memref<23236x128xf32, #tpu.memory_space<hbm>> -> memref<23236x128xf32, #tpu.memory_space<hbm>>
        tpu.enqueue_indirect_dma source(%dma_start3A_552 : memref<23236x128xf32, #tpu.memory_space<hbm>>) target(%arg9 : memref<32x128xf32, #tpu.memory_space<vmem>>) offsets(%dma_start3A_549 : memref<32xi32, #tpu.memory_space<vmem>>) semaphore(%arg11 : memref<!tpu.dma_semaphore, #tpu.memory_space<semaphore_mem>>)
      } else {
      }
      %mul3A_337 = arith.constant 2 : i32
      %mul3A_338 = arith.muli %mul3A_337, %scan3A_225 : i32
      %add3A_339 = arith.constant 1 : i32
      %add3A_340 = arith.addi %mul3A_338, %add3A_339 : i32
      %mul3A_341 = arith.constant 32 : i32
      %mul3A_342 = arith.muli %add3A_340, %mul3A_341 : i32
      %dma_wait3A_343 = arith.constant 0 : i32
      %dma_wait3A_344 = arith.constant 0 : i32
      %dma_wait3A_345 = tpu.memref_slice %arg8[%dma_wait3A_343, %dma_wait3A_344] : memref<32x1728xf32, #tpu.memory_space<vmem>> -> memref<32x128xf32, #tpu.memory_space<vmem>>
      %dma_wait3A_346 = tpu.memref_slice %arg6[%mul3A_342] : memref<512xi32, #tpu.memory_space<vmem>> -> memref<32xi32, #tpu.memory_space<vmem>>
      %dma_wait3A_347 = arith.constant 0 : i32
      %dma_wait3A_348 = arith.constant 0 : i32
      %dma_wait3A_349 = tpu.memref_slice %arg2[%dma_wait3A_347, %dma_wait3A_348] : memref<23236x1728xf32, #tpu.memory_space<hbm>> -> memref<23236x128xf32, #tpu.memory_space<hbm>>
      tpu.wait_indirect_dma semaphore(%arg12 : memref<!tpu.dma_semaphore, #tpu.memory_space<semaphore_mem>>) src(%dma_wait3A_349 : memref<23236x128xf32, #tpu.memory_space<hbm>>) dst(%dma_wait3A_345 : memref<32x128xf32, #tpu.memory_space<vmem>>)
      %dma_wait3A_350 = arith.constant 0 : i32
      %dma_wait3A_351 = arith.constant 128 : i32
      %dma_wait3A_352 = tpu.memref_slice %arg8[%dma_wait3A_350, %dma_wait3A_351] : memref<32x1728xf32, #tpu.memory_space<vmem>> -> memref<32x128xf32, #tpu.memory_space<vmem>>
      %dma_wait3A_353 = tpu.memref_slice %arg6[%mul3A_342] : memref<512xi32, #tpu.memory_space<vmem>> -> memref<32xi32, #tpu.memory_space<vmem>>
      %dma_wait3A_354 = arith.constant 0 : i32
      %dma_wait3A_355 = arith.constant 128 : i32
      %dma_wait3A_356 = tpu.memref_slice %arg2[%dma_wait3A_354, %dma_wait3A_355] : memref<23236x1728xf32, #tpu.memory_space<hbm>> -> memref<23236x128xf32, #tpu.memory_space<hbm>>
      tpu.wait_indirect_dma semaphore(%arg12 : memref<!tpu.dma_semaphore, #tpu.memory_space<semaphore_mem>>) src(%dma_wait3A_356 : memref<23236x128xf32, #tpu.memory_space<hbm>>) dst(%dma_wait3A_352 : memref<32x128xf32, #tpu.memory_space<vmem>>)
      %dma_wait3A_357 = arith.constant 0 : i32
      %dma_wait3A_358 = arith.constant 256 : i32
      %dma_wait3A_359 = tpu.memref_slice %arg8[%dma_wait3A_357, %dma_wait3A_358] : memref<32x1728xf32, #tpu.memory_space<vmem>> -> memref<32x128xf32, #tpu.memory_space<vmem>>
      %dma_wait3A_360 = tpu.memref_slice %arg6[%mul3A_342] : memref<512xi32, #tpu.memory_space<vmem>> -> memref<32xi32, #tpu.memory_space<vmem>>
      %dma_wait3A_361 = arith.constant 0 : i32
      %dma_wait3A_362 = arith.constant 256 : i32
      %dma_wait3A_363 = tpu.memref_slice %arg2[%dma_wait3A_361, %dma_wait3A_362] : memref<23236x1728xf32, #tpu.memory_space<hbm>> -> memref<23236x128xf32, #tpu.memory_space<hbm>>
      tpu.wait_indirect_dma semaphore(%arg12 : memref<!tpu.dma_semaphore, #tpu.memory_space<semaphore_mem>>) src(%dma_wait3A_363 : memref<23236x128xf32, #tpu.memory_space<hbm>>) dst(%dma_wait3A_359 : memref<32x128xf32, #tpu.memory_space<vmem>>)
      %dma_wait3A_364 = arith.constant 0 : i32
      %dma_wait3A_365 = arith.constant 384 : i32
      %dma_wait3A_366 = tpu.memref_slice %arg8[%dma_wait3A_364, %dma_wait3A_365] : memref<32x1728xf32, #tpu.memory_space<vmem>> -> memref<32x128xf32, #tpu.memory_space<vmem>>
      %dma_wait3A_367 = tpu.memref_slice %arg6[%mul3A_342] : memref<512xi32, #tpu.memory_space<vmem>> -> memref<32xi32, #tpu.memory_space<vmem>>
      %dma_wait3A_368 = arith.constant 0 : i32
      %dma_wait3A_369 = arith.constant 384 : i32
      %dma_wait3A_370 = tpu.memref_slice %arg2[%dma_wait3A_368, %dma_wait3A_369] : memref<23236x1728xf32, #tpu.memory_space<hbm>> -> memref<23236x128xf32, #tpu.memory_space<hbm>>
      tpu.wait_indirect_dma semaphore(%arg12 : memref<!tpu.dma_semaphore, #tpu.memory_space<semaphore_mem>>) src(%dma_wait3A_370 : memref<23236x128xf32, #tpu.memory_space<hbm>>) dst(%dma_wait3A_366 : memref<32x128xf32, #tpu.memory_space<vmem>>)
      %dma_wait3A_371 = arith.constant 0 : i32
      %dma_wait3A_372 = arith.constant 512 : i32
      %dma_wait3A_373 = tpu.memref_slice %arg8[%dma_wait3A_371, %dma_wait3A_372] : memref<32x1728xf32, #tpu.memory_space<vmem>> -> memref<32x128xf32, #tpu.memory_space<vmem>>
      %dma_wait3A_374 = tpu.memref_slice %arg6[%mul3A_342] : memref<512xi32, #tpu.memory_space<vmem>> -> memref<32xi32, #tpu.memory_space<vmem>>
      %dma_wait3A_375 = arith.constant 0 : i32
      %dma_wait3A_376 = arith.constant 512 : i32
      %dma_wait3A_377 = tpu.memref_slice %arg2[%dma_wait3A_375, %dma_wait3A_376] : memref<23236x1728xf32, #tpu.memory_space<hbm>> -> memref<23236x128xf32, #tpu.memory_space<hbm>>
      tpu.wait_indirect_dma semaphore(%arg12 : memref<!tpu.dma_semaphore, #tpu.memory_space<semaphore_mem>>) src(%dma_wait3A_377 : memref<23236x128xf32, #tpu.memory_space<hbm>>) dst(%dma_wait3A_373 : memref<32x128xf32, #tpu.memory_space<vmem>>)
      %dma_wait3A_378 = arith.constant 0 : i32
      %dma_wait3A_379 = arith.constant 640 : i32
      %dma_wait3A_380 = tpu.memref_slice %arg8[%dma_wait3A_378, %dma_wait3A_379] : memref<32x1728xf32, #tpu.memory_space<vmem>> -> memref<32x128xf32, #tpu.memory_space<vmem>>
      %dma_wait3A_381 = tpu.memref_slice %arg6[%mul3A_342] : memref<512xi32, #tpu.memory_space<vmem>> -> memref<32xi32, #tpu.memory_space<vmem>>
      %dma_wait3A_382 = arith.constant 0 : i32
      %dma_wait3A_383 = arith.constant 640 : i32
      %dma_wait3A_384 = tpu.memref_slice %arg2[%dma_wait3A_382, %dma_wait3A_383] : memref<23236x1728xf32, #tpu.memory_space<hbm>> -> memref<23236x128xf32, #tpu.memory_space<hbm>>
      tpu.wait_indirect_dma semaphore(%arg12 : memref<!tpu.dma_semaphore, #tpu.memory_space<semaphore_mem>>) src(%dma_wait3A_384 : memref<23236x128xf32, #tpu.memory_space<hbm>>) dst(%dma_wait3A_380 : memref<32x128xf32, #tpu.memory_space<vmem>>)
      %dma_wait3A_385 = arith.constant 0 : i32
      %dma_wait3A_386 = arith.constant 768 : i32
      %dma_wait3A_387 = tpu.memref_slice %arg8[%dma_wait3A_385, %dma_wait3A_386] : memref<32x1728xf32, #tpu.memory_space<vmem>> -> memref<32x128xf32, #tpu.memory_space<vmem>>
      %dma_wait3A_388 = tpu.memref_slice %arg6[%mul3A_342] : memref<512xi32, #tpu.memory_space<vmem>> -> memref<32xi32, #tpu.memory_space<vmem>>
      %dma_wait3A_389 = arith.constant 0 : i32
      %dma_wait3A_390 = arith.constant 768 : i32
      %dma_wait3A_391 = tpu.memref_slice %arg2[%dma_wait3A_389, %dma_wait3A_390] : memref<23236x1728xf32, #tpu.memory_space<hbm>> -> memref<23236x128xf32, #tpu.memory_space<hbm>>
      tpu.wait_indirect_dma semaphore(%arg12 : memref<!tpu.dma_semaphore, #tpu.memory_space<semaphore_mem>>) src(%dma_wait3A_391 : memref<23236x128xf32, #tpu.memory_space<hbm>>) dst(%dma_wait3A_387 : memref<32x128xf32, #tpu.memory_space<vmem>>)
      %dma_wait3A_392 = arith.constant 0 : i32
      %dma_wait3A_393 = arith.constant 896 : i32
      %dma_wait3A_394 = tpu.memref_slice %arg8[%dma_wait3A_392, %dma_wait3A_393] : memref<32x1728xf32, #tpu.memory_space<vmem>> -> memref<32x128xf32, #tpu.memory_space<vmem>>
      %dma_wait3A_395 = tpu.memref_slice %arg6[%mul3A_342] : memref<512xi32, #tpu.memory_space<vmem>> -> memref<32xi32, #tpu.memory_space<vmem>>
      %dma_wait3A_396 = arith.constant 0 : i32
      %dma_wait3A_397 = arith.constant 896 : i32
      %dma_wait3A_398 = tpu.memref_slice %arg2[%dma_wait3A_396, %dma_wait3A_397] : memref<23236x1728xf32, #tpu.memory_space<hbm>> -> memref<23236x128xf32, #tpu.memory_space<hbm>>
      tpu.wait_indirect_dma semaphore(%arg12 : memref<!tpu.dma_semaphore, #tpu.memory_space<semaphore_mem>>) src(%dma_wait3A_398 : memref<23236x128xf32, #tpu.memory_space<hbm>>) dst(%dma_wait3A_394 : memref<32x128xf32, #tpu.memory_space<vmem>>)
      %dma_wait3A_399 = arith.constant 0 : i32
      %dma_wait3A_400 = arith.constant 1024 : i32
      %dma_wait3A_401 = tpu.memref_slice %arg8[%dma_wait3A_399, %dma_wait3A_400] : memref<32x1728xf32, #tpu.memory_space<vmem>> -> memref<32x128xf32, #tpu.memory_space<vmem>>
      %dma_wait3A_402 = tpu.memref_slice %arg6[%mul3A_342] : memref<512xi32, #tpu.memory_space<vmem>> -> memref<32xi32, #tpu.memory_space<vmem>>
      %dma_wait3A_403 = arith.constant 0 : i32
      %dma_wait3A_404 = arith.constant 1024 : i32
      %dma_wait3A_405 = tpu.memref_slice %arg2[%dma_wait3A_403, %dma_wait3A_404] : memref<23236x1728xf32, #tpu.memory_space<hbm>> -> memref<23236x128xf32, #tpu.memory_space<hbm>>
      tpu.wait_indirect_dma semaphore(%arg12 : memref<!tpu.dma_semaphore, #tpu.memory_space<semaphore_mem>>) src(%dma_wait3A_405 : memref<23236x128xf32, #tpu.memory_space<hbm>>) dst(%dma_wait3A_401 : memref<32x128xf32, #tpu.memory_space<vmem>>)
      %dma_wait3A_406 = arith.constant 0 : i32
      %dma_wait3A_407 = arith.constant 1152 : i32
      %dma_wait3A_408 = tpu.memref_slice %arg8[%dma_wait3A_406, %dma_wait3A_407] : memref<32x1728xf32, #tpu.memory_space<vmem>> -> memref<32x128xf32, #tpu.memory_space<vmem>>
      %dma_wait3A_409 = tpu.memref_slice %arg6[%mul3A_342] : memref<512xi32, #tpu.memory_space<vmem>> -> memref<32xi32, #tpu.memory_space<vmem>>
      %dma_wait3A_410 = arith.constant 0 : i32
      %dma_wait3A_411 = arith.constant 1152 : i32
      %dma_wait3A_412 = tpu.memref_slice %arg2[%dma_wait3A_410, %dma_wait3A_411] : memref<23236x1728xf32, #tpu.memory_space<hbm>> -> memref<23236x128xf32, #tpu.memory_space<hbm>>
      tpu.wait_indirect_dma semaphore(%arg12 : memref<!tpu.dma_semaphore, #tpu.memory_space<semaphore_mem>>) src(%dma_wait3A_412 : memref<23236x128xf32, #tpu.memory_space<hbm>>) dst(%dma_wait3A_408 : memref<32x128xf32, #tpu.memory_space<vmem>>)
      %dma_wait3A_413 = arith.constant 0 : i32
      %dma_wait3A_414 = arith.constant 1280 : i32
      %dma_wait3A_415 = tpu.memref_slice %arg8[%dma_wait3A_413, %dma_wait3A_414] : memref<32x1728xf32, #tpu.memory_space<vmem>> -> memref<32x128xf32, #tpu.memory_space<vmem>>
      %dma_wait3A_416 = tpu.memref_slice %arg6[%mul3A_342] : memref<512xi32, #tpu.memory_space<vmem>> -> memref<32xi32, #tpu.memory_space<vmem>>
      %dma_wait3A_417 = arith.constant 0 : i32
      %dma_wait3A_418 = arith.constant 1280 : i32
      %dma_wait3A_419 = tpu.memref_slice %arg2[%dma_wait3A_417, %dma_wait3A_418] : memref<23236x1728xf32, #tpu.memory_space<hbm>> -> memref<23236x128xf32, #tpu.memory_space<hbm>>
      tpu.wait_indirect_dma semaphore(%arg12 : memref<!tpu.dma_semaphore, #tpu.memory_space<semaphore_mem>>) src(%dma_wait3A_419 : memref<23236x128xf32, #tpu.memory_space<hbm>>) dst(%dma_wait3A_415 : memref<32x128xf32, #tpu.memory_space<vmem>>)
      %dma_wait3A_420 = arith.constant 0 : i32
      %dma_wait3A_421 = arith.constant 1408 : i32
      %dma_wait3A_422 = tpu.memref_slice %arg8[%dma_wait3A_420, %dma_wait3A_421] : memref<32x1728xf32, #tpu.memory_space<vmem>> -> memref<32x128xf32, #tpu.memory_space<vmem>>
      %dma_wait3A_423 = tpu.memref_slice %arg6[%mul3A_342] : memref<512xi32, #tpu.memory_space<vmem>> -> memref<32xi32, #tpu.memory_space<vmem>>
      %dma_wait3A_424 = arith.constant 0 : i32
      %dma_wait3A_425 = arith.constant 1408 : i32
      %dma_wait3A_426 = tpu.memref_slice %arg2[%dma_wait3A_424, %dma_wait3A_425] : memref<23236x1728xf32, #tpu.memory_space<hbm>> -> memref<23236x128xf32, #tpu.memory_space<hbm>>
      tpu.wait_indirect_dma semaphore(%arg12 : memref<!tpu.dma_semaphore, #tpu.memory_space<semaphore_mem>>) src(%dma_wait3A_426 : memref<23236x128xf32, #tpu.memory_space<hbm>>) dst(%dma_wait3A_422 : memref<32x128xf32, #tpu.memory_space<vmem>>)
      %dma_wait3A_427 = arith.constant 0 : i32
      %dma_wait3A_428 = arith.constant 1536 : i32
      %dma_wait3A_429 = tpu.memref_slice %arg8[%dma_wait3A_427, %dma_wait3A_428] : memref<32x1728xf32, #tpu.memory_space<vmem>> -> memref<32x128xf32, #tpu.memory_space<vmem>>
      %dma_wait3A_430 = tpu.memref_slice %arg6[%mul3A_342] : memref<512xi32, #tpu.memory_space<vmem>> -> memref<32xi32, #tpu.memory_space<vmem>>
      %dma_wait3A_431 = arith.constant 0 : i32
      %dma_wait3A_432 = arith.constant 1536 : i32
      %dma_wait3A_433 = tpu.memref_slice %arg2[%dma_wait3A_431, %dma_wait3A_432] : memref<23236x1728xf32, #tpu.memory_space<hbm>> -> memref<23236x128xf32, #tpu.memory_space<hbm>>
      tpu.wait_indirect_dma semaphore(%arg12 : memref<!tpu.dma_semaphore, #tpu.memory_space<semaphore_mem>>) src(%dma_wait3A_433 : memref<23236x128xf32, #tpu.memory_space<hbm>>) dst(%dma_wait3A_429 : memref<32x128xf32, #tpu.memory_space<vmem>>)
      %dma_wait3A_434 = tpu.memref_slice %arg6[%mul3A_342] : memref<512xi32, #tpu.memory_space<vmem>> -> memref<32xi32, #tpu.memory_space<vmem>>
      %dma_wait3A_435 = arith.constant 0 : i32
      %dma_wait3A_436 = arith.constant 0 : i32
      %dma_wait3A_437 = tpu.memref_slice %arg3[%dma_wait3A_435, %dma_wait3A_436] : memref<23236x128xf32, #tpu.memory_space<hbm>> -> memref<23236x128xf32, #tpu.memory_space<hbm>>
      tpu.wait_indirect_dma semaphore(%arg12 : memref<!tpu.dma_semaphore, #tpu.memory_space<semaphore_mem>>) src(%dma_wait3A_437 : memref<23236x128xf32, #tpu.memory_space<hbm>>) dst(%arg10 : memref<32x128xf32, #tpu.memory_space<vmem>>)
      %scan3A_438 = arith.constant 0 : i32
      %scan3A_439 = arith.constant 0 : i32
      %scan3A_440 = arith.constant 32 : i32
      %scan3A_441 = arith.addi %scan3A_439, %scan3A_440 : i32
      %scan3A_442 = arith.constant 1 : i32
      scf.for %scan3A_454 = %scan3A_439 to %scan3A_441 step %scan3A_442  : i32 {
        %get3A = arith.index_cast %scan3A_454 : i32 to index
        %get3A_455 = arith.constant 0 : index
        %get3A_456 = tpu.vector_load %arg10[%get3A, %get3A_455] {strides = array<i32>} : memref<32x128xf32, #tpu.memory_space<vmem>>, vector<1x16xf32>,
        %get3A_457 = vector.shape_cast %get3A_456 : vector<1x16xf32> to vector<16xf32>
        %swap3A = arith.index_cast %scan3A_454 : i32 to index
        %swap3A_458 = arith.constant 1664 : index
        %swap3A_459 = tpu.vector_load %arg8[%swap3A, %swap3A_458] {strides = array<i32>} : memref<32x1728xf32, #tpu.memory_space<vmem>>, vector<1x16xf32>,
        %swap3A_460 = vector.shape_cast %swap3A_459 : vector<1x16xf32> to vector<16xf32>
        %swap3A_461 = vector.shape_cast %get3A_457 : vector<16xf32> to vector<1x16xf32>
        tpu.vector_store %arg8[%swap3A, %swap3A_458], %swap3A_461 {strides = array<i32>} : memref<32x1728xf32, #tpu.memory_space<vmem>>, vector<1x16xf32>,
        %get3A_462 = arith.index_cast %scan3A_454 : i32 to index
        %get3A_463 = arith.constant 16 : index
        %get3A_464 = tpu.vector_load %arg10[%get3A_462, %get3A_463] {strides = array<i32>} : memref<32x128xf32, #tpu.memory_space<vmem>>, vector<1x16xf32>,
        %get3A_465 = vector.shape_cast %get3A_464 : vector<1x16xf32> to vector<16xf32>
        %swap3A_466 = arith.index_cast %scan3A_454 : i32 to index
        %swap3A_467 = arith.constant 1680 : index
        %swap3A_468 = tpu.vector_load %arg8[%swap3A_466, %swap3A_467] {strides = array<i32>} : memref<32x1728xf32, #tpu.memory_space<vmem>>, vector<1x16xf32>,
        %swap3A_469 = vector.shape_cast %swap3A_468 : vector<1x16xf32> to vector<16xf32>
        %swap3A_470 = vector.shape_cast %get3A_465 : vector<16xf32> to vector<1x16xf32>
        tpu.vector_store %arg8[%swap3A_466, %swap3A_467], %swap3A_470 {strides = array<i32>} : memref<32x1728xf32, #tpu.memory_space<vmem>>, vector<1x16xf32>,
        %get3A_471 = arith.index_cast %scan3A_454 : i32 to index
        %get3A_472 = arith.constant 32 : index
        %get3A_473 = tpu.vector_load %arg10[%get3A_471, %get3A_472] {strides = array<i32>} : memref<32x128xf32, #tpu.memory_space<vmem>>, vector<1x16xf32>,
        %get3A_474 = vector.shape_cast %get3A_473 : vector<1x16xf32> to vector<16xf32>
        %swap3A_475 = arith.index_cast %scan3A_454 : i32 to index
        %swap3A_476 = arith.constant 1696 : index
        %swap3A_477 = tpu.vector_load %arg8[%swap3A_475, %swap3A_476] {strides = array<i32>} : memref<32x1728xf32, #tpu.memory_space<vmem>>, vector<1x16xf32>,
        %swap3A_478 = vector.shape_cast %swap3A_477 : vector<1x16xf32> to vector<16xf32>
        %swap3A_479 = vector.shape_cast %get3A_474 : vector<16xf32> to vector<1x16xf32>
        tpu.vector_store %arg8[%swap3A_475, %swap3A_476], %swap3A_479 {strides = array<i32>} : memref<32x1728xf32, #tpu.memory_space<vmem>>, vector<1x16xf32>,
        %get3A_480 = arith.index_cast %scan3A_454 : i32 to index
        %get3A_481 = arith.constant 48 : index
        %get3A_482 = tpu.vector_load %arg10[%get3A_480, %get3A_481] {strides = array<i32>} : memref<32x128xf32, #tpu.memory_space<vmem>>, vector<1x16xf32>,
        %get3A_483 = vector.shape_cast %get3A_482 : vector<1x16xf32> to vector<16xf32>
        %swap3A_484 = arith.index_cast %scan3A_454 : i32 to index
        %swap3A_485 = arith.constant 1712 : index
        %swap3A_486 = tpu.vector_load %arg8[%swap3A_484, %swap3A_485] {strides = array<i32>} : memref<32x1728xf32, #tpu.memory_space<vmem>>, vector<1x16xf32>,
        %swap3A_487 = vector.shape_cast %swap3A_486 : vector<1x16xf32> to vector<16xf32>
        %swap3A_488 = vector.shape_cast %get3A_483 : vector<16xf32> to vector<1x16xf32>
        tpu.vector_store %arg8[%swap3A_484, %swap3A_485], %swap3A_488 {strides = array<i32>} : memref<32x1728xf32, #tpu.memory_space<vmem>>, vector<1x16xf32>,
      }
      %scan3A_443 = arith.constant 32 : i32
      %mul3A_444 = arith.constant 32 : i32
      %mul3A_445 = arith.muli %add3A_340, %mul3A_444 : i32
      %add3A_446 = arith.addi %mul3A_2, %mul3A_445 : i32
      "tpu.region"() ({
        %run_scoped3A = tpu.sem_alloc : memref<!tpu.dma_semaphore, #tpu.memory_space<semaphore_mem>>
        %dma_start3A_454 = arith.constant 0 : i32
        %dma_start3A_455 = tpu.memref_slice %arg5[%add3A_446, %dma_start3A_454] : memref<16384x1728xf32, #tpu.memory_space<hbm>> -> memref<32x1728xf32, #tpu.memory_space<hbm>>
        %dma_start3A_456 = arith.constant 0 : i32
        %dma_start3A_457 = tpu.memref_slice %arg5[%add3A_446, %dma_start3A_456] : memref<16384x1728xf32, #tpu.memory_space<hbm>> -> memref<32x1728xf32, #tpu.memory_space<hbm>>
        tpu.enqueue_dma source(%arg8 : memref<32x1728xf32, #tpu.memory_space<vmem>>) target(%dma_start3A_457 : memref<32x1728xf32, #tpu.memory_space<hbm>>) target_semaphore(%run_scoped3A : memref<!tpu.dma_semaphore, #tpu.memory_space<semaphore_mem>>)
        %dma_wait3A_458 = arith.constant 0 : i32
        %dma_wait3A_459 = tpu.memref_slice %arg5[%add3A_446, %dma_wait3A_458] : memref<16384x1728xf32, #tpu.memory_space<hbm>> -> memref<32x1728xf32, #tpu.memory_space<hbm>>
        %dma_wait3A_460 = arith.constant 0 : i32
        %dma_wait3A_461 = tpu.memref_slice %arg5[%add3A_446, %dma_wait3A_460] : memref<16384x1728xf32, #tpu.memory_space<hbm>> -> memref<32x1728xf32, #tpu.memory_space<hbm>>
        tpu.wait_dma2 semaphore(%run_scoped3A : memref<!tpu.dma_semaphore, #tpu.memory_space<semaphore_mem>>) src(%arg8 : memref<32x1728xf32, #tpu.memory_space<vmem>>) dst(%dma_wait3A_461 : memref<32x1728xf32, #tpu.memory_space<hbm>>)
        tpu.yield
      }) : () -> ()
      %add3A_447 = arith.constant 2 : i32
      %add3A_448 = arith.addi %add3A_340, %add3A_447 : i32
      %lt3A_449 = arith.constant 16 : i32
      %lt3A_450 = arith.cmpi slt, %add3A_448, %lt3A_449 : i32
      %convert_element_type3A_451 = arith.extui %lt3A_450 : i1 to i32
      %cond3A_452 = arith.constant 0 : i32
      %cond3A_453 = arith.cmpi ne, %convert_element_type3A_451, %cond3A_452 : i32
      scf.if %cond3A_453 {
        %add3A_454 = arith.constant 2 : i32
        %add3A_455 = arith.addi %add3A_340, %add3A_454 : i32
        %mul3A_456 = arith.constant 32 : i32
        %mul3A_457 = arith.muli %add3A_455, %mul3A_456 : i32
        %dma_start3A_458 = arith.constant 0 : i32
        %dma_start3A_459 = arith.constant 0 : i32
        %dma_start3A_460 = tpu.memref_slice %arg8[%dma_start3A_458, %dma_start3A_459] : memref<32x1728xf32, #tpu.memory_space<vmem>> -> memref<32x128xf32, #tpu.memory_space<vmem>>
        %dma_start3A_461 = tpu.memref_slice %arg6[%mul3A_457] : memref<512xi32, #tpu.memory_space<vmem>> -> memref<32xi32, #tpu.memory_space<vmem>>
        %dma_start3A_462 = arith.constant 0 : i32
        %dma_start3A_463 = arith.constant 0 : i32
        %dma_start3A_464 = tpu.memref_slice %arg2[%dma_start3A_462, %dma_start3A_463] : memref<23236x1728xf32, #tpu.memory_space<hbm>> -> memref<23236x128xf32, #tpu.memory_space<hbm>>
        tpu.enqueue_indirect_dma source(%dma_start3A_464 : memref<23236x128xf32, #tpu.memory_space<hbm>>) target(%dma_start3A_460 : memref<32x128xf32, #tpu.memory_space<vmem>>) offsets(%dma_start3A_461 : memref<32xi32, #tpu.memory_space<vmem>>) semaphore(%arg12 : memref<!tpu.dma_semaphore, #tpu.memory_space<semaphore_mem>>)
        %dma_start3A_465 = arith.constant 0 : i32
        %dma_start3A_466 = arith.constant 128 : i32
        %dma_start3A_467 = tpu.memref_slice %arg8[%dma_start3A_465, %dma_start3A_466] : memref<32x1728xf32, #tpu.memory_space<vmem>> -> memref<32x128xf32, #tpu.memory_space<vmem>>
        %dma_start3A_468 = tpu.memref_slice %arg6[%mul3A_457] : memref<512xi32, #tpu.memory_space<vmem>> -> memref<32xi32, #tpu.memory_space<vmem>>
        %dma_start3A_469 = arith.constant 0 : i32
        %dma_start3A_470 = arith.constant 128 : i32
        %dma_start3A_471 = tpu.memref_slice %arg2[%dma_start3A_469, %dma_start3A_470] : memref<23236x1728xf32, #tpu.memory_space<hbm>> -> memref<23236x128xf32, #tpu.memory_space<hbm>>
        tpu.enqueue_indirect_dma source(%dma_start3A_471 : memref<23236x128xf32, #tpu.memory_space<hbm>>) target(%dma_start3A_467 : memref<32x128xf32, #tpu.memory_space<vmem>>) offsets(%dma_start3A_468 : memref<32xi32, #tpu.memory_space<vmem>>) semaphore(%arg12 : memref<!tpu.dma_semaphore, #tpu.memory_space<semaphore_mem>>)
        %dma_start3A_472 = arith.constant 0 : i32
        %dma_start3A_473 = arith.constant 256 : i32
        %dma_start3A_474 = tpu.memref_slice %arg8[%dma_start3A_472, %dma_start3A_473] : memref<32x1728xf32, #tpu.memory_space<vmem>> -> memref<32x128xf32, #tpu.memory_space<vmem>>
        %dma_start3A_475 = tpu.memref_slice %arg6[%mul3A_457] : memref<512xi32, #tpu.memory_space<vmem>> -> memref<32xi32, #tpu.memory_space<vmem>>
        %dma_start3A_476 = arith.constant 0 : i32
        %dma_start3A_477 = arith.constant 256 : i32
        %dma_start3A_478 = tpu.memref_slice %arg2[%dma_start3A_476, %dma_start3A_477] : memref<23236x1728xf32, #tpu.memory_space<hbm>> -> memref<23236x128xf32, #tpu.memory_space<hbm>>
        tpu.enqueue_indirect_dma source(%dma_start3A_478 : memref<23236x128xf32, #tpu.memory_space<hbm>>) target(%dma_start3A_474 : memref<32x128xf32, #tpu.memory_space<vmem>>) offsets(%dma_start3A_475 : memref<32xi32, #tpu.memory_space<vmem>>) semaphore(%arg12 : memref<!tpu.dma_semaphore, #tpu.memory_space<semaphore_mem>>)
        %dma_start3A_479 = arith.constant 0 : i32
        %dma_start3A_480 = arith.constant 384 : i32
        %dma_start3A_481 = tpu.memref_slice %arg8[%dma_start3A_479, %dma_start3A_480] : memref<32x1728xf32, #tpu.memory_space<vmem>> -> memref<32x128xf32, #tpu.memory_space<vmem>>
        %dma_start3A_482 = tpu.memref_slice %arg6[%mul3A_457] : memref<512xi32, #tpu.memory_space<vmem>> -> memref<32xi32, #tpu.memory_space<vmem>>
        %dma_start3A_483 = arith.constant 0 : i32
        %dma_start3A_484 = arith.constant 384 : i32
        %dma_start3A_485 = tpu.memref_slice %arg2[%dma_start3A_483, %dma_start3A_484] : memref<23236x1728xf32, #tpu.memory_space<hbm>> -> memref<23236x128xf32, #tpu.memory_space<hbm>>
        tpu.enqueue_indirect_dma source(%dma_start3A_485 : memref<23236x128xf32, #tpu.memory_space<hbm>>) target(%dma_start3A_481 : memref<32x128xf32, #tpu.memory_space<vmem>>) offsets(%dma_start3A_482 : memref<32xi32, #tpu.memory_space<vmem>>) semaphore(%arg12 : memref<!tpu.dma_semaphore, #tpu.memory_space<semaphore_mem>>)
        %dma_start3A_486 = arith.constant 0 : i32
        %dma_start3A_487 = arith.constant 512 : i32
        %dma_start3A_488 = tpu.memref_slice %arg8[%dma_start3A_486, %dma_start3A_487] : memref<32x1728xf32, #tpu.memory_space<vmem>> -> memref<32x128xf32, #tpu.memory_space<vmem>>
        %dma_start3A_489 = tpu.memref_slice %arg6[%mul3A_457] : memref<512xi32, #tpu.memory_space<vmem>> -> memref<32xi32, #tpu.memory_space<vmem>>
        %dma_start3A_490 = arith.constant 0 : i32
        %dma_start3A_491 = arith.constant 512 : i32
        %dma_start3A_492 = tpu.memref_slice %arg2[%dma_start3A_490, %dma_start3A_491] : memref<23236x1728xf32, #tpu.memory_space<hbm>> -> memref<23236x128xf32, #tpu.memory_space<hbm>>
        tpu.enqueue_indirect_dma source(%dma_start3A_492 : memref<23236x128xf32, #tpu.memory_space<hbm>>) target(%dma_start3A_488 : memref<32x128xf32, #tpu.memory_space<vmem>>) offsets(%dma_start3A_489 : memref<32xi32, #tpu.memory_space<vmem>>) semaphore(%arg12 : memref<!tpu.dma_semaphore, #tpu.memory_space<semaphore_mem>>)
        %dma_start3A_493 = arith.constant 0 : i32
        %dma_start3A_494 = arith.constant 640 : i32
        %dma_start3A_495 = tpu.memref_slice %arg8[%dma_start3A_493, %dma_start3A_494] : memref<32x1728xf32, #tpu.memory_space<vmem>> -> memref<32x128xf32, #tpu.memory_space<vmem>>
        %dma_start3A_496 = tpu.memref_slice %arg6[%mul3A_457] : memref<512xi32, #tpu.memory_space<vmem>> -> memref<32xi32, #tpu.memory_space<vmem>>
        %dma_start3A_497 = arith.constant 0 : i32
        %dma_start3A_498 = arith.constant 640 : i32
        %dma_start3A_499 = tpu.memref_slice %arg2[%dma_start3A_497, %dma_start3A_498] : memref<23236x1728xf32, #tpu.memory_space<hbm>> -> memref<23236x128xf32, #tpu.memory_space<hbm>>
        tpu.enqueue_indirect_dma source(%dma_start3A_499 : memref<23236x128xf32, #tpu.memory_space<hbm>>) target(%dma_start3A_495 : memref<32x128xf32, #tpu.memory_space<vmem>>) offsets(%dma_start3A_496 : memref<32xi32, #tpu.memory_space<vmem>>) semaphore(%arg12 : memref<!tpu.dma_semaphore, #tpu.memory_space<semaphore_mem>>)
        %dma_start3A_500 = arith.constant 0 : i32
        %dma_start3A_501 = arith.constant 768 : i32
        %dma_start3A_502 = tpu.memref_slice %arg8[%dma_start3A_500, %dma_start3A_501] : memref<32x1728xf32, #tpu.memory_space<vmem>> -> memref<32x128xf32, #tpu.memory_space<vmem>>
        %dma_start3A_503 = tpu.memref_slice %arg6[%mul3A_457] : memref<512xi32, #tpu.memory_space<vmem>> -> memref<32xi32, #tpu.memory_space<vmem>>
        %dma_start3A_504 = arith.constant 0 : i32
        %dma_start3A_505 = arith.constant 768 : i32
        %dma_start3A_506 = tpu.memref_slice %arg2[%dma_start3A_504, %dma_start3A_505] : memref<23236x1728xf32, #tpu.memory_space<hbm>> -> memref<23236x128xf32, #tpu.memory_space<hbm>>
        tpu.enqueue_indirect_dma source(%dma_start3A_506 : memref<23236x128xf32, #tpu.memory_space<hbm>>) target(%dma_start3A_502 : memref<32x128xf32, #tpu.memory_space<vmem>>) offsets(%dma_start3A_503 : memref<32xi32, #tpu.memory_space<vmem>>) semaphore(%arg12 : memref<!tpu.dma_semaphore, #tpu.memory_space<semaphore_mem>>)
        %dma_start3A_507 = arith.constant 0 : i32
        %dma_start3A_508 = arith.constant 896 : i32
        %dma_start3A_509 = tpu.memref_slice %arg8[%dma_start3A_507, %dma_start3A_508] : memref<32x1728xf32, #tpu.memory_space<vmem>> -> memref<32x128xf32, #tpu.memory_space<vmem>>
        %dma_start3A_510 = tpu.memref_slice %arg6[%mul3A_457] : memref<512xi32, #tpu.memory_space<vmem>> -> memref<32xi32, #tpu.memory_space<vmem>>
        %dma_start3A_511 = arith.constant 0 : i32
        %dma_start3A_512 = arith.constant 896 : i32
        %dma_start3A_513 = tpu.memref_slice %arg2[%dma_start3A_511, %dma_start3A_512] : memref<23236x1728xf32, #tpu.memory_space<hbm>> -> memref<23236x128xf32, #tpu.memory_space<hbm>>
        tpu.enqueue_indirect_dma source(%dma_start3A_513 : memref<23236x128xf32, #tpu.memory_space<hbm>>) target(%dma_start3A_509 : memref<32x128xf32, #tpu.memory_space<vmem>>) offsets(%dma_start3A_510 : memref<32xi32, #tpu.memory_space<vmem>>) semaphore(%arg12 : memref<!tpu.dma_semaphore, #tpu.memory_space<semaphore_mem>>)
        %dma_start3A_514 = arith.constant 0 : i32
        %dma_start3A_515 = arith.constant 1024 : i32
        %dma_start3A_516 = tpu.memref_slice %arg8[%dma_start3A_514, %dma_start3A_515] : memref<32x1728xf32, #tpu.memory_space<vmem>> -> memref<32x128xf32, #tpu.memory_space<vmem>>
        %dma_start3A_517 = tpu.memref_slice %arg6[%mul3A_457] : memref<512xi32, #tpu.memory_space<vmem>> -> memref<32xi32, #tpu.memory_space<vmem>>
        %dma_start3A_518 = arith.constant 0 : i32
        %dma_start3A_519 = arith.constant 1024 : i32
        %dma_start3A_520 = tpu.memref_slice %arg2[%dma_start3A_518, %dma_start3A_519] : memref<23236x1728xf32, #tpu.memory_space<hbm>> -> memref<23236x128xf32, #tpu.memory_space<hbm>>
        tpu.enqueue_indirect_dma source(%dma_start3A_520 : memref<23236x128xf32, #tpu.memory_space<hbm>>) target(%dma_start3A_516 : memref<32x128xf32, #tpu.memory_space<vmem>>) offsets(%dma_start3A_517 : memref<32xi32, #tpu.memory_space<vmem>>) semaphore(%arg12 : memref<!tpu.dma_semaphore, #tpu.memory_space<semaphore_mem>>)
        %dma_start3A_521 = arith.constant 0 : i32
        %dma_start3A_522 = arith.constant 1152 : i32
        %dma_start3A_523 = tpu.memref_slice %arg8[%dma_start3A_521, %dma_start3A_522] : memref<32x1728xf32, #tpu.memory_space<vmem>> -> memref<32x128xf32, #tpu.memory_space<vmem>>
        %dma_start3A_524 = tpu.memref_slice %arg6[%mul3A_457] : memref<512xi32, #tpu.memory_space<vmem>> -> memref<32xi32, #tpu.memory_space<vmem>>
        %dma_start3A_525 = arith.constant 0 : i32
        %dma_start3A_526 = arith.constant 1152 : i32
        %dma_start3A_527 = tpu.memref_slice %arg2[%dma_start3A_525, %dma_start3A_526] : memref<23236x1728xf32, #tpu.memory_space<hbm>> -> memref<23236x128xf32, #tpu.memory_space<hbm>>
        tpu.enqueue_indirect_dma source(%dma_start3A_527 : memref<23236x128xf32, #tpu.memory_space<hbm>>) target(%dma_start3A_523 : memref<32x128xf32, #tpu.memory_space<vmem>>) offsets(%dma_start3A_524 : memref<32xi32, #tpu.memory_space<vmem>>) semaphore(%arg12 : memref<!tpu.dma_semaphore, #tpu.memory_space<semaphore_mem>>)
        %dma_start3A_528 = arith.constant 0 : i32
        %dma_start3A_529 = arith.constant 1280 : i32
        %dma_start3A_530 = tpu.memref_slice %arg8[%dma_start3A_528, %dma_start3A_529] : memref<32x1728xf32, #tpu.memory_space<vmem>> -> memref<32x128xf32, #tpu.memory_space<vmem>>
        %dma_start3A_531 = tpu.memref_slice %arg6[%mul3A_457] : memref<512xi32, #tpu.memory_space<vmem>> -> memref<32xi32, #tpu.memory_space<vmem>>
        %dma_start3A_532 = arith.constant 0 : i32
        %dma_start3A_533 = arith.constant 1280 : i32
        %dma_start3A_534 = tpu.memref_slice %arg2[%dma_start3A_532, %dma_start3A_533] : memref<23236x1728xf32, #tpu.memory_space<hbm>> -> memref<23236x128xf32, #tpu.memory_space<hbm>>
        tpu.enqueue_indirect_dma source(%dma_start3A_534 : memref<23236x128xf32, #tpu.memory_space<hbm>>) target(%dma_start3A_530 : memref<32x128xf32, #tpu.memory_space<vmem>>) offsets(%dma_start3A_531 : memref<32xi32, #tpu.memory_space<vmem>>) semaphore(%arg12 : memref<!tpu.dma_semaphore, #tpu.memory_space<semaphore_mem>>)
        %dma_start3A_535 = arith.constant 0 : i32
        %dma_start3A_536 = arith.constant 1408 : i32
        %dma_start3A_537 = tpu.memref_slice %arg8[%dma_start3A_535, %dma_start3A_536] : memref<32x1728xf32, #tpu.memory_space<vmem>> -> memref<32x128xf32, #tpu.memory_space<vmem>>
        %dma_start3A_538 = tpu.memref_slice %arg6[%mul3A_457] : memref<512xi32, #tpu.memory_space<vmem>> -> memref<32xi32, #tpu.memory_space<vmem>>
        %dma_start3A_539 = arith.constant 0 : i32
        %dma_start3A_540 = arith.constant 1408 : i32
        %dma_start3A_541 = tpu.memref_slice %arg2[%dma_start3A_539, %dma_start3A_540] : memref<23236x1728xf32, #tpu.memory_space<hbm>> -> memref<23236x128xf32, #tpu.memory_space<hbm>>
        tpu.enqueue_indirect_dma source(%dma_start3A_541 : memref<23236x128xf32, #tpu.memory_space<hbm>>) target(%dma_start3A_537 : memref<32x128xf32, #tpu.memory_space<vmem>>) offsets(%dma_start3A_538 : memref<32xi32, #tpu.memory_space<vmem>>) semaphore(%arg12 : memref<!tpu.dma_semaphore, #tpu.memory_space<semaphore_mem>>)
        %dma_start3A_542 = arith.constant 0 : i32
        %dma_start3A_543 = arith.constant 1536 : i32
        %dma_start3A_544 = tpu.memref_slice %arg8[%dma_start3A_542, %dma_start3A_543] : memref<32x1728xf32, #tpu.memory_space<vmem>> -> memref<32x128xf32, #tpu.memory_space<vmem>>
        %dma_start3A_545 = tpu.memref_slice %arg6[%mul3A_457] : memref<512xi32, #tpu.memory_space<vmem>> -> memref<32xi32, #tpu.memory_space<vmem>>
        %dma_start3A_546 = arith.constant 0 : i32
        %dma_start3A_547 = arith.constant 1536 : i32
        %dma_start3A_548 = tpu.memref_slice %arg2[%dma_start3A_546, %dma_start3A_547] : memref<23236x1728xf32, #tpu.memory_space<hbm>> -> memref<23236x128xf32, #tpu.memory_space<hbm>>
        tpu.enqueue_indirect_dma source(%dma_start3A_548 : memref<23236x128xf32, #tpu.memory_space<hbm>>) target(%dma_start3A_544 : memref<32x128xf32, #tpu.memory_space<vmem>>) offsets(%dma_start3A_545 : memref<32xi32, #tpu.memory_space<vmem>>) semaphore(%arg12 : memref<!tpu.dma_semaphore, #tpu.memory_space<semaphore_mem>>)
        %dma_start3A_549 = tpu.memref_slice %arg6[%mul3A_457] : memref<512xi32, #tpu.memory_space<vmem>> -> memref<32xi32, #tpu.memory_space<vmem>>
        %dma_start3A_550 = arith.constant 0 : i32
        %dma_start3A_551 = arith.constant 0 : i32
        %dma_start3A_552 = tpu.memref_slice %arg3[%dma_start3A_550, %dma_start3A_551] : memref<23236x128xf32, #tpu.memory_space<hbm>> -> memref<23236x128xf32, #tpu.memory_space<hbm>>
        tpu.enqueue_indirect_dma source(%dma_start3A_552 : memref<23236x128xf32, #tpu.memory_space<hbm>>) target(%arg10 : memref<32x128xf32, #tpu.memory_space<vmem>>) offsets(%dma_start3A_549 : memref<32xi32, #tpu.memory_space<vmem>>) semaphore(%arg12 : memref<!tpu.dma_semaphore, #tpu.memory_space<semaphore_mem>>)
      } else {
      }
    }
    %scan3A_224 = arith.constant 8 : i32
    return
  }
}

</mosaic_0001>

<sc_bundles>
// kernel: _embed.3.cloned.1.call-start
scs
__scs_entry_jumppad:
0x0: {  	(pc) =	sbr.rel $0x88, $3  }
0x1: {  	(tag) =	ssettag $0x0;
	lr =	simm.s32 $0x1  }
0x2: {  	[smem:$0x3F9E] =	sst lr;
	_ =	strace $0xD0000000  }
0x3: {  	_ = 	snop  }
0x4: {  	_ = 	snop  }
0x5: {  	_ = 	snop  }
0x6: {  	_ = 	snop  }
0x7: {  	_ = 	snop  }
__scs_overlays_trampoline_lowered:
0x8: {  	[smem:$0x3FAD] =	sst s0  }
0x9: {  	[smem:$0x3FAE] =	sst s1  }
0xa: {  	[smem:$0x3FAF] =	sst s2  }
0xb: {  	[smem:$0x3FB0] =	sst s3  }
0xc: {  	[smem:$0x3FB1] =	sst s4  }
0xd: {  	[smem:$0x3FB2] =	sst s5  }
0xe: {  	[smem:$0x3FB3] =	sst s6  }
0xf: {  	[smem:$0x3FB4] =	sst s7  }
0x10: {  	[smem:$0x3FB5] =	sst s8  }
0x11: {  	[smem:$0x3FB6] =	sst s9;
	s0 =	simm.s32 @!p0 $0x0  }
0x12: {  	s1 =	sld [smem:$0x3F9C];
	s0 =	simm.s32 @p0 $0x1  }
0x13: {  	[smem:$0x3FB7] =	sst s0;
	s0 =	simm.s32 @!p1 $0x0  }
0x14: {  	s2 =	sld [smem:$0x3F9B];
	s0 =	simm.s32 @p1 $0x1  }
0x15: {  	[smem:$0x3FB8] =	sst s0;
	s0 =	simm.s32 @!p2 $0x0  }
0x16: {  	s3 =	sld [smem:$0x3FDB];
	s0 =	simm.s32 @p2 $0x1  }
0x17: {  	s4 =	simm.s32 $0x1BF5;
	[smem:$0x3FBA] =	sst s0  }
0x18: {  	s0 =	sld [smem:$0x3F9D];
	_ =	swait.ge [sflag:s4], $0x0  }
0x19: {  	s7 =	sld [smem:$0x3F9E]  }
0x1a: {  	s8 =	sadd.s32 $0xFFFFE003, lr  }
0x1b: {  	s9 =	sadd.s32 $0xFFFFFEF7, lr;
	s5 =	simm.s32 $0xFFFFFFFF;
	p2 =	slt.u32 s8, $0xFFFFF086  }
0x1c: {  	p1 =	slt.u32 s9, $0xF7A;
	s5 =	simm.s32 @!p2 $0x0  }
0x1d: {  	s5 =	simm.s32 @p1 $0x1;
	p0 =	seq.s32 s7, s2  }
0x1e: {  	s7 =	smul.u32 @!p0 $0xF7A, s2;
	p2 =	seq.s32 @!p0 s5, $0x0  }
0x1f: {  	s9 =	smul.u32 $0xF7A, s1;
	s8 =	simm.s32 @!p0 $0x1BF5;
	p2 =	por !p2, p0  }
0x20: {  	[sflag:s8] =	ssyncset.s32 @!p0 $0xFFFFF086;
	s6 =	sadd.s32 @!p0 s3, s7;
	s7 =	simm.s32 @!p0 $0x108  }
0x21: {  	s3 =	sadd.s32 s3, s9;
	s6 =	sadd.s32 @!p0 $0x88, s6;
	s7 =	simm.s32 @p2 $0x1082  }
0x22: {  	[simem:s7], [sflag:s8] =	dma.local @!p0 [hbm:s6], $0xF7A  }
0x23: {  	s9 =	sor.u32 $0xD0000000, s2;
	s6 =	simm.s32 $0x108;
	_ =	swait.ge @!p0 [sflag:s8], $0x0  }
0x24: {  	s3 =	sadd.s32 $0x88, s3;
	s6 =	simm.s32 @!p1 $0x1082;
	[sflag:s4] =	ssyncset.s32 $0xFFFFF086  }
0x25: {  	[simem:s6], [sflag:s4] =	dma.local [hbm:s3], $0xF7A  }
0x26: {  	[smem:$0x3F9E] =	sst s1;
	(tag) =	ssettag s2;
	_ =	strace s9  }
0x27: {  	s1 =	sld [smem:$0x3FAE]  }
0x28: {  	s2 =	sld [smem:$0x3FAF]  }
0x29: {  	s4 =	sld [smem:$0x3FB1]  }
0x2a: {  	p0 =	seq.s32 s5, $0x0;
	s5 =	sld [smem:$0x3FB2]  }
0x2b: {  	s6 =	sld [smem:$0x3FB3]  }
0x2c: {  	s7 =	sld [smem:$0x3FB4]  }
0x2d: {  	s3 =	simm.s32 $0x108;
	s8 =	sld [smem:$0x3FB5]  }
0x2e: {  	s3 =	simm.s32 @!p0 $0x1082;
	s9 =	sld [smem:$0x3FB6]  }
0x2f: {  	lr =	sadd.s32 s0, s3;
	s0 =	sld [smem:$0x3FAD]  }
0x30: {  	s3 =	sld [smem:$0x3FB0]  }
0x31: {  	[smem:$0x3FB9] =	sst s10  }
0x32: {  	s10 =	sld [smem:$0x3FB7];
	_ =	sdelay $0x3  }
0x33: {  	p0 =	seq.s32 s10, $0x1;
	s10 =	sld [smem:$0x3FB9];
	_ =	sdelay $0x3  }
0x34: {  	[smem:$0x3FB9] =	sst s10  }
0x35: {  	s10 =	sld [smem:$0x3FB8];
	_ =	sdelay $0x3  }
0x36: {  	p1 =	seq.s32 s10, $0x1;
	s10 =	sld [smem:$0x3FB9];
	_ =	sdelay $0x3  }
0x37: {  	[smem:$0x3FB9] =	sst s10  }
0x38: {  	s10 =	sld [smem:$0x3FBA]  }
0x39: {  	_ = 	snop;
	(pc) =	sbr.ind lr, $3  }
0x3a: {  	_ = 	snop  }
0x3b: {  	_ = 	snop  }
0x3c: {  	p2 =	seq.s32 s10, $0x1;
	s10 =	sld [smem:$0x3FB9]  }
0x3d: {  	_ =	shalt  }
0x3e: {  	_ =	shalt  }
0x3f: {  	_ =	shalt  }
0x40: {  	_ =	shalt  }
0x41: {  	_ =	shalt  }
0x42: {  	_ =	shalt  }
0x43: {  	_ =	shalt  }
0x44: {  	_ =	shalt  }
0x45: {  	_ =	shalt  }
0x46: {  	_ =	shalt  }
0x47: {  	_ =	shalt  }
0x48: {  	_ =	shalt  }
0x49: {  	_ =	shalt  }
0x4a: {  	_ =	shalt  }
0x4b: {  	_ =	shalt  }
0x4c: {  	_ =	shalt  }
0x4d: {  	_ =	shalt  }
0x4e: {  	_ =	shalt  }
0x4f: {  	_ =	shalt  }
0x50: {  	_ =	shalt  }
0x51: {  	_ =	shalt  }
0x52: {  	_ =	shalt  }
0x53: {  	_ =	shalt  }
0x54: {  	_ =	shalt  }
0x55: {  	_ =	shalt  }
0x56: {  	_ =	shalt  }
0x57: {  	_ =	shalt  }
0x58: {  	_ =	shalt  }
0x59: {  	_ =	shalt  }
0x5a: {  	_ =	shalt  }
0x5b: {  	_ =	shalt  }
0x5c: {  	_ =	shalt  }
0x5d: {  	_ =	shalt  }
0x5e: {  	_ =	shalt  }
0x5f: {  	_ =	shalt  }
0x60: {  	_ =	shalt  }
0x61: {  	_ =	shalt  }
0x62: {  	_ =	shalt  }
0x63: {  	_ =	shalt  }
0x64: {  	_ =	shalt  }
0x65: {  	_ =	shalt  }
0x66: {  	_ =	shalt  }
0x67: {  	_ =	shalt  }
0x68: {  	_ =	shalt  }
0x69: {  	_ =	shalt  }
0x6a: {  	_ =	shalt  }
0x6b: {  	_ =	shalt  }
0x6c: {  	_ =	shalt  }
0x6d: {  	_ =	shalt  }
0x6e: {  	_ =	shalt  }
0x6f: {  	_ =	shalt  }
0x70: {  	_ =	shalt  }
0x71: {  	_ =	shalt  }
0x72: {  	_ =	shalt  }
0x73: {  	_ =	shalt  }
0x74: {  	_ =	shalt  }
0x75: {  	_ =	shalt  }
0x76: {  	_ =	shalt  }
0x77: {  	_ =	shalt  }
0x78: {  	_ =	shalt  }
0x79: {  	_ =	shalt  }
0x7a: {  	_ =	shalt  }
0x7b: {  	_ =	shalt  }
0x7c: {  	_ =	shalt  }
0x7d: {  	_ =	shalt  }
0x7e: {  	_ =	shalt  }
0x7f: {  	_ =	shalt  }
0x80: {  	_ =	shalt  }
0x81: {  	_ =	shalt  }
0x82: {  	_ =	shalt  }
0x83: {  	_ =	shalt  }
0x84: {  	_ =	shalt  }
0x85: {  	_ =	shalt  }
0x86: {  	_ =	shalt  }
0x87: {  	_ =	shalt  }
.Lfunc_end0:
.L_simem_size_0:
called_computation_lowered:
.L_overlay_start_0:
0x88: {  	s2 =	sld [smem:$0x3FD9]  }
0x89: {  	s3 =	sld [smem:$0x3FFE];
	_ =	sdelay $0x1  }
0x8a: {  	s1 =	srdreg.scid  }
0x8b: {  	s0 =	sand.u32 $0x1, s1  }
0x8c: {  	s17 =	sshll.u32 s0, $0xA;
	s2 =	sadd.s32 s3, s2  }
0x8d: {  	s2 =	sadd.s32 s2, s17  }
0x8e: {  	[smem:$0x3FC5] =	sst s2  }
0x8f: {  	_ = 	snop  }
0x90: {  	s2 =	sld [smem:$0x3FC9]  }
0x91: {  	s18 =	sld [smem:$0x3FC7];
	(tm) =	ssettm $0x1  }
0x92: {  	s4 =	sld [smem:$0x3FFB];
	_ =	sdelay $0x3  }
0x93: {  	_ =	strace s4  }
0x94: {  	s4 =	sld [smem:$0x3FFC];
	_ =	sdelay $0x3  }
0x95: {  	_ =	strace s4  }
0x96: {  	s4 =	sld [smem:$0x3FFD];
	_ =	sdelay $0x3  }
0x97: {  	_ =	strace s4  }
0x98: {  	_ =	strace $0x8FFFFFFF  }
0x99: {  	s19 =	sld [smem:$0x3FDB];
	_ =	sdelay $0x1  }
0x9a: {  	s5 =	simm.s32 $_scs_section_size  }
0x9b: {  	s6 =	simm.s32 $_size__tile_overlayer_lowered;
	s7 =	simm.s32 $_tile_overlayer_lowered  }
0x9c: {  	s22 =	simm.s32 $0x1BFF;
	s21 =	sshll.u32 s7, $0x1;
	s4 =	sadd.s32 s5, s19  }
0x9d: {  	s8 =	simm.s32 $0x0;
	s20 =	sshll.u32 s6, $0x1;
	s6 =	sadd.s32 s21, s4  }
0x9e: {  	[timem:s8], [sflag:s22] =	dma.local [hbm:s6], s20  }
0x9f: {  	_ =	swait.ge [sflag:s22], s20  }
0xa0: {  	s5 =	ssub.s32 $0x0, s20;
	[sflag:s22] =	ssyncset.done $0x0  }
0xa1: {  	[sflag:s22] =	ssyncadd.s32 s5;
	_ =	sdelay $0x1  }
0xa2: {  	s23 =	simm.s32 $0x1B8B  }
0xa3: {  	_ =	swait.ge [sflag:s23], $0x1  }
0xa4: {  	[sflag:s23] =	ssyncset.done $0x0  }
0xa5: {  	s25 =	simm.s32 $0x1B8E;
	s24 =	sld [smem:$0x3FFE];
	[sflag:s23] =	ssyncadd.s32 $0xFFFFFFFF  }
0xa6: {  	s26 =	simm.s32 $execute0_lowered;
	[smem:$0x3FD2] =	sst s25  }
0xa7: {  	s6 =	sshll.u32 s26, $0x1;
	_ =	strace $0x80000046;
	[dreg:$0x1] =	wrdreg $0xFFFFFFFF  }
0xa8: {  	s28 =	simm.s32 $_size_execute0_lowered;
	s4 =	sadd.s32 s4, s6;
	[dreg:$0x0] =	wrdreg $0x0  }
0xa9: {  	s6 =	sshll.u32 s28, $0x1;
	[dreg:$0x2] =	wrdreg s4  }
0xaa: {  	[dreg:$0x3] =	wrdreg s6  }
0xab: {  	[dreg:$0x4] =	wrdreg $0xC0  }
0xac: {  	_ =	task [dreg:s8], $0x5FFFF  }
0xad: {  	[dreg:$0x1] =	wrdreg $0xFFFFFFFF  }
0xae: {  	[dreg:$0x0] =	wrdreg $0x60  }
0xaf: {  	[dreg:$0x2] =	wrdreg s24  }
0xb0: {  	[dreg:$0x3] =	wrdreg s18  }
0xb1: {  	[dreg:$0x4] =	wrdreg s2  }
0xb2: {  	[dreg:$0x5] =	wrdreg $0x9  }
0xb3: {  	_ =	task.clear_ibuf [dreg:s8], $0x6FFFF;
	_ =	strace $0x90000046  }
0xb4: {  	s29 =	simm.s32 $0x9;
	_ =	strace $0x80000048  }
0xb5: {  	_ =	swait.ge [sflag:s29], $0x1  }
0xb6: {  	[sflag:s29] =	ssyncadd.s32 $0xFFFFFFFF  }
0xb7: {  	_ =	strace $0x90000048  }
0xb8: {  	_ =	sfence  }
0xb9: {  	s30 =	sld [smem:$0x0];
	_ =	sdelay $0x2  }
0xba: {  	s31 =	sshll.u32 s1, $0xD;
	s1 =	sshrl.u32 s1, $0x2  }
0xbb: {  	s3 =	sand.u32 $0x4000, s31;
	s1 =	sadd.s32 s1, s30  }
0xbc: {  	s0 =	sor.u32 s3, s0;
	s1 =	sshll.u32 s1, $0x11  }
0xbd: {  	s0 =	sor.u32 s1, s0  }
0xbe: {  	s0 =	sadd.s32 $0x8F2B, s0  }
0xbf: {  	[sflag:s0] =	ssyncadd.remote.s32 $0x1  }
0xc0: {  	_ =	sfence.sel $0xFFFF  }
0xc1: {  	[dreg:$0x0] =	wrdreg $0xFFFFFFFF;
	(pc) =	sbr.abs _section_cstart, $3  }
0xc2: {  	[dreg:$0x1] =	wrdreg $0xFFFFFFFF  }
0xc3: {  	_ =	task.clear_ibuf [dreg:s8], $0x2FFFF;
	_ =	strace $0x9FFFFFFF  }
0xc4: {  	(tm) =	ssettm $0x7FFFFFFF  }
0xc5: {  	_ =	shalt  }
tec
execute0_lowered:
.L_overlay_start_1:
0x0: {  	(tag) =	ssettag $0x1  }
0x1: {  	s0 =	rddreg [dreg:$0x0]  }
0x2: {  	s2 =	rddreg [dreg:$0x2];
	s3 =	simm.s32 $0x0  }
0x3: {  	s4 =	srdreg.scid;
	s1 =	stileid.u32;
	s22 =	simm.s32 $0x3  }
0x4: {  	s23 =	simm.s32 $0x200;
	s31 =	simm.s32 $0x1;
	s20 =	simm.s32 $0x0  }
0x5: {  	[smem:$0x7FF] =	sst s3;
	s4 =	sand.u32 $0x1, s4;
	s5 =	sshll.u32 s1, $0xA  }
0x6: {  	s9 =	sadd.s32 $0x500, s0;
	s10 =	sadd.s32 $0x580, s0;
	s11 =	sadd.s32 $0x600, s0  }
0x7: {  	s12 =	sadd.s32 $0x680, s0;
	s13 =	sadd.s32 $0x700, s0;
	s14 =	sadd.s32 $0x780, s0  }
0x8: {  	s15 =	sadd.s32 $0x800, s0;
	s16 =	sadd.s32 $0x880, s0;
	s17 =	sadd.s32 $0x900, s0  }
0x9: {  	s18 =	sadd.s32 $0x980, s0;
	s19 =	sadd.s32 $0xA00, s0;
	s21 =	sadd.s32 $0x4F9000, s0  }
0xa: {  	_ =	strace $0x80000047;
	s7 =	ssub.s32 $0x2, s4;
	s6 =	sshll.u32 s4, $0x9  }
.Ltmp0:
0xb: {  	s4 =	sadd.s32 $0x400, s0;
	s5 =	sor.u32 s6, s5;
	(pc) =	sbr.rel .LBB2_1-.Ltmp0, $4  }
0xc: {  	s8 =	sshrl.u32 s7, $0x1;
	s6 =	sadd.s32 $0x4F7400, s0;
	s28 =	sshrl.u32 s5, $0x3  }
0xd: {  	v2 =	vlaneseq.u32;
	s7 =	ssub.s32 s7, s8;
	s8 =	sadd.s32 $0x480, s0;
	s29 =	sadd.s32 s2, s28  }
0xe: {  	vm0 =	vmmov $0xff;
	v1 =	vshrl.u32 v2, $0x3;
	s0 =	simm.s32 $0x20;
	s30 =	smax.u32 s7, $0x1;
	[dreg:$0x4] =	wrdreg s29  }
0xf: {  	v0 =	vand.u32 $0x7, v2;
	v2 =	vor.u32 $0x8, v2;
	v1 =	vmul.u32 $0x8, v1;
	s7 =	simm.s32 $0xE200;
	s2 =	simm.s32 $0x2;
	[dreg:$0x5] =	wrdreg s30  }
.LBB2_10:
0x10: {  	s20 =	rddreg [dreg:$0x6]  }
0x11: {  	s1 =	rddreg [dreg:$0x5];
	s20 =	sadd.s32 $0x1, s20  }
0x12: {  	p0 =	sne.s32 s20, s1  }
.Ltmp1:
0x13: {  	_ = 	snop;
	(pc) =	sbr.rel @!p0 .LBB2_11-.Ltmp1, $1  }
0x14: {  	_ =	sdelay $0x3  }
.LBB2_1:
0x15: {  	[dreg:$0x6] =	wrdreg s20  }
0x16: {  	s1 =	rddreg [dreg:$0x4]  }
0x17: {  	[tilespmem:s3], [sflag:$0x3] =	stream.linear.gather [hbm4b:s1+s3], $0x200, $0x38;
	[tilespmem:$0x1E200] =	vst v63  }
0x18: {  	_ =	swait.ge [sflag:s22], $0x200  }
0x19: {  	[sflag:s22] =	ssyncset.done $0x0  }
0x1a: {  	[sflag:s22] =	ssyncadd.s32 $0xFFFFFE00  }
0x1b: {  	v3 =	vld [tilespmem:$0x0];
	_ =	sdelay $0x4  }
0x1c: {  	v4 =	vshrl.u32 v3, $0x3  }
0x1d: {  	v4 =	vmul.u32 $0x70, v4  }
0x1e: {  	v3 =	vand.u32 $0x7, v3  }
0x1f: {  	v3 =	vor.u32 v3, v4  }
0x20: {  	v4 =	vperm.xlane v3, v0;
	_ =	sdelay $0x1  }
0x21: {  	v3 =	vperm.xlane v3, v2;
	v4 =	vadd.s32 v1, v4;
	_ =	sdelay $0x1  }
0x22: {  	v3 =	vadd.s32 v1, v3;
	_ =	sdelay $0x2  }
0x23: {  	[tilespmem:s23], [sflag:$0x1] =	stream.indirect_vreg.gather [hbm4b:s4+s3], $0x80, v4, vm0, $0xb8;
	[tilespmem:$0x1E200] =	vst v63  }
0x24: {  	s20 =	simm.s32 $0x3A00  }
0x25: {  	[tilespmem:s20], [sflag:$0x1] =	stream.indirect_vreg.gather [hbm4b:s4+s3], $0x80, v3, vm0, $0xb8;
	[tilespmem:$0x1E200] =	vst v63  }
0x26: {  	v3 =	vld [tilespmem:$0x10];
	_ =	sdelay $0x4  }
0x27: {  	v13 =	vshrl.u32 v3, $0x3  }
0x28: {  	v4 =	vmul.u32 $0x70, v13  }
0x29: {  	v3 =	vand.u32 $0x7, v3  }
0x2a: {  	v3 =	vor.u32 v3, v4  }
0x2b: {  	v4 =	vperm.xlane v3, v0;
	_ =	sdelay $0x1  }
0x2c: {  	v3 =	vperm.xlane v3, v2;
	v4 =	vadd.s32 v1, v4;
	_ =	sdelay $0x1  }
0x2d: {  	v3 =	vadd.s32 v1, v3;
	_ =	sdelay $0x1  }
0x2e: {  	s24 =	simm.s32 $0x7200  }
0x2f: {  	[tilespmem:s24], [sflag:$0x1] =	stream.indirect_vreg.gather [hbm4b:s4+s3], $0x80, v4, vm0, $0xb8;
	[tilespmem:$0x1E200] =	vst v63  }
0x30: {  	s25 =	simm.s32 $0xAA00  }
0x31: {  	[tilespmem:s25], [sflag:$0x1] =	stream.indirect_vreg.gather [hbm4b:s4+s3], $0x80, v3, vm0, $0xb8;
	[tilespmem:$0x1E200] =	vst v63  }
0x32: {  	v3 =	vld [tilespmem:$0x0];
	_ =	sdelay $0x4  }
0x33: {  	v14 =	vshrl.u32 v3, $0x3  }
0x34: {  	v4 =	vmul.u32 $0x70, v14  }
0x35: {  	v3 =	vand.u32 $0x7, v3  }
0x36: {  	v3 =	vor.u32 v3, v4  }
0x37: {  	v4 =	vperm.xlane v3, v0;
	_ =	sdelay $0x1  }
0x38: {  	v3 =	vperm.xlane v3, v2;
	v4 =	vadd.s32 v1, v4;
	_ =	sdelay $0x1  }
0x39: {  	v3 =	vadd.s32 v1, v3;
	_ =	sdelay $0x1  }
0x3a: {  	s26 =	simm.s32 $0x600  }
0x3b: {  	[tilespmem:s26], [sflag:$0x1] =	stream.indirect_vreg.gather [hbm4b:s8+s3], $0x80, v4, vm0, $0xb8;
	[tilespmem:$0x1E200] =	vst v63  }
0x3c: {  	s28 =	simm.s32 $0x3E00  }
0x3d: {  	[tilespmem:s28], [sflag:$0x1] =	stream.indirect_vreg.gather [hbm4b:s8+s3], $0x80, v3, vm0, $0xb8;
	[tilespmem:$0x1E200] =	vst v63  }
0x3e: {  	v3 =	vld [tilespmem:$0x10];
	_ =	sdelay $0x4  }
0x3f: {  	v15 =	vshrl.u32 v3, $0x3  }
0x40: {  	v4 =	vmul.u32 $0x70, v15  }
0x41: {  	v3 =	vand.u32 $0x7, v3  }
0x42: {  	v3 =	vor.u32 v3, v4  }
0x43: {  	v4 =	vperm.xlane v3, v0;
	_ =	sdelay $0x1  }
0x44: {  	v3 =	vperm.xlane v3, v2;
	v4 =	vadd.s32 v1, v4;
	_ =	sdelay $0x1  }
0x45: {  	v3 =	vadd.s32 v1, v3;
	_ =	sdelay $0x1  }
0x46: {  	s29 =	simm.s32 $0x7600  }
0x47: {  	[tilespmem:s29], [sflag:$0x1] =	stream.indirect_vreg.gather [hbm4b:s8+s3], $0x80, v4, vm0, $0xb8;
	[tilespmem:$0x1E200] =	vst v63  }
0x48: {  	s30 =	simm.s32 $0xAE00  }
0x49: {  	[tilespmem:s30], [sflag:$0x1] =	stream.indirect_vreg.gather [hbm4b:s8+s3], $0x80, v3, vm0, $0xb8;
	[tilespmem:$0x1E200] =	vst v63  }
0x4a: {  	v3 =	vld [tilespmem:$0x0];
	_ =	sdelay $0x4  }
0x4b: {  	v16 =	vshrl.u32 v3, $0x3  }
0x4c: {  	v4 =	vmul.u32 $0x70, v16  }
0x4d: {  	v3 =	vand.u32 $0x7, v3  }
0x4e: {  	v3 =	vor.u32 v3, v4  }
0x4f: {  	v4 =	vperm.xlane v3, v0;
	_ =	sdelay $0x1  }
0x50: {  	v3 =	vperm.xlane v3, v2;
	v4 =	vadd.s32 v1, v4;
	_ =	sdelay $0x1  }
0x51: {  	v3 =	vadd.s32 v1, v3;
	_ =	sdelay $0x1  }
0x52: {  	s20 =	simm.s32 $0xA00  }
0x53: {  	[tilespmem:s20], [sflag:$0x1] =	stream.indirect_vreg.gather [hbm4b:s9+s3], $0x80, v4, vm0, $0xb8;
	[tilespmem:$0x1E200] =	vst v63  }
0x54: {  	s24 =	simm.s32 $0x4200  }
0x55: {  	[tilespmem:s24], [sflag:$0x1] =	stream.indirect_vreg.gather [hbm4b:s9+s3], $0x80, v3, vm0, $0xb8;
	[tilespmem:$0x1E200] =	vst v63  }
0x56: {  	v3 =	vld [tilespmem:$0x10];
	_ =	sdelay $0x4  }
0x57: {  	v17 =	vshrl.u32 v3, $0x3  }
0x58: {  	v4 =	vmul.u32 $0x70, v17  }
0x59: {  	v3 =	vand.u32 $0x7, v3  }
0x5a: {  	v3 =	vor.u32 v3, v4  }
0x5b: {  	v4 =	vperm.xlane v3, v0;
	_ =	sdelay $0x1  }
0x5c: {  	v3 =	vperm.xlane v3, v2;
	v4 =	vadd.s32 v1, v4;
	_ =	sdelay $0x1  }
0x5d: {  	v3 =	vadd.s32 v1, v3;
	_ =	sdelay $0x1  }
0x5e: {  	s25 =	simm.s32 $0x7A00  }
0x5f: {  	[tilespmem:s25], [sflag:$0x1] =	stream.indirect_vreg.gather [hbm4b:s9+s3], $0x80, v4, vm0, $0xb8;
	[tilespmem:$0x1E200] =	vst v63  }
0x60: {  	s26 =	simm.s32 $0xB200  }
0x61: {  	[tilespmem:s26], [sflag:$0x1] =	stream.indirect_vreg.gather [hbm4b:s9+s3], $0x80, v3, vm0, $0xb8;
	[tilespmem:$0x1E200] =	vst v63  }
0x62: {  	v3 =	vld [tilespmem:$0x0];
	_ =	sdelay $0x4  }
0x63: {  	v18 =	vshrl.u32 v3, $0x3  }
0x64: {  	v4 =	vmul.u32 $0x70, v18  }
0x65: {  	v3 =	vand.u32 $0x7, v3  }
0x66: {  	v3 =	vor.u32 v3, v4  }
0x67: {  	v4 =	vperm.xlane v3, v0;
	_ =	sdelay $0x1  }
0x68: {  	v3 =	vperm.xlane v3, v2;
	v4 =	vadd.s32 v1, v4;
	_ =	sdelay $0x1  }
0x69: {  	v3 =	vadd.s32 v1, v3;
	_ =	sdelay $0x1  }
0x6a: {  	s28 =	simm.s32 $0xE00  }
0x6b: {  	[tilespmem:s28], [sflag:$0x1] =	stream.indirect_vreg.gather [hbm4b:s10+s3], $0x80, v4, vm0, $0xb8;
	[tilespmem:$0x1E200] =	vst v63  }
0x6c: {  	s29 =	simm.s32 $0x4600  }
0x6d: {  	[tilespmem:s29], [sflag:$0x1] =	stream.indirect_vreg.gather [hbm4b:s10+s3], $0x80, v3, vm0, $0xb8;
	[tilespmem:$0x1E200] =	vst v63  }
0x6e: {  	v3 =	vld [tilespmem:$0x10];
	_ =	sdelay $0x4  }
0x6f: {  	v19 =	vshrl.u32 v3, $0x3  }
0x70: {  	v4 =	vmul.u32 $0x70, v19  }
0x71: {  	v3 =	vand.u32 $0x7, v3  }
0x72: {  	v3 =	vor.u32 v3, v4  }
0x73: {  	v4 =	vperm.xlane v3, v0;
	_ =	sdelay $0x1  }
0x74: {  	v3 =	vperm.xlane v3, v2;
	v4 =	vadd.s32 v1, v4;
	_ =	sdelay $0x1  }
0x75: {  	v3 =	vadd.s32 v1, v3;
	_ =	sdelay $0x1  }
0x76: {  	s30 =	simm.s32 $0x7E00  }
0x77: {  	[tilespmem:s30], [sflag:$0x1] =	stream.indirect_vreg.gather [hbm4b:s10+s3], $0x80, v4, vm0, $0xb8;
	[tilespmem:$0x1E200] =	vst v63  }
0x78: {  	s20 =	simm.s32 $0xB600  }
0x79: {  	[tilespmem:s20], [sflag:$0x1] =	stream.indirect_vreg.gather [hbm4b:s10+s3], $0x80, v3, vm0, $0xb8;
	[tilespmem:$0x1E200] =	vst v63  }
0x7a: {  	v3 =	vld [tilespmem:$0x0];
	_ =	sdelay $0x4  }
0x7b: {  	v20 =	vshrl.u32 v3, $0x3  }
0x7c: {  	v4 =	vmul.u32 $0x70, v20  }
0x7d: {  	v3 =	vand.u32 $0x7, v3  }
0x7e: {  	v3 =	vor.u32 v3, v4  }
0x7f: {  	v4 =	vperm.xlane v3, v0;
	_ =	sdelay $0x1  }
0x80: {  	v3 =	vperm.xlane v3, v2;
	v4 =	vadd.s32 v1, v4;
	_ =	sdelay $0x1  }
0x81: {  	v3 =	vadd.s32 v1, v3;
	_ =	sdelay $0x1  }
0x82: {  	s24 =	simm.s32 $0x1200  }
0x83: {  	[tilespmem:s24], [sflag:$0x1] =	stream.indirect_vreg.gather [hbm4b:s11+s3], $0x80, v4, vm0, $0xb8;
	[tilespmem:$0x1E200] =	vst v63  }
0x84: {  	s25 =	simm.s32 $0x4A00  }
0x85: {  	[tilespmem:s25], [sflag:$0x1] =	stream.indirect_vreg.gather [hbm4b:s11+s3], $0x80, v3, vm0, $0xb8;
	[tilespmem:$0x1E200] =	vst v63  }
0x86: {  	v3 =	vld [tilespmem:$0x10];
	_ =	sdelay $0x4  }
0x87: {  	v21 =	vshrl.u32 v3, $0x3  }
0x88: {  	v4 =	vmul.u32 $0x70, v21  }
0x89: {  	v3 =	vand.u32 $0x7, v3  }
0x8a: {  	v3 =	vor.u32 v3, v4  }
0x8b: {  	v4 =	vperm.xlane v3, v0;
	_ =	sdelay $0x1  }
0x8c: {  	v3 =	vperm.xlane v3, v2;
	v4 =	vadd.s32 v1, v4;
	_ =	sdelay $0x1  }
0x8d: {  	v3 =	vadd.s32 v1, v3;
	_ =	sdelay $0x1  }
0x8e: {  	s26 =	simm.s32 $0x8200  }
0x8f: {  	[tilespmem:s26], [sflag:$0x1] =	stream.indirect_vreg.gather [hbm4b:s11+s3], $0x80, v4, vm0, $0xb8;
	[tilespmem:$0x1E200] =	vst v63  }
0x90: {  	s28 =	simm.s32 $0xBA00  }
0x91: {  	[tilespmem:s28], [sflag:$0x1] =	stream.indirect_vreg.gather [hbm4b:s11+s3], $0x80, v3, vm0, $0xb8;
	[tilespmem:$0x1E200] =	vst v63  }
0x92: {  	v3 =	vld [tilespmem:$0x0];
	_ =	sdelay $0x4  }
0x93: {  	v22 =	vshrl.u32 v3, $0x3  }
0x94: {  	v4 =	vmul.u32 $0x70, v22  }
0x95: {  	v3 =	vand.u32 $0x7, v3  }
0x96: {  	v3 =	vor.u32 v3, v4  }
0x97: {  	v4 =	vperm.xlane v3, v0;
	_ =	sdelay $0x1  }
0x98: {  	v3 =	vperm.xlane v3, v2;
	v4 =	vadd.s32 v1, v4;
	_ =	sdelay $0x1  }
0x99: {  	v3 =	vadd.s32 v1, v3;
	_ =	sdelay $0x1  }
0x9a: {  	s29 =	simm.s32 $0x1600  }
0x9b: {  	[tilespmem:s29], [sflag:$0x1] =	stream.indirect_vreg.gather [hbm4b:s12+s3], $0x80, v4, vm0, $0xb8;
	[tilespmem:$0x1E200] =	vst v63  }
0x9c: {  	s30 =	simm.s32 $0x4E00  }
0x9d: {  	[tilespmem:s30], [sflag:$0x1] =	stream.indirect_vreg.gather [hbm4b:s12+s3], $0x80, v3, vm0, $0xb8;
	[tilespmem:$0x1E200] =	vst v63  }
0x9e: {  	v3 =	vld [tilespmem:$0x10];
	_ =	sdelay $0x4  }
0x9f: {  	v23 =	vshrl.u32 v3, $0x3  }
0xa0: {  	v4 =	vmul.u32 $0x70, v23  }
0xa1: {  	v3 =	vand.u32 $0x7, v3  }
0xa2: {  	v3 =	vor.u32 v3, v4  }
0xa3: {  	v4 =	vperm.xlane v3, v0;
	_ =	sdelay $0x1  }
0xa4: {  	v3 =	vperm.xlane v3, v2;
	v4 =	vadd.s32 v1, v4;
	_ =	sdelay $0x1  }
0xa5: {  	v3 =	vadd.s32 v1, v3;
	_ =	sdelay $0x1  }
0xa6: {  	s20 =	simm.s32 $0x8600  }
0xa7: {  	[tilespmem:s20], [sflag:$0x1] =	stream.indirect_vreg.gather [hbm4b:s12+s3], $0x80, v4, vm0, $0xb8;
	[tilespmem:$0x1E200] =	vst v63  }
0xa8: {  	s24 =	simm.s32 $0xBE00  }
0xa9: {  	[tilespmem:s24], [sflag:$0x1] =	stream.indirect_vreg.gather [hbm4b:s12+s3], $0x80, v3, vm0, $0xb8;
	[tilespmem:$0x1E200] =	vst v63  }
0xaa: {  	v3 =	vld [tilespmem:$0x0];
	_ =	sdelay $0x4  }
0xab: {  	v24 =	vshrl.u32 v3, $0x3  }
0xac: {  	v4 =	vmul.u32 $0x70, v24  }
0xad: {  	v3 =	vand.u32 $0x7, v3  }
0xae: {  	v3 =	vor.u32 v3, v4  }
0xaf: {  	v4 =	vperm.xlane v3, v0;
	_ =	sdelay $0x1  }
0xb0: {  	v3 =	vperm.xlane v3, v2;
	v4 =	vadd.s32 v1, v4;
	_ =	sdelay $0x1  }
0xb1: {  	v3 =	vadd.s32 v1, v3;
	_ =	sdelay $0x1  }
0xb2: {  	s25 =	simm.s32 $0x1A00  }
0xb3: {  	[tilespmem:s25], [sflag:$0x1] =	stream.indirect_vreg.gather [hbm4b:s13+s3], $0x80, v4, vm0, $0xb8;
	[tilespmem:$0x1E200] =	vst v63  }
0xb4: {  	s26 =	simm.s32 $0x5200  }
0xb5: {  	[tilespmem:s26], [sflag:$0x1] =	stream.indirect_vreg.gather [hbm4b:s13+s3], $0x80, v3, vm0, $0xb8;
	[tilespmem:$0x1E200] =	vst v63  }
0xb6: {  	v3 =	vld [tilespmem:$0x10];
	_ =	sdelay $0x4  }
0xb7: {  	v25 =	vshrl.u32 v3, $0x3  }
0xb8: {  	v4 =	vmul.u32 $0x70, v25  }
0xb9: {  	v3 =	vand.u32 $0x7, v3  }
0xba: {  	v3 =	vor.u32 v3, v4  }
0xbb: {  	v4 =	vperm.xlane v3, v0;
	_ =	sdelay $0x1  }
0xbc: {  	v3 =	vperm.xlane v3, v2;
	v4 =	vadd.s32 v1, v4;
	_ =	sdelay $0x1  }
0xbd: {  	v3 =	vadd.s32 v1, v3;
	_ =	sdelay $0x1  }
0xbe: {  	s28 =	simm.s32 $0x8A00  }
0xbf: {  	[tilespmem:s28], [sflag:$0x1] =	stream.indirect_vreg.gather [hbm4b:s13+s3], $0x80, v4, vm0, $0xb8;
	[tilespmem:$0x1E200] =	vst v63  }
0xc0: {  	s29 =	simm.s32 $0xC200  }
0xc1: {  	[tilespmem:s29], [sflag:$0x1] =	stream.indirect_vreg.gather [hbm4b:s13+s3], $0x80, v3, vm0, $0xb8;
	[tilespmem:$0x1E200] =	vst v63  }
0xc2: {  	v3 =	vld [tilespmem:$0x0];
	_ =	sdelay $0x4  }
0xc3: {  	v26 =	vshrl.u32 v3, $0x3  }
0xc4: {  	v4 =	vmul.u32 $0x70, v26  }
0xc5: {  	v3 =	vand.u32 $0x7, v3  }
0xc6: {  	v3 =	vor.u32 v3, v4  }
0xc7: {  	v4 =	vperm.xlane v3, v0;
	_ =	sdelay $0x1  }
0xc8: {  	v3 =	vperm.xlane v3, v2;
	v4 =	vadd.s32 v1, v4;
	_ =	sdelay $0x1  }
0xc9: {  	v3 =	vadd.s32 v1, v3;
	_ =	sdelay $0x1  }
0xca: {  	s30 =	simm.s32 $0x1E00  }
0xcb: {  	[tilespmem:s30], [sflag:$0x1] =	stream.indirect_vreg.gather [hbm4b:s14+s3], $0x80, v4, vm0, $0xb8;
	[tilespmem:$0x1E200] =	vst v63  }
0xcc: {  	s20 =	simm.s32 $0x5600  }
0xcd: {  	[tilespmem:s20], [sflag:$0x1] =	stream.indirect_vreg.gather [hbm4b:s14+s3], $0x80, v3, vm0, $0xb8;
	[tilespmem:$0x1E200] =	vst v63  }
0xce: {  	v3 =	vld [tilespmem:$0x10];
	_ =	sdelay $0x4  }
0xcf: {  	v27 =	vshrl.u32 v3, $0x3  }
0xd0: {  	v4 =	vmul.u32 $0x70, v27  }
0xd1: {  	v3 =	vand.u32 $0x7, v3  }
0xd2: {  	v3 =	vor.u32 v3, v4  }
0xd3: {  	v4 =	vperm.xlane v3, v0;
	_ =	sdelay $0x1  }
0xd4: {  	v3 =	vperm.xlane v3, v2;
	v4 =	vadd.s32 v1, v4;
	_ =	sdelay $0x1  }
0xd5: {  	v3 =	vadd.s32 v1, v3;
	_ =	sdelay $0x1  }
0xd6: {  	s24 =	simm.s32 $0x8E00  }
0xd7: {  	[tilespmem:s24], [sflag:$0x1] =	stream.indirect_vreg.gather [hbm4b:s14+s3], $0x80, v4, vm0, $0xb8;
	[tilespmem:$0x1E200] =	vst v63  }
0xd8: {  	s25 =	simm.s32 $0xC600  }
0xd9: {  	[tilespmem:s25], [sflag:$0x1] =	stream.indirect_vreg.gather [hbm4b:s14+s3], $0x80, v3, vm0, $0xb8;
	[tilespmem:$0x1E200] =	vst v63  }
0xda: {  	v3 =	vld [tilespmem:$0x0];
	_ =	sdelay $0x4  }
0xdb: {  	v28 =	vshrl.u32 v3, $0x3  }
0xdc: {  	v4 =	vmul.u32 $0x70, v28  }
0xdd: {  	v3 =	vand.u32 $0x7, v3  }
0xde: {  	v3 =	vor.u32 v3, v4  }
0xdf: {  	v4 =	vperm.xlane v3, v0;
	_ =	sdelay $0x1  }
0xe0: {  	v3 =	vperm.xlane v3, v2;
	v4 =	vadd.s32 v1, v4;
	_ =	sdelay $0x1  }
0xe1: {  	v3 =	vadd.s32 v1, v3;
	_ =	sdelay $0x1  }
0xe2: {  	s26 =	simm.s32 $0x2200  }
0xe3: {  	[tilespmem:s26], [sflag:$0x1] =	stream.indirect_vreg.gather [hbm4b:s15+s3], $0x80, v4, vm0, $0xb8;
	[tilespmem:$0x1E200] =	vst v63  }
0xe4: {  	s28 =	simm.s32 $0x5A00  }
0xe5: {  	[tilespmem:s28], [sflag:$0x1] =	stream.indirect_vreg.gather [hbm4b:s15+s3], $0x80, v3, vm0, $0xb8;
	[tilespmem:$0x1E200] =	vst v63  }
0xe6: {  	v3 =	vld [tilespmem:$0x10];
	_ =	sdelay $0x4  }
0xe7: {  	v29 =	vshrl.u32 v3, $0x3  }
0xe8: {  	v4 =	vmul.u32 $0x70, v29  }
0xe9: {  	v3 =	vand.u32 $0x7, v3  }
0xea: {  	v3 =	vor.u32 v3, v4  }
0xeb: {  	v4 =	vperm.xlane v3, v0;
	_ =	sdelay $0x1  }
0xec: {  	v3 =	vperm.xlane v3, v2;
	v4 =	vadd.s32 v1, v4;
	_ =	sdelay $0x1  }
0xed: {  	v3 =	vadd.s32 v1, v3;
	_ =	sdelay $0x1  }
0xee: {  	s29 =	simm.s32 $0x9200  }
0xef: {  	[tilespmem:s29], [sflag:$0x1] =	stream.indirect_vreg.gather [hbm4b:s15+s3], $0x80, v4, vm0, $0xb8;
	[tilespmem:$0x1E200] =	vst v63  }
0xf0: {  	s30 =	simm.s32 $0xCA00  }
0xf1: {  	[tilespmem:s30], [sflag:$0x1] =	stream.indirect_vreg.gather [hbm4b:s15+s3], $0x80, v3, vm0, $0xb8;
	[tilespmem:$0x1E200] =	vst v63  }
0xf2: {  	v3 =	vld [tilespmem:$0x0];
	_ =	sdelay $0x4  }
0xf3: {  	v30 =	vshrl.u32 v3, $0x3  }
0xf4: {  	v4 =	vmul.u32 $0x70, v30  }
0xf5: {  	v3 =	vand.u32 $0x7, v3  }
0xf6: {  	v3 =	vor.u32 v3, v4  }
0xf7: {  	v4 =	vperm.xlane v3, v0;
	_ =	sdelay $0x1  }
0xf8: {  	v3 =	vperm.xlane v3, v2;
	v4 =	vadd.s32 v1, v4;
	_ =	sdelay $0x1  }
0xf9: {  	v3 =	vadd.s32 v1, v3;
	_ =	sdelay $0x1  }
0xfa: {  	s20 =	simm.s32 $0x2600  }
0xfb: {  	[tilespmem:s20], [sflag:$0x1] =	stream.indirect_vreg.gather [hbm4b:s16+s3], $0x80, v4, vm0, $0xb8;
	[tilespmem:$0x1E200] =	vst v63  }
0xfc: {  	s24 =	simm.s32 $0x5E00  }
0xfd: {  	[tilespmem:s24], [sflag:$0x1] =	stream.indirect_vreg.gather [hbm4b:s16+s3], $0x80, v3, vm0, $0xb8;
	[tilespmem:$0x1E200] =	vst v63  }
0xfe: {  	v3 =	vld [tilespmem:$0x10];
	_ =	sdelay $0x4  }
0xff: {  	v31 =	vshrl.u32 v3, $0x3  }
0x100: {  	v4 =	vmul.u32 $0x70, v31  }
0x101: {  	v3 =	vand.u32 $0x7, v3  }
0x102: {  	v3 =	vor.u32 v3, v4  }
0x103: {  	v4 =	vperm.xlane v3, v0;
	_ =	sdelay $0x1  }
0x104: {  	v3 =	vperm.xlane v3, v2;
	v4 =	vadd.s32 v1, v4;
	_ =	sdelay $0x1  }
0x105: {  	v3 =	vadd.s32 v1, v3;
	_ =	sdelay $0x1  }
0x106: {  	s25 =	simm.s32 $0x9600  }
0x107: {  	[tilespmem:s25], [sflag:$0x1] =	stream.indirect_vreg.gather [hbm4b:s16+s3], $0x80, v4, vm0, $0xb8;
	[tilespmem:$0x1E200] =	vst v63  }
0x108: {  	s26 =	simm.s32 $0xCE00  }
0x109: {  	[tilespmem:s26], [sflag:$0x1] =	stream.indirect_vreg.gather [hbm4b:s16+s3], $0x80, v3, vm0, $0xb8;
	[tilespmem:$0x1E200] =	vst v63  }
0x10a: {  	v3 =	vld [tilespmem:$0x0];
	_ =	sdelay $0x4  }
0x10b: {  	v32 =	vshrl.u32 v3, $0x3  }
0x10c: {  	v4 =	vmul.u32 $0x70, v32  }
0x10d: {  	v3 =	vand.u32 $0x7, v3  }
0x10e: {  	v3 =	vor.u32 v3, v4  }
0x10f: {  	v4 =	vperm.xlane v3, v0;
	_ =	sdelay $0x1  }
0x110: {  	v3 =	vperm.xlane v3, v2;
	v4 =	vadd.s32 v1, v4;
	_ =	sdelay $0x1  }
0x111: {  	v3 =	vadd.s32 v1, v3;
	_ =	sdelay $0x1  }
0x112: {  	s28 =	simm.s32 $0x2A00  }
0x113: {  	[tilespmem:s28], [sflag:$0x1] =	stream.indirect_vreg.gather [hbm4b:s17+s3], $0x80, v4, vm0, $0xb8;
	[tilespmem:$0x1E200] =	vst v63  }
0x114: {  	s29 =	simm.s32 $0x6200  }
0x115: {  	[tilespmem:s29], [sflag:$0x1] =	stream.indirect_vreg.gather [hbm4b:s17+s3], $0x80, v3, vm0, $0xb8;
	[tilespmem:$0x1E200] =	vst v63  }
0x116: {  	v3 =	vld [tilespmem:$0x10];
	_ =	sdelay $0x4  }
0x117: {  	v33 =	vshrl.u32 v3, $0x3  }
0x118: {  	v4 =	vmul.u32 $0x70, v33  }
0x119: {  	v3 =	vand.u32 $0x7, v3  }
0x11a: {  	v3 =	vor.u32 v3, v4  }
0x11b: {  	v4 =	vperm.xlane v3, v0;
	_ =	sdelay $0x1  }
0x11c: {  	v3 =	vperm.xlane v3, v2;
	v4 =	vadd.s32 v1, v4;
	_ =	sdelay $0x1  }
0x11d: {  	v3 =	vadd.s32 v1, v3;
	_ =	sdelay $0x1  }
0x11e: {  	s30 =	simm.s32 $0x9A00  }
0x11f: {  	[tilespmem:s30], [sflag:$0x1] =	stream.indirect_vreg.gather [hbm4b:s17+s3], $0x80, v4, vm0, $0xb8;
	[tilespmem:$0x1E200] =	vst v63  }
0x120: {  	s20 =	simm.s32 $0xD200  }
0x121: {  	[tilespmem:s20], [sflag:$0x1] =	stream.indirect_vreg.gather [hbm4b:s17+s3], $0x80, v3, vm0, $0xb8;
	[tilespmem:$0x1E200] =	vst v63  }
0x122: {  	v3 =	vld [tilespmem:$0x0];
	_ =	sdelay $0x4  }
0x123: {  	v34 =	vshrl.u32 v3, $0x3  }
0x124: {  	v4 =	vmul.u32 $0x70, v34  }
0x125: {  	v3 =	vand.u32 $0x7, v3  }
0x126: {  	v3 =	vor.u32 v3, v4  }
0x127: {  	v4 =	vperm.xlane v3, v0;
	_ =	sdelay $0x1  }
0x128: {  	v3 =	vperm.xlane v3, v2;
	v4 =	vadd.s32 v1, v4;
	_ =	sdelay $0x1  }
0x129: {  	v3 =	vadd.s32 v1, v3;
	_ =	sdelay $0x1  }
0x12a: {  	s24 =	simm.s32 $0x2E00  }
0x12b: {  	[tilespmem:s24], [sflag:$0x1] =	stream.indirect_vreg.gather [hbm4b:s18+s3], $0x80, v4, vm0, $0xb8;
	[tilespmem:$0x1E200] =	vst v63  }
0x12c: {  	s25 =	simm.s32 $0x6600  }
0x12d: {  	[tilespmem:s25], [sflag:$0x1] =	stream.indirect_vreg.gather [hbm4b:s18+s3], $0x80, v3, vm0, $0xb8;
	[tilespmem:$0x1E200] =	vst v63  }
0x12e: {  	v3 =	vld [tilespmem:$0x10];
	_ =	sdelay $0x4  }
0x12f: {  	v35 =	vshrl.u32 v3, $0x3  }
0x130: {  	v4 =	vmul.u32 $0x70, v35  }
0x131: {  	v3 =	vand.u32 $0x7, v3  }
0x132: {  	v3 =	vor.u32 v3, v4  }
0x133: {  	v4 =	vperm.xlane v3, v0;
	_ =	sdelay $0x1  }
0x134: {  	v3 =	vperm.xlane v3, v2;
	v4 =	vadd.s32 v1, v4;
	_ =	sdelay $0x1  }
0x135: {  	v3 =	vadd.s32 v1, v3;
	_ =	sdelay $0x1  }
0x136: {  	s26 =	simm.s32 $0x9E00  }
0x137: {  	[tilespmem:s26], [sflag:$0x1] =	stream.indirect_vreg.gather [hbm4b:s18+s3], $0x80, v4, vm0, $0xb8;
	[tilespmem:$0x1E200] =	vst v63  }
0x138: {  	s28 =	simm.s32 $0xD600  }
0x139: {  	[tilespmem:s28], [sflag:$0x1] =	stream.indirect_vreg.gather [hbm4b:s18+s3], $0x80, v3, vm0, $0xb8;
	[tilespmem:$0x1E200] =	vst v63  }
0x13a: {  	v3 =	vld [tilespmem:$0x0];
	_ =	sdelay $0x4  }
0x13b: {  	v36 =	vshrl.u32 v3, $0x3  }
0x13c: {  	v4 =	vmul.u32 $0x70, v36  }
0x13d: {  	v3 =	vand.u32 $0x7, v3  }
0x13e: {  	v3 =	vor.u32 v3, v4  }
0x13f: {  	v4 =	vperm.xlane v3, v0;
	_ =	sdelay $0x1  }
0x140: {  	v3 =	vperm.xlane v3, v2;
	v4 =	vadd.s32 v1, v4;
	_ =	sdelay $0x1  }
0x141: {  	v3 =	vadd.s32 v1, v3;
	_ =	sdelay $0x1  }
0x142: {  	s29 =	simm.s32 $0x3200  }
0x143: {  	[tilespmem:s29], [sflag:$0x1] =	stream.indirect_vreg.gather [hbm4b:s19+s3], $0x80, v4, vm0, $0xb8;
	[tilespmem:$0x1E200] =	vst v63  }
0x144: {  	s30 =	simm.s32 $0x6A00  }
0x145: {  	[tilespmem:s30], [sflag:$0x1] =	stream.indirect_vreg.gather [hbm4b:s19+s3], $0x80, v3, vm0, $0xb8;
	[tilespmem:$0x1E200] =	vst v63  }
0x146: {  	v3 =	vld [tilespmem:$0x10];
	_ =	sdelay $0x4  }
0x147: {  	v37 =	vshrl.u32 v3, $0x3  }
0x148: {  	v4 =	vmul.u32 $0x70, v37  }
0x149: {  	v3 =	vand.u32 $0x7, v3  }
0x14a: {  	v3 =	vor.u32 v3, v4  }
0x14b: {  	v4 =	vperm.xlane v3, v0;
	_ =	sdelay $0x1  }
0x14c: {  	v3 =	vperm.xlane v3, v2;
	v4 =	vadd.s32 v1, v4;
	_ =	sdelay $0x1  }
0x14d: {  	v3 =	vadd.s32 v1, v3;
	_ =	sdelay $0x1  }
0x14e: {  	s20 =	simm.s32 $0xA200  }
0x14f: {  	[tilespmem:s20], [sflag:$0x1] =	stream.indirect_vreg.gather [hbm4b:s19+s3], $0x80, v4, vm0, $0xb8;
	[tilespmem:$0x1E200] =	vst v63  }
0x150: {  	s24 =	simm.s32 $0xDA00  }
0x151: {  	[tilespmem:s24], [sflag:$0x1] =	stream.indirect_vreg.gather [hbm4b:s19+s3], $0x80, v3, vm0, $0xb8;
	[tilespmem:$0x1E200] =	vst v63  }
0x152: {  	s1 =	rddreg [dreg:$0x1];
	s25 =	simm.s32 $0x1C200  }
0x153: {  	[tilespmem:s25], [sflag:$0x1] =	stream.indirect.gather [hbm4b:s1+s0], $0x80, s3, s0, $0xb8;
	[tilespmem:$0x1E200] =	vst v63  }
0x154: {  	v3 =	vld [tilespmem:$0x20];
	_ =	sdelay $0x4  }
0x155: {  	v38 =	vshrl.u32 v3, $0x3  }
0x156: {  	v4 =	vmul.u32 $0x70, v38  }
0x157: {  	v3 =	vand.u32 $0x7, v3  }
0x158: {  	v3 =	vor.u32 v3, v4  }
0x159: {  	v4 =	vperm.xlane v3, v0;
	_ =	sdelay $0x1  }
0x15a: {  	v3 =	vperm.xlane v3, v2;
	v4 =	vadd.s32 v1, v4;
	_ =	sdelay $0x1  }
0x15b: {  	v3 =	vadd.s32 v1, v3;
	_ =	sdelay $0x2  }
0x15c: {  	[tilespmem:s7], [sflag:$0x2] =	stream.indirect_vreg.gather [hbm4b:s4+s3], $0x80, v4, vm0, $0xb8;
	[tilespmem:$0x1E200] =	vst v63  }
0x15d: {  	s26 =	simm.s32 $0x11A00  }
0x15e: {  	[tilespmem:s26], [sflag:$0x2] =	stream.indirect_vreg.gather [hbm4b:s4+s3], $0x80, v3, vm0, $0xb8;
	[tilespmem:$0x1E200] =	vst v63  }
0x15f: {  	v3 =	vld [tilespmem:$0x30];
	_ =	sdelay $0x4  }
0x160: {  	v39 =	vshrl.u32 v3, $0x3  }
0x161: {  	v4 =	vmul.u32 $0x70, v39  }
0x162: {  	v3 =	vand.u32 $0x7, v3  }
0x163: {  	v3 =	vor.u32 v3, v4  }
0x164: {  	v4 =	vperm.xlane v3, v0;
	_ =	sdelay $0x1  }
0x165: {  	v3 =	vperm.xlane v3, v2;
	v4 =	vadd.s32 v1, v4;
	_ =	sdelay $0x1  }
0x166: {  	v3 =	vadd.s32 v1, v3;
	_ =	sdelay $0x1  }
0x167: {  	s28 =	simm.s32 $0x15200  }
0x168: {  	[tilespmem:s28], [sflag:$0x2] =	stream.indirect_vreg.gather [hbm4b:s4+s3], $0x80, v4, vm0, $0xb8;
	[tilespmem:$0x1E200] =	vst v63  }
0x169: {  	s29 =	simm.s32 $0x18A00  }
0x16a: {  	[tilespmem:s29], [sflag:$0x2] =	stream.indirect_vreg.gather [hbm4b:s4+s3], $0x80, v3, vm0, $0xb8;
	[tilespmem:$0x1E200] =	vst v63  }
0x16b: {  	v3 =	vld [tilespmem:$0x20];
	_ =	sdelay $0x4  }
0x16c: {  	v40 =	vshrl.u32 v3, $0x3  }
0x16d: {  	v4 =	vmul.u32 $0x70, v40  }
0x16e: {  	v3 =	vand.u32 $0x7, v3  }
0x16f: {  	v3 =	vor.u32 v3, v4  }
0x170: {  	v4 =	vperm.xlane v3, v0;
	_ =	sdelay $0x1  }
0x171: {  	v3 =	vperm.xlane v3, v2;
	v4 =	vadd.s32 v1, v4;
	_ =	sdelay $0x1  }
0x172: {  	v3 =	vadd.s32 v1, v3;
	_ =	sdelay $0x1  }
0x173: {  	s30 =	simm.s32 $0xE600  }
0x174: {  	[tilespmem:s30], [sflag:$0x2] =	stream.indirect_vreg.gather [hbm4b:s8+s3], $0x80, v4, vm0, $0xb8;
	[tilespmem:$0x1E200] =	vst v63  }
0x175: {  	s24 =	simm.s32 $0x11E00  }
0x176: {  	[tilespmem:s24], [sflag:$0x2] =	stream.indirect_vreg.gather [hbm4b:s8+s3], $0x80, v3, vm0, $0xb8;
	[tilespmem:$0x1E200] =	vst v63  }
0x177: {  	v3 =	vld [tilespmem:$0x30];
	_ =	sdelay $0x4  }
0x178: {  	v41 =	vshrl.u32 v3, $0x3  }
0x179: {  	v4 =	vmul.u32 $0x70, v41  }
0x17a: {  	v3 =	vand.u32 $0x7, v3  }
0x17b: {  	v3 =	vor.u32 v3, v4  }
0x17c: {  	v4 =	vperm.xlane v3, v0;
	_ =	sdelay $0x1  }
0x17d: {  	v3 =	vperm.xlane v3, v2;
	v4 =	vadd.s32 v1, v4;
	_ =	sdelay $0x1  }
0x17e: {  	v3 =	vadd.s32 v1, v3;
	_ =	sdelay $0x1  }
0x17f: {  	s25 =	simm.s32 $0x15600  }
0x180: {  	[tilespmem:s25], [sflag:$0x2] =	stream.indirect_vreg.gather [hbm4b:s8+s3], $0x80, v4, vm0, $0xb8;
	[tilespmem:$0x1E200] =	vst v63  }
0x181: {  	s26 =	simm.s32 $0x18E00  }
0x182: {  	[tilespmem:s26], [sflag:$0x2] =	stream.indirect_vreg.gather [hbm4b:s8+s3], $0x80, v3, vm0, $0xb8;
	[tilespmem:$0x1E200] =	vst v63  }
0x183: {  	v3 =	vld [tilespmem:$0x20];
	_ =	sdelay $0x4  }
0x184: {  	v42 =	vshrl.u32 v3, $0x3  }
0x185: {  	v4 =	vmul.u32 $0x70, v42  }
0x186: {  	v3 =	vand.u32 $0x7, v3  }
0x187: {  	v3 =	vor.u32 v3, v4  }
0x188: {  	v4 =	vperm.xlane v3, v0;
	_ =	sdelay $0x1  }
0x189: {  	v3 =	vperm.xlane v3, v2;
	v4 =	vadd.s32 v1, v4;
	_ =	sdelay $0x1  }
0x18a: {  	v3 =	vadd.s32 v1, v3;
	_ =	sdelay $0x1  }
0x18b: {  	s28 =	simm.s32 $0xEA00  }
0x18c: {  	[tilespmem:s28], [sflag:$0x2] =	stream.indirect_vreg.gather [hbm4b:s9+s3], $0x80, v4, vm0, $0xb8;
	[tilespmem:$0x1E200] =	vst v63  }
0x18d: {  	s29 =	simm.s32 $0x12200  }
0x18e: {  	[tilespmem:s29], [sflag:$0x2] =	stream.indirect_vreg.gather [hbm4b:s9+s3], $0x80, v3, vm0, $0xb8;
	[tilespmem:$0x1E200] =	vst v63  }
0x18f: {  	v3 =	vld [tilespmem:$0x30];
	_ =	sdelay $0x4  }
0x190: {  	v43 =	vshrl.u32 v3, $0x3  }
0x191: {  	v4 =	vmul.u32 $0x70, v43  }
0x192: {  	v3 =	vand.u32 $0x7, v3  }
0x193: {  	v3 =	vor.u32 v3, v4  }
0x194: {  	v4 =	vperm.xlane v3, v0;
	_ =	sdelay $0x1  }
0x195: {  	v3 =	vperm.xlane v3, v2;
	v4 =	vadd.s32 v1, v4;
	_ =	sdelay $0x1  }
0x196: {  	v3 =	vadd.s32 v1, v3;
	_ =	sdelay $0x1  }
0x197: {  	s30 =	simm.s32 $0x15A00  }
0x198: {  	[tilespmem:s30], [sflag:$0x2] =	stream.indirect_vreg.gather [hbm4b:s9+s3], $0x80, v4, vm0, $0xb8;
	[tilespmem:$0x1E200] =	vst v63  }
0x199: {  	s24 =	simm.s32 $0x19200  }
0x19a: {  	[tilespmem:s24], [sflag:$0x2] =	stream.indirect_vreg.gather [hbm4b:s9+s3], $0x80, v3, vm0, $0xb8;
	[tilespmem:$0x1E200] =	vst v63  }
0x19b: {  	v3 =	vld [tilespmem:$0x20];
	_ =	sdelay $0x4  }
0x19c: {  	v44 =	vshrl.u32 v3, $0x3  }
0x19d: {  	v4 =	vmul.u32 $0x70, v44  }
0x19e: {  	v3 =	vand.u32 $0x7, v3  }
0x19f: {  	v3 =	vor.u32 v3, v4  }
0x1a0: {  	v4 =	vperm.xlane v3, v0;
	_ =	sdelay $0x1  }
0x1a1: {  	v3 =	vperm.xlane v3, v2;
	v4 =	vadd.s32 v1, v4;
	_ =	sdelay $0x1  }
0x1a2: {  	v3 =	vadd.s32 v1, v3;
	_ =	sdelay $0x1  }
0x1a3: {  	s25 =	simm.s32 $0xEE00  }
0x1a4: {  	[tilespmem:s25], [sflag:$0x2] =	stream.indirect_vreg.gather [hbm4b:s10+s3], $0x80, v4, vm0, $0xb8;
	[tilespmem:$0x1E200] =	vst v63  }
0x1a5: {  	s26 =	simm.s32 $0x12600  }
0x1a6: {  	[tilespmem:s26], [sflag:$0x2] =	stream.indirect_vreg.gather [hbm4b:s10+s3], $0x80, v3, vm0, $0xb8;
	[tilespmem:$0x1E200] =	vst v63  }
0x1a7: {  	v3 =	vld [tilespmem:$0x30];
	_ =	sdelay $0x4  }
0x1a8: {  	v45 =	vshrl.u32 v3, $0x3  }
0x1a9: {  	v4 =	vmul.u32 $0x70, v45  }
0x1aa: {  	v3 =	vand.u32 $0x7, v3  }
0x1ab: {  	v3 =	vor.u32 v3, v4  }
0x1ac: {  	v4 =	vperm.xlane v3, v0;
	_ =	sdelay $0x1  }
0x1ad: {  	v3 =	vperm.xlane v3, v2;
	v4 =	vadd.s32 v1, v4;
	_ =	sdelay $0x1  }
0x1ae: {  	v3 =	vadd.s32 v1, v3;
	_ =	sdelay $0x1  }
0x1af: {  	s28 =	simm.s32 $0x15E00  }
0x1b0: {  	[tilespmem:s28], [sflag:$0x2] =	stream.indirect_vreg.gather [hbm4b:s10+s3], $0x80, v4, vm0, $0xb8;
	[tilespmem:$0x1E200] =	vst v63  }
0x1b1: {  	s29 =	simm.s32 $0x19600  }
0x1b2: {  	[tilespmem:s29], [sflag:$0x2] =	stream.indirect_vreg.gather [hbm4b:s10+s3], $0x80, v3, vm0, $0xb8;
	[tilespmem:$0x1E200] =	vst v63  }
0x1b3: {  	v3 =	vld [tilespmem:$0x20];
	_ =	sdelay $0x4  }
0x1b4: {  	v46 =	vshrl.u32 v3, $0x3  }
0x1b5: {  	v4 =	vmul.u32 $0x70, v46  }
0x1b6: {  	v3 =	vand.u32 $0x7, v3  }
0x1b7: {  	v3 =	vor.u32 v3, v4  }
0x1b8: {  	v4 =	vperm.xlane v3, v0;
	_ =	sdelay $0x1  }
0x1b9: {  	v3 =	vperm.xlane v3, v2;
	v4 =	vadd.s32 v1, v4;
	_ =	sdelay $0x1  }
0x1ba: {  	v3 =	vadd.s32 v1, v3;
	_ =	sdelay $0x1  }
0x1bb: {  	s30 =	simm.s32 $0xF200  }
0x1bc: {  	[tilespmem:s30], [sflag:$0x2] =	stream.indirect_vreg.gather [hbm4b:s11+s3], $0x80, v4, vm0, $0xb8;
	[tilespmem:$0x1E200] =	vst v63  }
0x1bd: {  	s24 =	simm.s32 $0x12A00  }
0x1be: {  	[tilespmem:s24], [sflag:$0x2] =	stream.indirect_vreg.gather [hbm4b:s11+s3], $0x80, v3, vm0, $0xb8;
	[tilespmem:$0x1E200] =	vst v63  }
0x1bf: {  	v3 =	vld [tilespmem:$0x30];
	_ =	sdelay $0x4  }
0x1c0: {  	v47 =	vshrl.u32 v3, $0x3  }
0x1c1: {  	v4 =	vmul.u32 $0x70, v47  }
0x1c2: {  	v3 =	vand.u32 $0x7, v3  }
0x1c3: {  	v3 =	vor.u32 v3, v4  }
0x1c4: {  	v4 =	vperm.xlane v3, v0;
	_ =	sdelay $0x1  }
0x1c5: {  	v3 =	vperm.xlane v3, v2;
	v4 =	vadd.s32 v1, v4;
	_ =	sdelay $0x1  }
0x1c6: {  	v3 =	vadd.s32 v1, v3;
	_ =	sdelay $0x1  }
0x1c7: {  	s25 =	simm.s32 $0x16200  }
0x1c8: {  	[tilespmem:s25], [sflag:$0x2] =	stream.indirect_vreg.gather [hbm4b:s11+s3], $0x80, v4, vm0, $0xb8;
	[tilespmem:$0x1E200] =	vst v63  }
0x1c9: {  	s26 =	simm.s32 $0x19A00  }
0x1ca: {  	[tilespmem:s26], [sflag:$0x2] =	stream.indirect_vreg.gather [hbm4b:s11+s3], $0x80, v3, vm0, $0xb8;
	[tilespmem:$0x1E200] =	vst v63  }
0x1cb: {  	v3 =	vld [tilespmem:$0x20];
	_ =	sdelay $0x4  }
0x1cc: {  	v48 =	vshrl.u32 v3, $0x3  }
0x1cd: {  	v4 =	vmul.u32 $0x70, v48  }
0x1ce: {  	v3 =	vand.u32 $0x7, v3  }
0x1cf: {  	v3 =	vor.u32 v3, v4  }
0x1d0: {  	v4 =	vperm.xlane v3, v0;
	_ =	sdelay $0x1  }
0x1d1: {  	v3 =	vperm.xlane v3, v2;
	v4 =	vadd.s32 v1, v4;
	_ =	sdelay $0x1  }
0x1d2: {  	v3 =	vadd.s32 v1, v3;
	_ =	sdelay $0x1  }
0x1d3: {  	s28 =	simm.s32 $0xF600  }
0x1d4: {  	[tilespmem:s28], [sflag:$0x2] =	stream.indirect_vreg.gather [hbm4b:s12+s3], $0x80, v4, vm0, $0xb8;
	[tilespmem:$0x1E200] =	vst v63  }
0x1d5: {  	s29 =	simm.s32 $0x12E00  }
0x1d6: {  	[tilespmem:s29], [sflag:$0x2] =	stream.indirect_vreg.gather [hbm4b:s12+s3], $0x80, v3, vm0, $0xb8;
	[tilespmem:$0x1E200] =	vst v63  }
0x1d7: {  	v3 =	vld [tilespmem:$0x30];
	_ =	sdelay $0x4  }
0x1d8: {  	v49 =	vshrl.u32 v3, $0x3  }
0x1d9: {  	v4 =	vmul.u32 $0x70, v49  }
0x1da: {  	v3 =	vand.u32 $0x7, v3  }
0x1db: {  	v3 =	vor.u32 v3, v4  }
0x1dc: {  	v4 =	vperm.xlane v3, v0;
	_ =	sdelay $0x1  }
0x1dd: {  	v3 =	vperm.xlane v3, v2;
	v4 =	vadd.s32 v1, v4;
	_ =	sdelay $0x1  }
0x1de: {  	v3 =	vadd.s32 v1, v3;
	_ =	sdelay $0x1  }
0x1df: {  	s30 =	simm.s32 $0x16600  }
0x1e0: {  	[tilespmem:s30], [sflag:$0x2] =	stream.indirect_vreg.gather [hbm4b:s12+s3], $0x80, v4, vm0, $0xb8;
	[tilespmem:$0x1E200] =	vst v63  }
0x1e1: {  	s24 =	simm.s32 $0x19E00  }
0x1e2: {  	[tilespmem:s24], [sflag:$0x2] =	stream.indirect_vreg.gather [hbm4b:s12+s3], $0x80, v3, vm0, $0xb8;
	[tilespmem:$0x1E200] =	vst v63  }
0x1e3: {  	v3 =	vld [tilespmem:$0x20];
	_ =	sdelay $0x4  }
0x1e4: {  	v50 =	vshrl.u32 v3, $0x3  }
0x1e5: {  	v4 =	vmul.u32 $0x70, v50  }
0x1e6: {  	v3 =	vand.u32 $0x7, v3  }
0x1e7: {  	v3 =	vor.u32 v3, v4  }
0x1e8: {  	v4 =	vperm.xlane v3, v0;
	_ =	sdelay $0x1  }
0x1e9: {  	v3 =	vperm.xlane v3, v2;
	v4 =	vadd.s32 v1, v4;
	_ =	sdelay $0x1  }
0x1ea: {  	v3 =	vadd.s32 v1, v3;
	_ =	sdelay $0x1  }
0x1eb: {  	s25 =	simm.s32 $0xFA00  }
0x1ec: {  	[tilespmem:s25], [sflag:$0x2] =	stream.indirect_vreg.gather [hbm4b:s13+s3], $0x80, v4, vm0, $0xb8;
	[tilespmem:$0x1E200] =	vst v63  }
0x1ed: {  	s26 =	simm.s32 $0x13200  }
0x1ee: {  	[tilespmem:s26], [sflag:$0x2] =	stream.indirect_vreg.gather [hbm4b:s13+s3], $0x80, v3, vm0, $0xb8;
	[tilespmem:$0x1E200] =	vst v63  }
0x1ef: {  	v3 =	vld [tilespmem:$0x30];
	_ =	sdelay $0x4  }
0x1f0: {  	v51 =	vshrl.u32 v3, $0x3  }
0x1f1: {  	v4 =	vmul.u32 $0x70, v51  }
0x1f2: {  	v3 =	vand.u32 $0x7, v3  }
0x1f3: {  	v3 =	vor.u32 v3, v4  }
0x1f4: {  	v4 =	vperm.xlane v3, v0;
	_ =	sdelay $0x1  }
0x1f5: {  	v3 =	vperm.xlane v3, v2;
	v4 =	vadd.s32 v1, v4;
	_ =	sdelay $0x1  }
0x1f6: {  	v3 =	vadd.s32 v1, v3;
	_ =	sdelay $0x1  }
0x1f7: {  	s28 =	simm.s32 $0x16A00  }
0x1f8: {  	[tilespmem:s28], [sflag:$0x2] =	stream.indirect_vreg.gather [hbm4b:s13+s3], $0x80, v4, vm0, $0xb8;
	[tilespmem:$0x1E200] =	vst v63  }
0x1f9: {  	s29 =	simm.s32 $0x1A200  }
0x1fa: {  	[tilespmem:s29], [sflag:$0x2] =	stream.indirect_vreg.gather [hbm4b:s13+s3], $0x80, v3, vm0, $0xb8;
	[tilespmem:$0x1E200] =	vst v63  }
0x1fb: {  	v3 =	vld [tilespmem:$0x20];
	_ =	sdelay $0x4  }
0x1fc: {  	v52 =	vshrl.u32 v3, $0x3  }
0x1fd: {  	v4 =	vmul.u32 $0x70, v52  }
0x1fe: {  	v3 =	vand.u32 $0x7, v3  }
0x1ff: {  	v3 =	vor.u32 v3, v4  }
0x200: {  	v4 =	vperm.xlane v3, v0;
	_ =	sdelay $0x1  }
0x201: {  	v3 =	vperm.xlane v3, v2;
	v4 =	vadd.s32 v1, v4;
	_ =	sdelay $0x1  }
0x202: {  	v3 =	vadd.s32 v1, v3;
	_ =	sdelay $0x1  }
0x203: {  	s30 =	simm.s32 $0xFE00  }
0x204: {  	[tilespmem:s30], [sflag:$0x2] =	stream.indirect_vreg.gather [hbm4b:s14+s3], $0x80, v4, vm0, $0xb8;
	[tilespmem:$0x1E200] =	vst v63  }
0x205: {  	s24 =	simm.s32 $0x13600  }
0x206: {  	[tilespmem:s24], [sflag:$0x2] =	stream.indirect_vreg.gather [hbm4b:s14+s3], $0x80, v3, vm0, $0xb8;
	[tilespmem:$0x1E200] =	vst v63  }
0x207: {  	v3 =	vld [tilespmem:$0x30];
	_ =	sdelay $0x4  }
0x208: {  	v53 =	vshrl.u32 v3, $0x3  }
0x209: {  	v4 =	vmul.u32 $0x70, v53  }
0x20a: {  	v3 =	vand.u32 $0x7, v3  }
0x20b: {  	v3 =	vor.u32 v3, v4  }
0x20c: {  	v4 =	vperm.xlane v3, v0;
	_ =	sdelay $0x1  }
0x20d: {  	v3 =	vperm.xlane v3, v2;
	v4 =	vadd.s32 v1, v4;
	_ =	sdelay $0x1  }
0x20e: {  	v3 =	vadd.s32 v1, v3;
	_ =	sdelay $0x1  }
0x20f: {  	s25 =	simm.s32 $0x16E00  }
0x210: {  	[tilespmem:s25], [sflag:$0x2] =	stream.indirect_vreg.gather [hbm4b:s14+s3], $0x80, v4, vm0, $0xb8;
	[tilespmem:$0x1E200] =	vst v63  }
0x211: {  	s26 =	simm.s32 $0x1A600  }
0x212: {  	[tilespmem:s26], [sflag:$0x2] =	stream.indirect_vreg.gather [hbm4b:s14+s3], $0x80, v3, vm0, $0xb8;
	[tilespmem:$0x1E200] =	vst v63  }
0x213: {  	v3 =	vld [tilespmem:$0x20];
	_ =	sdelay $0x4  }
0x214: {  	v54 =	vshrl.u32 v3, $0x3  }
0x215: {  	v4 =	vmul.u32 $0x70, v54  }
0x216: {  	v3 =	vand.u32 $0x7, v3  }
0x217: {  	v3 =	vor.u32 v3, v4  }
0x218: {  	v4 =	vperm.xlane v3, v0;
	_ =	sdelay $0x1  }
0x219: {  	v3 =	vperm.xlane v3, v2;
	v4 =	vadd.s32 v1, v4;
	_ =	sdelay $0x1  }
0x21a: {  	v3 =	vadd.s32 v1, v3;
	_ =	sdelay $0x1  }
0x21b: {  	s28 =	simm.s32 $0x10200  }
0x21c: {  	[tilespmem:s28], [sflag:$0x2] =	stream.indirect_vreg.gather [hbm4b:s15+s3], $0x80, v4, vm0, $0xb8;
	[tilespmem:$0x1E200] =	vst v63  }
0x21d: {  	s29 =	simm.s32 $0x13A00  }
0x21e: {  	[tilespmem:s29], [sflag:$0x2] =	stream.indirect_vreg.gather [hbm4b:s15+s3], $0x80, v3, vm0, $0xb8;
	[tilespmem:$0x1E200] =	vst v63  }
0x21f: {  	v3 =	vld [tilespmem:$0x30];
	_ =	sdelay $0x4  }
0x220: {  	v55 =	vshrl.u32 v3, $0x3  }
0x221: {  	v4 =	vmul.u32 $0x70, v55  }
0x222: {  	v3 =	vand.u32 $0x7, v3  }
0x223: {  	v3 =	vor.u32 v3, v4  }
0x224: {  	v4 =	vperm.xlane v3, v0;
	_ =	sdelay $0x1  }
0x225: {  	v3 =	vperm.xlane v3, v2;
	v4 =	vadd.s32 v1, v4;
	_ =	sdelay $0x1  }
0x226: {  	v3 =	vadd.s32 v1, v3;
	_ =	sdelay $0x1  }
0x227: {  	s30 =	simm.s32 $0x17200  }
0x228: {  	[tilespmem:s30], [sflag:$0x2] =	stream.indirect_vreg.gather [hbm4b:s15+s3], $0x80, v4, vm0, $0xb8;
	[tilespmem:$0x1E200] =	vst v63  }
0x229: {  	s24 =	simm.s32 $0x1AA00  }
0x22a: {  	[tilespmem:s24], [sflag:$0x2] =	stream.indirect_vreg.gather [hbm4b:s15+s3], $0x80, v3, vm0, $0xb8;
	[tilespmem:$0x1E200] =	vst v63  }
0x22b: {  	v3 =	vld [tilespmem:$0x20];
	_ =	sdelay $0x4  }
0x22c: {  	v56 =	vshrl.u32 v3, $0x3  }
0x22d: {  	v4 =	vmul.u32 $0x70, v56  }
0x22e: {  	v3 =	vand.u32 $0x7, v3  }
0x22f: {  	v3 =	vor.u32 v3, v4  }
0x230: {  	v4 =	vperm.xlane v3, v0;
	_ =	sdelay $0x1  }
0x231: {  	v3 =	vperm.xlane v3, v2;
	v4 =	vadd.s32 v1, v4;
	_ =	sdelay $0x1  }
0x232: {  	v3 =	vadd.s32 v1, v3;
	_ =	sdelay $0x1  }
0x233: {  	s25 =	simm.s32 $0x10600  }
0x234: {  	[tilespmem:s25], [sflag:$0x2] =	stream.indirect_vreg.gather [hbm4b:s16+s3], $0x80, v4, vm0, $0xb8;
	[tilespmem:$0x1E200] =	vst v63  }
0x235: {  	s26 =	simm.s32 $0x13E00  }
0x236: {  	[tilespmem:s26], [sflag:$0x2] =	stream.indirect_vreg.gather [hbm4b:s16+s3], $0x80, v3, vm0, $0xb8;
	[tilespmem:$0x1E200] =	vst v63  }
0x237: {  	v3 =	vld [tilespmem:$0x30];
	_ =	sdelay $0x4  }
0x238: {  	v57 =	vshrl.u32 v3, $0x3  }
0x239: {  	v4 =	vmul.u32 $0x70, v57  }
0x23a: {  	v3 =	vand.u32 $0x7, v3  }
0x23b: {  	v3 =	vor.u32 v3, v4  }
0x23c: {  	v4 =	vperm.xlane v3, v0;
	_ =	sdelay $0x1  }
0x23d: {  	v3 =	vperm.xlane v3, v2;
	v4 =	vadd.s32 v1, v4;
	_ =	sdelay $0x1  }
0x23e: {  	v3 =	vadd.s32 v1, v3;
	_ =	sdelay $0x1  }
0x23f: {  	s28 =	simm.s32 $0x17600  }
0x240: {  	[tilespmem:s28], [sflag:$0x2] =	stream.indirect_vreg.gather [hbm4b:s16+s3], $0x80, v4, vm0, $0xb8;
	[tilespmem:$0x1E200] =	vst v63  }
0x241: {  	s29 =	simm.s32 $0x1AE00  }
0x242: {  	[tilespmem:s29], [sflag:$0x2] =	stream.indirect_vreg.gather [hbm4b:s16+s3], $0x80, v3, vm0, $0xb8;
	[tilespmem:$0x1E200] =	vst v63  }
0x243: {  	v3 =	vld [tilespmem:$0x20];
	_ =	sdelay $0x4  }
0x244: {  	v58 =	vshrl.u32 v3, $0x3  }
0x245: {  	v4 =	vmul.u32 $0x70, v58  }
0x246: {  	v3 =	vand.u32 $0x7, v3  }
0x247: {  	v3 =	vor.u32 v3, v4  }
0x248: {  	v4 =	vperm.xlane v3, v0;
	_ =	sdelay $0x1  }
0x249: {  	v3 =	vperm.xlane v3, v2;
	v4 =	vadd.s32 v1, v4;
	_ =	sdelay $0x1  }
0x24a: {  	v3 =	vadd.s32 v1, v3;
	_ =	sdelay $0x1  }
0x24b: {  	s30 =	simm.s32 $0x10A00  }
0x24c: {  	[tilespmem:s30], [sflag:$0x2] =	stream.indirect_vreg.gather [hbm4b:s17+s3], $0x80, v4, vm0, $0xb8;
	[tilespmem:$0x1E200] =	vst v63  }
0x24d: {  	s24 =	simm.s32 $0x14200  }
0x24e: {  	[tilespmem:s24], [sflag:$0x2] =	stream.indirect_vreg.gather [hbm4b:s17+s3], $0x80, v3, vm0, $0xb8;
	[tilespmem:$0x1E200] =	vst v63  }
0x24f: {  	v3 =	vld [tilespmem:$0x30];
	_ =	sdelay $0x4  }
0x250: {  	v59 =	vshrl.u32 v3, $0x3  }
0x251: {  	v4 =	vmul.u32 $0x70, v59  }
0x252: {  	v3 =	vand.u32 $0x7, v3  }
0x253: {  	v3 =	vor.u32 v3, v4  }
0x254: {  	v4 =	vperm.xlane v3, v0;
	_ =	sdelay $0x1  }
0x255: {  	v3 =	vperm.xlane v3, v2;
	v4 =	vadd.s32 v1, v4;
	_ =	sdelay $0x1  }
0x256: {  	v3 =	vadd.s32 v1, v3;
	_ =	sdelay $0x1  }
0x257: {  	s25 =	simm.s32 $0x17A00  }
0x258: {  	[tilespmem:s25], [sflag:$0x2] =	stream.indirect_vreg.gather [hbm4b:s17+s3], $0x80, v4, vm0, $0xb8;
	[tilespmem:$0x1E200] =	vst v63  }
0x259: {  	s26 =	simm.s32 $0x1B200  }
0x25a: {  	[tilespmem:s26], [sflag:$0x2] =	stream.indirect_vreg.gather [hbm4b:s17+s3], $0x80, v3, vm0, $0xb8;
	[tilespmem:$0x1E200] =	vst v63  }
0x25b: {  	v3 =	vld [tilespmem:$0x20];
	_ =	sdelay $0x4  }
0x25c: {  	v60 =	vshrl.u32 v3, $0x3  }
0x25d: {  	v4 =	vmul.u32 $0x70, v60  }
0x25e: {  	v3 =	vand.u32 $0x7, v3  }
0x25f: {  	v3 =	vor.u32 v3, v4  }
0x260: {  	v4 =	vperm.xlane v3, v0;
	_ =	sdelay $0x1  }
0x261: {  	v3 =	vperm.xlane v3, v2;
	v4 =	vadd.s32 v1, v4;
	_ =	sdelay $0x1  }
0x262: {  	v3 =	vadd.s32 v1, v3;
	_ =	sdelay $0x1  }
0x263: {  	s28 =	simm.s32 $0x10E00  }
0x264: {  	[tilespmem:s28], [sflag:$0x2] =	stream.indirect_vreg.gather [hbm4b:s18+s3], $0x80, v4, vm0, $0xb8;
	[tilespmem:$0x1E200] =	vst v63  }
0x265: {  	s29 =	simm.s32 $0x14600  }
0x266: {  	[tilespmem:s29], [sflag:$0x2] =	stream.indirect_vreg.gather [hbm4b:s18+s3], $0x80, v3, vm0, $0xb8;
	[tilespmem:$0x1E200] =	vst v63  }
0x267: {  	v3 =	vld [tilespmem:$0x30];
	_ =	sdelay $0x4  }
0x268: {  	v61 =	vshrl.u32 v3, $0x3  }
0x269: {  	v4 =	vmul.u32 $0x70, v61  }
0x26a: {  	v3 =	vand.u32 $0x7, v3  }
0x26b: {  	v3 =	vor.u32 v3, v4  }
0x26c: {  	v4 =	vperm.xlane v3, v0;
	_ =	sdelay $0x1  }
0x26d: {  	v3 =	vperm.xlane v3, v2;
	v4 =	vadd.s32 v1, v4;
	_ =	sdelay $0x1  }
0x26e: {  	v3 =	vadd.s32 v1, v3;
	_ =	sdelay $0x1  }
0x26f: {  	s30 =	simm.s32 $0x17E00  }
0x270: {  	[tilespmem:s30], [sflag:$0x2] =	stream.indirect_vreg.gather [hbm4b:s18+s3], $0x80, v4, vm0, $0xb8;
	[tilespmem:$0x1E200] =	vst v63  }
0x271: {  	s24 =	simm.s32 $0x1B600  }
0x272: {  	[tilespmem:s24], [sflag:$0x2] =	stream.indirect_vreg.gather [hbm4b:s18+s3], $0x80, v3, vm0, $0xb8;
	[tilespmem:$0x1E200] =	vst v63  }
0x273: {  	v3 =	vld [tilespmem:$0x20];
	_ =	sdelay $0x4  }
0x274: {  	v62 =	vshrl.u32 v3, $0x3  }
0x275: {  	v4 =	vmul.u32 $0x70, v62  }
0x276: {  	v3 =	vand.u32 $0x7, v3  }
0x277: {  	v3 =	vor.u32 v3, v4  }
0x278: {  	v4 =	vperm.xlane v3, v0;
	_ =	sdelay $0x1  }
0x279: {  	v3 =	vperm.xlane v3, v2;
	v4 =	vadd.s32 v1, v4;
	_ =	sdelay $0x1  }
0x27a: {  	v3 =	vadd.s32 v1, v3;
	_ =	sdelay $0x1  }
0x27b: {  	s25 =	simm.s32 $0x11200  }
0x27c: {  	[tilespmem:s25], [sflag:$0x2] =	stream.indirect_vreg.gather [hbm4b:s19+s3], $0x80, v4, vm0, $0xb8;
	[tilespmem:$0x1E200] =	vst v63  }
0x27d: {  	s26 =	simm.s32 $0x14A00  }
0x27e: {  	[tilespmem:s26], [sflag:$0x2] =	stream.indirect_vreg.gather [hbm4b:s19+s3], $0x80, v3, vm0, $0xb8;
	[tilespmem:$0x1E200] =	vst v63  }
0x27f: {  	v3 =	vld [tilespmem:$0x30];
	_ =	sdelay $0x4  }
0x280: {  	v63 =	vshrl.u32 v3, $0x3  }
0x281: {  	v4 =	vmul.u32 $0x70, v63  }
0x282: {  	v3 =	vand.u32 $0x7, v3  }
0x283: {  	v3 =	vor.u32 v3, v4  }
0x284: {  	v4 =	vperm.xlane v3, v0;
	_ =	sdelay $0x1  }
0x285: {  	v3 =	vperm.xlane v3, v2;
	v4 =	vadd.s32 v1, v4;
	_ =	sdelay $0x1  }
0x286: {  	v3 =	vadd.s32 v1, v3;
	_ =	sdelay $0x1  }
0x287: {  	s28 =	simm.s32 $0x18200  }
0x288: {  	[tilespmem:s28], [sflag:$0x2] =	stream.indirect_vreg.gather [hbm4b:s19+s3], $0x80, v4, vm0, $0xb8;
	[tilespmem:$0x1E200] =	vst v63  }
0x289: {  	s29 =	simm.s32 $0x1BA00  }
0x28a: {  	[tilespmem:s29], [sflag:$0x2] =	stream.indirect_vreg.gather [hbm4b:s19+s3], $0x80, v3, vm0, $0xb8;
	[tilespmem:$0x1E200] =	vst v63  }
0x28b: {  	s20 =	simm.s32 $0x0;
	s30 =	simm.s32 $0x1D200  }
0x28c: {  	[tilespmem:s30], [sflag:$0x2] =	stream.indirect.gather [hbm4b:s1+s0], $0x80, s0, s0, $0xb8;
	[tilespmem:$0x1E200] =	vst v63  }
.LBB2_2:
0x28d: {  	_ =	swait.ge [sflag:s31], $0x1000  }
0x28e: {  	[sflag:s31] =	ssyncset.done $0x0  }
0x28f: {  	[sflag:s31] =	ssyncadd.s32 $0xFFFFF000  }
0x290: {  	_ =	swait.ge [sflag:s31], $0x1000  }
0x291: {  	[sflag:s31] =	ssyncset.done $0x0  }
0x292: {  	[sflag:s31] =	ssyncadd.s32 $0xFFFFF000  }
0x293: {  	_ =	swait.ge [sflag:s31], $0x1000  }
0x294: {  	[sflag:s31] =	ssyncset.done $0x0  }
0x295: {  	[sflag:s31] =	ssyncadd.s32 $0xFFFFF000  }
0x296: {  	_ =	swait.ge [sflag:s31], $0x1000  }
0x297: {  	[sflag:s31] =	ssyncset.done $0x0  }
0x298: {  	[sflag:s31] =	ssyncadd.s32 $0xFFFFF000  }
0x299: {  	_ =	swait.ge [sflag:s31], $0x1000  }
0x29a: {  	[sflag:s31] =	ssyncset.done $0x0  }
0x29b: {  	[sflag:s31] =	ssyncadd.s32 $0xFFFFF000  }
0x29c: {  	_ =	swait.ge [sflag:s31], $0x1000  }
0x29d: {  	[sflag:s31] =	ssyncset.done $0x0  }
0x29e: {  	[sflag:s31] =	ssyncadd.s32 $0xFFFFF000  }
0x29f: {  	_ =	swait.ge [sflag:s31], $0x1000  }
0x2a0: {  	[sflag:s31] =	ssyncset.done $0x0  }
0x2a1: {  	[sflag:s31] =	ssyncadd.s32 $0xFFFFF000  }
0x2a2: {  	_ =	swait.ge [sflag:s31], $0x1000  }
0x2a3: {  	[sflag:s31] =	ssyncset.done $0x0  }
0x2a4: {  	[sflag:s31] =	ssyncadd.s32 $0xFFFFF000  }
0x2a5: {  	_ =	swait.ge [sflag:s31], $0x1000  }
0x2a6: {  	[sflag:s31] =	ssyncset.done $0x0  }
0x2a7: {  	[sflag:s31] =	ssyncadd.s32 $0xFFFFF000  }
0x2a8: {  	_ =	swait.ge [sflag:s31], $0x1000  }
0x2a9: {  	[sflag:s31] =	ssyncset.done $0x0  }
0x2aa: {  	[sflag:s31] =	ssyncadd.s32 $0xFFFFF000  }
0x2ab: {  	_ =	swait.ge [sflag:s31], $0x1000  }
0x2ac: {  	[sflag:s31] =	ssyncset.done $0x0  }
0x2ad: {  	[sflag:s31] =	ssyncadd.s32 $0xFFFFF000  }
0x2ae: {  	_ =	swait.ge [sflag:s31], $0x1000  }
0x2af: {  	[sflag:s31] =	ssyncset.done $0x0  }
0x2b0: {  	[sflag:s31] =	ssyncadd.s32 $0xFFFFF000  }
0x2b1: {  	_ =	swait.ge [sflag:s31], $0x1000  }
0x2b2: {  	[sflag:s31] =	ssyncset.done $0x0  }
0x2b3: {  	[sflag:s31] =	ssyncadd.s32 $0xFFFFF000  }
0x2b4: {  	_ =	swait.ge [sflag:s31], $0x1000  }
0x2b5: {  	[sflag:s31] =	ssyncset.done $0x0  }
0x2b6: {  	s25 =	simm.s32 $0x1C220;
	[sflag:s31] =	ssyncadd.s32 $0xFFFFF000  }
0x2b7: {  	s24 =	simm.s32 $0x0;
	v3 =	vld [tilespmem:s25+$0xFFFFFFE0]  }
0x2b8: {  	s26 =	smul.u32 $0xE000, s24  }
0x2b9: {  	s24 =	simm.s32 $0x0  }
0x2ba: {  	s28 =	sand.u32 $0x380, s24;
	s26 =	sshra.s32 s26, $0x2  }
0x2bb: {  	s26 =	sor.u32 s28, s26  }
0x2bc: {  	[tilespmem:s26+$0x3600] =	vst v3  }
0x2bd: {  	v3 =	vld [tilespmem:s25+$0xFFFFFFF0];
	_ =	sdelay $0x4  }
0x2be: {  	[tilespmem:s26+$0x3610] =	vst v3  }
0x2bf: {  	v3 =	vld [tilespmem:s25+$0x0];
	_ =	sdelay $0x4  }
0x2c0: {  	[tilespmem:s26+$0x3620] =	vst v3  }
0x2c1: {  	v3 =	vld [tilespmem:s25+$0x10];
	_ =	sdelay $0x4  }
0x2c2: {  	s25 =	simm.s32 $0x1C2A0;
	[tilespmem:s26+$0x3630] =	vst v3  }
0x2c3: {  	s28 =	simm.s32 $0x0;
	s26 =	simm.s32 $0x2;
	v3 =	vld [tilespmem:s25+$0xFFFFFFE0]  }
.LBB2_3:
0x2c4: {  	p0 =	sne.s32 s26, $0x1F;
	s28 =	smul.u32 $0xE000, s28  }
0x2c5: {  	s24 =	sadd.s32 $0x80, s24  }
0x2c6: {  	s29 =	sand.u32 $0x380, s24;
	s28 =	sshra.s32 s28, $0x2  }
0x2c7: {  	s28 =	sor.u32 s29, s28  }
0x2c8: {  	[tilespmem:s28+$0x3600] =	vst v3  }
0x2c9: {  	v3 =	vld [tilespmem:s25+$0xFFFFFFF0];
	_ =	sdelay $0x4  }
0x2ca: {  	[tilespmem:s28+$0x3610] =	vst v3  }
0x2cb: {  	v3 =	vld [tilespmem:s25+$0x0];
	_ =	sdelay $0x4  }
0x2cc: {  	[tilespmem:s28+$0x3620] =	vst v3  }
0x2cd: {  	v3 =	vld [tilespmem:s25+$0x10];
	_ =	sdelay $0x1  }
.Ltmp2:
0x2ce: {  	(pc) =	sbr.rel @p0 .LBB2_3-.Ltmp2, $3  }
0x2cf: {  	_ =	sdelay $0x1  }
0x2d0: {  	s25 =	sadd.s32 $0x80, s25;
	[tilespmem:s28+$0x3630] =	vst v3  }
0x2d1: {  	s28 =	sshrl.u32 s26, $0x3;
	s26 =	sadd.s32 $0x1, s26;
	v3 =	vld [tilespmem:s25+$0xFFFFFFE0]  }
0x2d2: {  	s26 =	smul.u32 $0xE000, s28  }
0x2d3: {  	s24 =	sadd.s32 $0x80, s24  }
0x2d4: {  	s24 =	sand.u32 $0x380, s24;
	s26 =	sshra.s32 s26, $0x2  }
0x2d5: {  	s24 =	sor.u32 s24, s26  }
0x2d6: {  	[tilespmem:s24+$0x3600] =	vst v3  }
0x2d7: {  	v3 =	vld [tilespmem:s25+$0xFFFFFFF0];
	_ =	sdelay $0x4  }
0x2d8: {  	[tilespmem:s24+$0x3610] =	vst v3  }
0x2d9: {  	v3 =	vld [tilespmem:s25+$0x0];
	_ =	sdelay $0x4  }
0x2da: {  	[tilespmem:s24+$0x3620] =	vst v3  }
0x2db: {  	s29 =	sshll.u32 s20, $0x6;
	v3 =	vld [tilespmem:s25+$0x10]  }
0x2dc: {  	s25 =	sor.u32 s5, s29  }
0x2dd: {  	s25 =	sshrl.u32 s25, $0x3  }
0x2de: {  	s25 =	smul.u32 $0x700, s25  }
0x2df: {  	p0 =	seq.s32 s20, $0x7  }
.Ltmp3:
0x2e0: {  	s30 =	sadd.s32 s6, s25;
	[tilespmem:s24+$0x3630] =	vst v3;
	(pc) =	sbr.rel @p0 .LBB2_6-.Ltmp3, $4  }
0x2e1: {  	[hbm4b:s30+s3] =	stream.linear.scatter [tilespmem:s23], [sflag:$0x3], $0xE000, $0x38;
	[tilespmem:$0x1E200] =	vst v63  }
0x2e2: {  	_ =	swait.ge [sflag:s22], $0xE000  }
0x2e3: {  	[sflag:s22] =	ssyncset.done $0x0  }
0x2e4: {  	s24 =	sshll.u32 s20, $0x8;
	[sflag:s22] =	ssyncadd.s32 $0xFFFF2000  }
0x2e5: {  	s26 =	sshrl.u32 s24, $0x2  }
0x2e6: {  	v3 =	vld [tilespmem:s26+$0x40];
	_ =	sdelay $0x4  }
0x2e7: {  	v4 =	vshrl.u32 v3, $0x3  }
0x2e8: {  	v4 =	vmul.u32 $0x70, v4  }
0x2e9: {  	v3 =	vand.u32 $0x7, v3  }
0x2ea: {  	v3 =	vor.u32 v3, v4  }
0x2eb: {  	v4 =	vperm.xlane v3, v0;
	_ =	sdelay $0x1  }
0x2ec: {  	v3 =	vperm.xlane v3, v2;
	v4 =	vadd.s32 v1, v4;
	_ =	sdelay $0x1  }
0x2ed: {  	v3 =	vadd.s32 v1, v3;
	_ =	sdelay $0x2  }
0x2ee: {  	[tilespmem:s23], [sflag:$0x1] =	stream.indirect_vreg.gather [hbm4b:s4+s3], $0x80, v4, vm0, $0xb8;
	[tilespmem:$0x1E200] =	vst v63  }
0x2ef: {  	s1 =	simm.s32 $0x3A00  }
0x2f0: {  	[tilespmem:s1], [sflag:$0x1] =	stream.indirect_vreg.gather [hbm4b:s4+s3], $0x80, v3, vm0, $0xb8;
	[tilespmem:$0x1E200] =	vst v63  }
0x2f1: {  	v3 =	vld [tilespmem:s26+$0x50];
	_ =	sdelay $0x4  }
0x2f2: {  	v39 =	vshrl.u32 v3, $0x3  }
0x2f3: {  	v4 =	vmul.u32 $0x70, v39  }
0x2f4: {  	v3 =	vand.u32 $0x7, v3  }
0x2f5: {  	v3 =	vor.u32 v3, v4  }
0x2f6: {  	v4 =	vperm.xlane v3, v0;
	_ =	sdelay $0x1  }
0x2f7: {  	v3 =	vperm.xlane v3, v2;
	v4 =	vadd.s32 v1, v4;
	_ =	sdelay $0x1  }
0x2f8: {  	v3 =	vadd.s32 v1, v3;
	_ =	sdelay $0x1  }
0x2f9: {  	s28 =	simm.s32 $0x7200  }
0x2fa: {  	[tilespmem:s28], [sflag:$0x1] =	stream.indirect_vreg.gather [hbm4b:s4+s3], $0x80, v4, vm0, $0xb8;
	[tilespmem:$0x1E200] =	vst v63  }
0x2fb: {  	s29 =	simm.s32 $0xAA00  }
0x2fc: {  	[tilespmem:s29], [sflag:$0x1] =	stream.indirect_vreg.gather [hbm4b:s4+s3], $0x80, v3, vm0, $0xb8;
	[tilespmem:$0x1E200] =	vst v63  }
0x2fd: {  	v3 =	vld [tilespmem:s26+$0x40];
	_ =	sdelay $0x4  }
0x2fe: {  	v40 =	vshrl.u32 v3, $0x3  }
0x2ff: {  	v4 =	vmul.u32 $0x70, v40  }
0x300: {  	v3 =	vand.u32 $0x7, v3  }
0x301: {  	v3 =	vor.u32 v3, v4  }
0x302: {  	v4 =	vperm.xlane v3, v0;
	_ =	sdelay $0x1  }
0x303: {  	v3 =	vperm.xlane v3, v2;
	v4 =	vadd.s32 v1, v4;
	_ =	sdelay $0x1  }
0x304: {  	v3 =	vadd.s32 v1, v3;
	_ =	sdelay $0x1  }
0x305: {  	s30 =	simm.s32 $0x600  }
0x306: {  	[tilespmem:s30], [sflag:$0x1] =	stream.indirect_vreg.gather [hbm4b:s8+s3], $0x80, v4, vm0, $0xb8;
	[tilespmem:$0x1E200] =	vst v63  }
0x307: {  	s28 =	simm.s32 $0x3E00  }
0x308: {  	[tilespmem:s28], [sflag:$0x1] =	stream.indirect_vreg.gather [hbm4b:s8+s3], $0x80, v3, vm0, $0xb8;
	[tilespmem:$0x1E200] =	vst v63  }
0x309: {  	v3 =	vld [tilespmem:s26+$0x50];
	_ =	sdelay $0x4  }
0x30a: {  	v41 =	vshrl.u32 v3, $0x3  }
0x30b: {  	v4 =	vmul.u32 $0x70, v41  }
0x30c: {  	v3 =	vand.u32 $0x7, v3  }
0x30d: {  	v3 =	vor.u32 v3, v4  }
0x30e: {  	v4 =	vperm.xlane v3, v0;
	_ =	sdelay $0x1  }
0x30f: {  	v3 =	vperm.xlane v3, v2;
	v4 =	vadd.s32 v1, v4;
	_ =	sdelay $0x1  }
0x310: {  	v3 =	vadd.s32 v1, v3;
	_ =	sdelay $0x1  }
0x311: {  	s29 =	simm.s32 $0x7600  }
0x312: {  	[tilespmem:s29], [sflag:$0x1] =	stream.indirect_vreg.gather [hbm4b:s8+s3], $0x80, v4, vm0, $0xb8;
	[tilespmem:$0x1E200] =	vst v63  }
0x313: {  	s30 =	simm.s32 $0xAE00  }
0x314: {  	[tilespmem:s30], [sflag:$0x1] =	stream.indirect_vreg.gather [hbm4b:s8+s3], $0x80, v3, vm0, $0xb8;
	[tilespmem:$0x1E200] =	vst v63  }
0x315: {  	v3 =	vld [tilespmem:s26+$0x40];
	_ =	sdelay $0x4  }
0x316: {  	v42 =	vshrl.u32 v3, $0x3  }
0x317: {  	v4 =	vmul.u32 $0x70, v42  }
0x318: {  	v3 =	vand.u32 $0x7, v3  }
0x319: {  	v3 =	vor.u32 v3, v4  }
0x31a: {  	v4 =	vperm.xlane v3, v0;
	_ =	sdelay $0x1  }
0x31b: {  	v3 =	vperm.xlane v3, v2;
	v4 =	vadd.s32 v1, v4;
	_ =	sdelay $0x1  }
0x31c: {  	v3 =	vadd.s32 v1, v3;
	_ =	sdelay $0x1  }
0x31d: {  	s28 =	simm.s32 $0xA00  }
0x31e: {  	[tilespmem:s28], [sflag:$0x1] =	stream.indirect_vreg.gather [hbm4b:s9+s3], $0x80, v4, vm0, $0xb8;
	[tilespmem:$0x1E200] =	vst v63  }
0x31f: {  	s29 =	simm.s32 $0x4200  }
0x320: {  	[tilespmem:s29], [sflag:$0x1] =	stream.indirect_vreg.gather [hbm4b:s9+s3], $0x80, v3, vm0, $0xb8;
	[tilespmem:$0x1E200] =	vst v63  }
0x321: {  	v3 =	vld [tilespmem:s26+$0x50];
	_ =	sdelay $0x4  }
0x322: {  	v43 =	vshrl.u32 v3, $0x3  }
0x323: {  	v4 =	vmul.u32 $0x70, v43  }
0x324: {  	v3 =	vand.u32 $0x7, v3  }
0x325: {  	v3 =	vor.u32 v3, v4  }
0x326: {  	v4 =	vperm.xlane v3, v0;
	_ =	sdelay $0x1  }
0x327: {  	v3 =	vperm.xlane v3, v2;
	v4 =	vadd.s32 v1, v4;
	_ =	sdelay $0x1  }
0x328: {  	v3 =	vadd.s32 v1, v3;
	_ =	sdelay $0x1  }
0x329: {  	s30 =	simm.s32 $0x7A00  }
0x32a: {  	[tilespmem:s30], [sflag:$0x1] =	stream.indirect_vreg.gather [hbm4b:s9+s3], $0x80, v4, vm0, $0xb8;
	[tilespmem:$0x1E200] =	vst v63  }
0x32b: {  	s28 =	simm.s32 $0xB200  }
0x32c: {  	[tilespmem:s28], [sflag:$0x1] =	stream.indirect_vreg.gather [hbm4b:s9+s3], $0x80, v3, vm0, $0xb8;
	[tilespmem:$0x1E200] =	vst v63  }
0x32d: {  	v3 =	vld [tilespmem:s26+$0x40];
	_ =	sdelay $0x4  }
0x32e: {  	v44 =	vshrl.u32 v3, $0x3  }
0x32f: {  	v4 =	vmul.u32 $0x70, v44  }
0x330: {  	v3 =	vand.u32 $0x7, v3  }
0x331: {  	v3 =	vor.u32 v3, v4  }
0x332: {  	v4 =	vperm.xlane v3, v0;
	_ =	sdelay $0x1  }
0x333: {  	v3 =	vperm.xlane v3, v2;
	v4 =	vadd.s32 v1, v4;
	_ =	sdelay $0x1  }
0x334: {  	v3 =	vadd.s32 v1, v3;
	_ =	sdelay $0x1  }
0x335: {  	s29 =	simm.s32 $0xE00  }
0x336: {  	[tilespmem:s29], [sflag:$0x1] =	stream.indirect_vreg.gather [hbm4b:s10+s3], $0x80, v4, vm0, $0xb8;
	[tilespmem:$0x1E200] =	vst v63  }
0x337: {  	s30 =	simm.s32 $0x4600  }
0x338: {  	[tilespmem:s30], [sflag:$0x1] =	stream.indirect_vreg.gather [hbm4b:s10+s3], $0x80, v3, vm0, $0xb8;
	[tilespmem:$0x1E200] =	vst v63  }
0x339: {  	v3 =	vld [tilespmem:s26+$0x50];
	_ =	sdelay $0x4  }
0x33a: {  	v45 =	vshrl.u32 v3, $0x3  }
0x33b: {  	v4 =	vmul.u32 $0x70, v45  }
0x33c: {  	v3 =	vand.u32 $0x7, v3  }
0x33d: {  	v3 =	vor.u32 v3, v4  }
0x33e: {  	v4 =	vperm.xlane v3, v0;
	_ =	sdelay $0x1  }
0x33f: {  	v3 =	vperm.xlane v3, v2;
	v4 =	vadd.s32 v1, v4;
	_ =	sdelay $0x1  }
0x340: {  	v3 =	vadd.s32 v1, v3;
	_ =	sdelay $0x1  }
0x341: {  	s28 =	simm.s32 $0x7E00  }
0x342: {  	[tilespmem:s28], [sflag:$0x1] =	stream.indirect_vreg.gather [hbm4b:s10+s3], $0x80, v4, vm0, $0xb8;
	[tilespmem:$0x1E200] =	vst v63  }
0x343: {  	s29 =	simm.s32 $0xB600  }
0x344: {  	[tilespmem:s29], [sflag:$0x1] =	stream.indirect_vreg.gather [hbm4b:s10+s3], $0x80, v3, vm0, $0xb8;
	[tilespmem:$0x1E200] =	vst v63  }
0x345: {  	v3 =	vld [tilespmem:s26+$0x40];
	_ =	sdelay $0x4  }
0x346: {  	v46 =	vshrl.u32 v3, $0x3  }
0x347: {  	v4 =	vmul.u32 $0x70, v46  }
0x348: {  	v3 =	vand.u32 $0x7, v3  }
0x349: {  	v3 =	vor.u32 v3, v4  }
0x34a: {  	v4 =	vperm.xlane v3, v0;
	_ =	sdelay $0x1  }
0x34b: {  	v3 =	vperm.xlane v3, v2;
	v4 =	vadd.s32 v1, v4;
	_ =	sdelay $0x1  }
0x34c: {  	v3 =	vadd.s32 v1, v3;
	_ =	sdelay $0x1  }
0x34d: {  	s30 =	simm.s32 $0x1200  }
0x34e: {  	[tilespmem:s30], [sflag:$0x1] =	stream.indirect_vreg.gather [hbm4b:s11+s3], $0x80, v4, vm0, $0xb8;
	[tilespmem:$0x1E200] =	vst v63  }
0x34f: {  	s28 =	simm.s32 $0x4A00  }
0x350: {  	[tilespmem:s28], [sflag:$0x1] =	stream.indirect_vreg.gather [hbm4b:s11+s3], $0x80, v3, vm0, $0xb8;
	[tilespmem:$0x1E200] =	vst v63  }
0x351: {  	v3 =	vld [tilespmem:s26+$0x50];
	_ =	sdelay $0x4  }
0x352: {  	v47 =	vshrl.u32 v3, $0x3  }
0x353: {  	v4 =	vmul.u32 $0x70, v47  }
0x354: {  	v3 =	vand.u32 $0x7, v3  }
0x355: {  	v3 =	vor.u32 v3, v4  }
0x356: {  	v4 =	vperm.xlane v3, v0;
	_ =	sdelay $0x1  }
0x357: {  	v3 =	vperm.xlane v3, v2;
	v4 =	vadd.s32 v1, v4;
	_ =	sdelay $0x1  }
0x358: {  	v3 =	vadd.s32 v1, v3;
	_ =	sdelay $0x1  }
0x359: {  	s29 =	simm.s32 $0x8200  }
0x35a: {  	[tilespmem:s29], [sflag:$0x1] =	stream.indirect_vreg.gather [hbm4b:s11+s3], $0x80, v4, vm0, $0xb8;
	[tilespmem:$0x1E200] =	vst v63  }
0x35b: {  	s30 =	simm.s32 $0xBA00  }
0x35c: {  	[tilespmem:s30], [sflag:$0x1] =	stream.indirect_vreg.gather [hbm4b:s11+s3], $0x80, v3, vm0, $0xb8;
	[tilespmem:$0x1E200] =	vst v63  }
0x35d: {  	v3 =	vld [tilespmem:s26+$0x40];
	_ =	sdelay $0x4  }
0x35e: {  	v48 =	vshrl.u32 v3, $0x3  }
0x35f: {  	v4 =	vmul.u32 $0x70, v48  }
0x360: {  	v3 =	vand.u32 $0x7, v3  }
0x361: {  	v3 =	vor.u32 v3, v4  }
0x362: {  	v4 =	vperm.xlane v3, v0;
	_ =	sdelay $0x1  }
0x363: {  	v3 =	vperm.xlane v3, v2;
	v4 =	vadd.s32 v1, v4;
	_ =	sdelay $0x1  }
0x364: {  	v3 =	vadd.s32 v1, v3;
	_ =	sdelay $0x1  }
0x365: {  	s28 =	simm.s32 $0x1600  }
0x366: {  	[tilespmem:s28], [sflag:$0x1] =	stream.indirect_vreg.gather [hbm4b:s12+s3], $0x80, v4, vm0, $0xb8;
	[tilespmem:$0x1E200] =	vst v63  }
0x367: {  	s29 =	simm.s32 $0x4E00  }
0x368: {  	[tilespmem:s29], [sflag:$0x1] =	stream.indirect_vreg.gather [hbm4b:s12+s3], $0x80, v3, vm0, $0xb8;
	[tilespmem:$0x1E200] =	vst v63  }
0x369: {  	v3 =	vld [tilespmem:s26+$0x50];
	_ =	sdelay $0x4  }
0x36a: {  	v49 =	vshrl.u32 v3, $0x3  }
0x36b: {  	v4 =	vmul.u32 $0x70, v49  }
0x36c: {  	v3 =	vand.u32 $0x7, v3  }
0x36d: {  	v3 =	vor.u32 v3, v4  }
0x36e: {  	v4 =	vperm.xlane v3, v0;
	_ =	sdelay $0x1  }
0x36f: {  	v3 =	vperm.xlane v3, v2;
	v4 =	vadd.s32 v1, v4;
	_ =	sdelay $0x1  }
0x370: {  	v3 =	vadd.s32 v1, v3;
	_ =	sdelay $0x1  }
0x371: {  	s30 =	simm.s32 $0x8600  }
0x372: {  	[tilespmem:s30], [sflag:$0x1] =	stream.indirect_vreg.gather [hbm4b:s12+s3], $0x80, v4, vm0, $0xb8;
	[tilespmem:$0x1E200] =	vst v63  }
0x373: {  	s28 =	simm.s32 $0xBE00  }
0x374: {  	[tilespmem:s28], [sflag:$0x1] =	stream.indirect_vreg.gather [hbm4b:s12+s3], $0x80, v3, vm0, $0xb8;
	[tilespmem:$0x1E200] =	vst v63  }
0x375: {  	v3 =	vld [tilespmem:s26+$0x40];
	_ =	sdelay $0x4  }
0x376: {  	v50 =	vshrl.u32 v3, $0x3  }
0x377: {  	v4 =	vmul.u32 $0x70, v50  }
0x378: {  	v3 =	vand.u32 $0x7, v3  }
0x379: {  	v3 =	vor.u32 v3, v4  }
0x37a: {  	v4 =	vperm.xlane v3, v0;
	_ =	sdelay $0x1  }
0x37b: {  	v3 =	vperm.xlane v3, v2;
	v4 =	vadd.s32 v1, v4;
	_ =	sdelay $0x1  }
0x37c: {  	v3 =	vadd.s32 v1, v3;
	_ =	sdelay $0x1  }
0x37d: {  	s29 =	simm.s32 $0x1A00  }
0x37e: {  	[tilespmem:s29], [sflag:$0x1] =	stream.indirect_vreg.gather [hbm4b:s13+s3], $0x80, v4, vm0, $0xb8;
	[tilespmem:$0x1E200] =	vst v63  }
0x37f: {  	s30 =	simm.s32 $0x5200  }
0x380: {  	[tilespmem:s30], [sflag:$0x1] =	stream.indirect_vreg.gather [hbm4b:s13+s3], $0x80, v3, vm0, $0xb8;
	[tilespmem:$0x1E200] =	vst v63  }
0x381: {  	v3 =	vld [tilespmem:s26+$0x50];
	_ =	sdelay $0x4  }
0x382: {  	v51 =	vshrl.u32 v3, $0x3  }
0x383: {  	v4 =	vmul.u32 $0x70, v51  }
0x384: {  	v3 =	vand.u32 $0x7, v3  }
0x385: {  	v3 =	vor.u32 v3, v4  }
0x386: {  	v4 =	vperm.xlane v3, v0;
	_ =	sdelay $0x1  }
0x387: {  	v3 =	vperm.xlane v3, v2;
	v4 =	vadd.s32 v1, v4;
	_ =	sdelay $0x1  }
0x388: {  	v3 =	vadd.s32 v1, v3;
	_ =	sdelay $0x1  }
0x389: {  	s28 =	simm.s32 $0x8A00  }
0x38a: {  	[tilespmem:s28], [sflag:$0x1] =	stream.indirect_vreg.gather [hbm4b:s13+s3], $0x80, v4, vm0, $0xb8;
	[tilespmem:$0x1E200] =	vst v63  }
0x38b: {  	s29 =	simm.s32 $0xC200  }
0x38c: {  	[tilespmem:s29], [sflag:$0x1] =	stream.indirect_vreg.gather [hbm4b:s13+s3], $0x80, v3, vm0, $0xb8;
	[tilespmem:$0x1E200] =	vst v63  }
0x38d: {  	v3 =	vld [tilespmem:s26+$0x40];
	_ =	sdelay $0x4  }
0x38e: {  	v52 =	vshrl.u32 v3, $0x3  }
0x38f: {  	v4 =	vmul.u32 $0x70, v52  }
0x390: {  	v3 =	vand.u32 $0x7, v3  }
0x391: {  	v3 =	vor.u32 v3, v4  }
0x392: {  	v4 =	vperm.xlane v3, v0;
	_ =	sdelay $0x1  }
0x393: {  	v3 =	vperm.xlane v3, v2;
	v4 =	vadd.s32 v1, v4;
	_ =	sdelay $0x1  }
0x394: {  	v3 =	vadd.s32 v1, v3;
	_ =	sdelay $0x1  }
0x395: {  	s30 =	simm.s32 $0x1E00  }
0x396: {  	[tilespmem:s30], [sflag:$0x1] =	stream.indirect_vreg.gather [hbm4b:s14+s3], $0x80, v4, vm0, $0xb8;
	[tilespmem:$0x1E200] =	vst v63  }
0x397: {  	s28 =	simm.s32 $0x5600  }
0x398: {  	[tilespmem:s28], [sflag:$0x1] =	stream.indirect_vreg.gather [hbm4b:s14+s3], $0x80, v3, vm0, $0xb8;
	[tilespmem:$0x1E200] =	vst v63  }
0x399: {  	v3 =	vld [tilespmem:s26+$0x50];
	_ =	sdelay $0x4  }
0x39a: {  	v53 =	vshrl.u32 v3, $0x3  }
0x39b: {  	v4 =	vmul.u32 $0x70, v53  }
0x39c: {  	v3 =	vand.u32 $0x7, v3  }
0x39d: {  	v3 =	vor.u32 v3, v4  }
0x39e: {  	v4 =	vperm.xlane v3, v0;
	_ =	sdelay $0x1  }
0x39f: {  	v3 =	vperm.xlane v3, v2;
	v4 =	vadd.s32 v1, v4;
	_ =	sdelay $0x1  }
0x3a0: {  	v3 =	vadd.s32 v1, v3;
	_ =	sdelay $0x1  }
0x3a1: {  	s29 =	simm.s32 $0x8E00  }
0x3a2: {  	[tilespmem:s29], [sflag:$0x1] =	stream.indirect_vreg.gather [hbm4b:s14+s3], $0x80, v4, vm0, $0xb8;
	[tilespmem:$0x1E200] =	vst v63  }
0x3a3: {  	s30 =	simm.s32 $0xC600  }
0x3a4: {  	[tilespmem:s30], [sflag:$0x1] =	stream.indirect_vreg.gather [hbm4b:s14+s3], $0x80, v3, vm0, $0xb8;
	[tilespmem:$0x1E200] =	vst v63  }
0x3a5: {  	v3 =	vld [tilespmem:s26+$0x40];
	_ =	sdelay $0x4  }
0x3a6: {  	v54 =	vshrl.u32 v3, $0x3  }
0x3a7: {  	v4 =	vmul.u32 $0x70, v54  }
0x3a8: {  	v3 =	vand.u32 $0x7, v3  }
0x3a9: {  	v3 =	vor.u32 v3, v4  }
0x3aa: {  	v4 =	vperm.xlane v3, v0;
	_ =	sdelay $0x1  }
0x3ab: {  	v3 =	vperm.xlane v3, v2;
	v4 =	vadd.s32 v1, v4;
	_ =	sdelay $0x1  }
0x3ac: {  	v3 =	vadd.s32 v1, v3;
	_ =	sdelay $0x1  }
0x3ad: {  	s28 =	simm.s32 $0x2200  }
0x3ae: {  	[tilespmem:s28], [sflag:$0x1] =	stream.indirect_vreg.gather [hbm4b:s15+s3], $0x80, v4, vm0, $0xb8;
	[tilespmem:$0x1E200] =	vst v63  }
0x3af: {  	s29 =	simm.s32 $0x5A00  }
0x3b0: {  	[tilespmem:s29], [sflag:$0x1] =	stream.indirect_vreg.gather [hbm4b:s15+s3], $0x80, v3, vm0, $0xb8;
	[tilespmem:$0x1E200] =	vst v63  }
0x3b1: {  	v3 =	vld [tilespmem:s26+$0x50];
	_ =	sdelay $0x4  }
0x3b2: {  	v55 =	vshrl.u32 v3, $0x3  }
0x3b3: {  	v4 =	vmul.u32 $0x70, v55  }
0x3b4: {  	v3 =	vand.u32 $0x7, v3  }
0x3b5: {  	v3 =	vor.u32 v3, v4  }
0x3b6: {  	v4 =	vperm.xlane v3, v0;
	_ =	sdelay $0x1  }
0x3b7: {  	v3 =	vperm.xlane v3, v2;
	v4 =	vadd.s32 v1, v4;
	_ =	sdelay $0x1  }
0x3b8: {  	v3 =	vadd.s32 v1, v3;
	_ =	sdelay $0x1  }
0x3b9: {  	s30 =	simm.s32 $0x9200  }
0x3ba: {  	[tilespmem:s30], [sflag:$0x1] =	stream.indirect_vreg.gather [hbm4b:s15+s3], $0x80, v4, vm0, $0xb8;
	[tilespmem:$0x1E200] =	vst v63  }
0x3bb: {  	s28 =	simm.s32 $0xCA00  }
0x3bc: {  	[tilespmem:s28], [sflag:$0x1] =	stream.indirect_vreg.gather [hbm4b:s15+s3], $0x80, v3, vm0, $0xb8;
	[tilespmem:$0x1E200] =	vst v63  }
0x3bd: {  	v3 =	vld [tilespmem:s26+$0x40];
	_ =	sdelay $0x4  }
0x3be: {  	v56 =	vshrl.u32 v3, $0x3  }
0x3bf: {  	v4 =	vmul.u32 $0x70, v56  }
0x3c0: {  	v3 =	vand.u32 $0x7, v3  }
0x3c1: {  	v3 =	vor.u32 v3, v4  }
0x3c2: {  	v4 =	vperm.xlane v3, v0;
	_ =	sdelay $0x1  }
0x3c3: {  	v3 =	vperm.xlane v3, v2;
	v4 =	vadd.s32 v1, v4;
	_ =	sdelay $0x1  }
0x3c4: {  	v3 =	vadd.s32 v1, v3;
	_ =	sdelay $0x1  }
0x3c5: {  	s29 =	simm.s32 $0x2600  }
0x3c6: {  	[tilespmem:s29], [sflag:$0x1] =	stream.indirect_vreg.gather [hbm4b:s16+s3], $0x80, v4, vm0, $0xb8;
	[tilespmem:$0x1E200] =	vst v63  }
0x3c7: {  	s30 =	simm.s32 $0x5E00  }
0x3c8: {  	[tilespmem:s30], [sflag:$0x1] =	stream.indirect_vreg.gather [hbm4b:s16+s3], $0x80, v3, vm0, $0xb8;
	[tilespmem:$0x1E200] =	vst v63  }
0x3c9: {  	v3 =	vld [tilespmem:s26+$0x50];
	_ =	sdelay $0x4  }
0x3ca: {  	v57 =	vshrl.u32 v3, $0x3  }
0x3cb: {  	v4 =	vmul.u32 $0x70, v57  }
0x3cc: {  	v3 =	vand.u32 $0x7, v3  }
0x3cd: {  	v3 =	vor.u32 v3, v4  }
0x3ce: {  	v4 =	vperm.xlane v3, v0;
	_ =	sdelay $0x1  }
0x3cf: {  	v3 =	vperm.xlane v3, v2;
	v4 =	vadd.s32 v1, v4;
	_ =	sdelay $0x1  }
0x3d0: {  	v3 =	vadd.s32 v1, v3;
	_ =	sdelay $0x1  }
0x3d1: {  	s28 =	simm.s32 $0x9600  }
0x3d2: {  	[tilespmem:s28], [sflag:$0x1] =	stream.indirect_vreg.gather [hbm4b:s16+s3], $0x80, v4, vm0, $0xb8;
	[tilespmem:$0x1E200] =	vst v63  }
0x3d3: {  	s29 =	simm.s32 $0xCE00  }
0x3d4: {  	[tilespmem:s29], [sflag:$0x1] =	stream.indirect_vreg.gather [hbm4b:s16+s3], $0x80, v3, vm0, $0xb8;
	[tilespmem:$0x1E200] =	vst v63  }
0x3d5: {  	v3 =	vld [tilespmem:s26+$0x40];
	_ =	sdelay $0x4  }
0x3d6: {  	v58 =	vshrl.u32 v3, $0x3  }
0x3d7: {  	v4 =	vmul.u32 $0x70, v58  }
0x3d8: {  	v3 =	vand.u32 $0x7, v3  }
0x3d9: {  	v3 =	vor.u32 v3, v4  }
0x3da: {  	v4 =	vperm.xlane v3, v0;
	_ =	sdelay $0x1  }
0x3db: {  	v3 =	vperm.xlane v3, v2;
	v4 =	vadd.s32 v1, v4;
	_ =	sdelay $0x1  }
0x3dc: {  	v3 =	vadd.s32 v1, v3;
	_ =	sdelay $0x1  }
0x3dd: {  	s30 =	simm.s32 $0x2A00  }
0x3de: {  	[tilespmem:s30], [sflag:$0x1] =	stream.indirect_vreg.gather [hbm4b:s17+s3], $0x80, v4, vm0, $0xb8;
	[tilespmem:$0x1E200] =	vst v63  }
0x3df: {  	s28 =	simm.s32 $0x6200  }
0x3e0: {  	[tilespmem:s28], [sflag:$0x1] =	stream.indirect_vreg.gather [hbm4b:s17+s3], $0x80, v3, vm0, $0xb8;
	[tilespmem:$0x1E200] =	vst v63  }
0x3e1: {  	v3 =	vld [tilespmem:s26+$0x50];
	_ =	sdelay $0x4  }
0x3e2: {  	v59 =	vshrl.u32 v3, $0x3  }
0x3e3: {  	v4 =	vmul.u32 $0x70, v59  }
0x3e4: {  	v3 =	vand.u32 $0x7, v3  }
0x3e5: {  	v3 =	vor.u32 v3, v4  }
0x3e6: {  	v4 =	vperm.xlane v3, v0;
	_ =	sdelay $0x1  }
0x3e7: {  	v3 =	vperm.xlane v3, v2;
	v4 =	vadd.s32 v1, v4;
	_ =	sdelay $0x1  }
0x3e8: {  	v3 =	vadd.s32 v1, v3;
	_ =	sdelay $0x1  }
0x3e9: {  	s29 =	simm.s32 $0x9A00  }
0x3ea: {  	[tilespmem:s29], [sflag:$0x1] =	stream.indirect_vreg.gather [hbm4b:s17+s3], $0x80, v4, vm0, $0xb8;
	[tilespmem:$0x1E200] =	vst v63  }
0x3eb: {  	s30 =	simm.s32 $0xD200  }
0x3ec: {  	[tilespmem:s30], [sflag:$0x1] =	stream.indirect_vreg.gather [hbm4b:s17+s3], $0x80, v3, vm0, $0xb8;
	[tilespmem:$0x1E200] =	vst v63  }
0x3ed: {  	v3 =	vld [tilespmem:s26+$0x40];
	_ =	sdelay $0x4  }
0x3ee: {  	v60 =	vshrl.u32 v3, $0x3  }
0x3ef: {  	v4 =	vmul.u32 $0x70, v60  }
0x3f0: {  	v3 =	vand.u32 $0x7, v3  }
0x3f1: {  	v3 =	vor.u32 v3, v4  }
0x3f2: {  	v4 =	vperm.xlane v3, v0;
	_ =	sdelay $0x1  }
0x3f3: {  	v3 =	vperm.xlane v3, v2;
	v4 =	vadd.s32 v1, v4;
	_ =	sdelay $0x1  }
0x3f4: {  	v3 =	vadd.s32 v1, v3;
	_ =	sdelay $0x1  }
0x3f5: {  	s28 =	simm.s32 $0x2E00  }
0x3f6: {  	[tilespmem:s28], [sflag:$0x1] =	stream.indirect_vreg.gather [hbm4b:s18+s3], $0x80, v4, vm0, $0xb8;
	[tilespmem:$0x1E200] =	vst v63  }
0x3f7: {  	s29 =	simm.s32 $0x6600  }
0x3f8: {  	[tilespmem:s29], [sflag:$0x1] =	stream.indirect_vreg.gather [hbm4b:s18+s3], $0x80, v3, vm0, $0xb8;
	[tilespmem:$0x1E200] =	vst v63  }
0x3f9: {  	v3 =	vld [tilespmem:s26+$0x50];
	_ =	sdelay $0x4  }
0x3fa: {  	v61 =	vshrl.u32 v3, $0x3  }
0x3fb: {  	v4 =	vmul.u32 $0x70, v61  }
0x3fc: {  	v3 =	vand.u32 $0x7, v3  }
0x3fd: {  	v3 =	vor.u32 v3, v4  }
0x3fe: {  	v4 =	vperm.xlane v3, v0;
	_ =	sdelay $0x1  }
0x3ff: {  	v3 =	vperm.xlane v3, v2;
	v4 =	vadd.s32 v1, v4;
	_ =	sdelay $0x1  }
0x400: {  	v3 =	vadd.s32 v1, v3;
	_ =	sdelay $0x1  }
0x401: {  	s30 =	simm.s32 $0x9E00  }
0x402: {  	[tilespmem:s30], [sflag:$0x1] =	stream.indirect_vreg.gather [hbm4b:s18+s3], $0x80, v4, vm0, $0xb8;
	[tilespmem:$0x1E200] =	vst v63  }
0x403: {  	s28 =	simm.s32 $0xD600  }
0x404: {  	[tilespmem:s28], [sflag:$0x1] =	stream.indirect_vreg.gather [hbm4b:s18+s3], $0x80, v3, vm0, $0xb8;
	[tilespmem:$0x1E200] =	vst v63  }
0x405: {  	v3 =	vld [tilespmem:s26+$0x40];
	_ =	sdelay $0x4  }
0x406: {  	v62 =	vshrl.u32 v3, $0x3  }
0x407: {  	v4 =	vmul.u32 $0x70, v62  }
0x408: {  	v3 =	vand.u32 $0x7, v3  }
0x409: {  	v3 =	vor.u32 v3, v4  }
0x40a: {  	v4 =	vperm.xlane v3, v0;
	_ =	sdelay $0x1  }
0x40b: {  	v3 =	vperm.xlane v3, v2;
	v4 =	vadd.s32 v1, v4;
	_ =	sdelay $0x1  }
0x40c: {  	v3 =	vadd.s32 v1, v3;
	_ =	sdelay $0x1  }
0x40d: {  	s29 =	simm.s32 $0x3200  }
0x40e: {  	[tilespmem:s29], [sflag:$0x1] =	stream.indirect_vreg.gather [hbm4b:s19+s3], $0x80, v4, vm0, $0xb8;
	[tilespmem:$0x1E200] =	vst v63  }
0x40f: {  	s30 =	simm.s32 $0x6A00  }
0x410: {  	[tilespmem:s30], [sflag:$0x1] =	stream.indirect_vreg.gather [hbm4b:s19+s3], $0x80, v3, vm0, $0xb8;
	[tilespmem:$0x1E200] =	vst v63  }
0x411: {  	v3 =	vld [tilespmem:s26+$0x50];
	_ =	sdelay $0x4  }
0x412: {  	v63 =	vshrl.u32 v3, $0x3  }
0x413: {  	v4 =	vmul.u32 $0x70, v63  }
0x414: {  	v3 =	vand.u32 $0x7, v3  }
0x415: {  	v3 =	vor.u32 v3, v4  }
0x416: {  	v4 =	vperm.xlane v3, v0;
	_ =	sdelay $0x1  }
0x417: {  	v3 =	vperm.xlane v3, v2;
	v4 =	vadd.s32 v1, v4;
	_ =	sdelay $0x1  }
0x418: {  	v3 =	vadd.s32 v1, v3;
	_ =	sdelay $0x1  }
0x419: {  	s28 =	simm.s32 $0xA200  }
0x41a: {  	[tilespmem:s28], [sflag:$0x1] =	stream.indirect_vreg.gather [hbm4b:s19+s3], $0x80, v4, vm0, $0xb8;
	[tilespmem:$0x1E200] =	vst v63  }
0x41b: {  	s29 =	simm.s32 $0xDA00  }
0x41c: {  	[tilespmem:s29], [sflag:$0x1] =	stream.indirect_vreg.gather [hbm4b:s19+s3], $0x80, v3, vm0, $0xb8;
	[tilespmem:$0x1E200] =	vst v63  }
0x41d: {  	s30 =	rddreg [dreg:$0x1];
	s26 =	sadd.s32 $0x40, s26;
	s28 =	simm.s32 $0x1C200  }
0x41e: {  	[tilespmem:s28], [sflag:$0x1] =	stream.indirect.gather [hbm4b:s30+s0], $0x80, s26, s0, $0xb8;
	[tilespmem:$0x1E200] =	vst v63  }
.LBB2_6:
0x41f: {  	_ =	swait.ge [sflag:s2], $0x1000  }
0x420: {  	[sflag:s2] =	ssyncset.done $0x0  }
0x421: {  	[sflag:s2] =	ssyncadd.s32 $0xFFFFF000  }
0x422: {  	_ =	swait.ge [sflag:s2], $0x1000  }
0x423: {  	[sflag:s2] =	ssyncset.done $0x0  }
0x424: {  	[sflag:s2] =	ssyncadd.s32 $0xFFFFF000  }
0x425: {  	_ =	swait.ge [sflag:s2], $0x1000  }
0x426: {  	[sflag:s2] =	ssyncset.done $0x0  }
0x427: {  	[sflag:s2] =	ssyncadd.s32 $0xFFFFF000  }
0x428: {  	_ =	swait.ge [sflag:s2], $0x1000  }
0x429: {  	[sflag:s2] =	ssyncset.done $0x0  }
0x42a: {  	[sflag:s2] =	ssyncadd.s32 $0xFFFFF000  }
0x42b: {  	_ =	swait.ge [sflag:s2], $0x1000  }
0x42c: {  	[sflag:s2] =	ssyncset.done $0x0  }
0x42d: {  	[sflag:s2] =	ssyncadd.s32 $0xFFFFF000  }
0x42e: {  	_ =	swait.ge [sflag:s2], $0x1000  }
0x42f: {  	[sflag:s2] =	ssyncset.done $0x0  }
0x430: {  	[sflag:s2] =	ssyncadd.s32 $0xFFFFF000  }
0x431: {  	_ =	swait.ge [sflag:s2], $0x1000  }
0x432: {  	[sflag:s2] =	ssyncset.done $0x0  }
0x433: {  	[sflag:s2] =	ssyncadd.s32 $0xFFFFF000  }
0x434: {  	_ =	swait.ge [sflag:s2], $0x1000  }
0x435: {  	[sflag:s2] =	ssyncset.done $0x0  }
0x436: {  	[sflag:s2] =	ssyncadd.s32 $0xFFFFF000  }
0x437: {  	_ =	swait.ge [sflag:s2], $0x1000  }
0x438: {  	[sflag:s2] =	ssyncset.done $0x0  }
0x439: {  	[sflag:s2] =	ssyncadd.s32 $0xFFFFF000  }
0x43a: {  	_ =	swait.ge [sflag:s2], $0x1000  }
0x43b: {  	[sflag:s2] =	ssyncset.done $0x0  }
0x43c: {  	[sflag:s2] =	ssyncadd.s32 $0xFFFFF000  }
0x43d: {  	_ =	swait.ge [sflag:s2], $0x1000  }
0x43e: {  	[sflag:s2] =	ssyncset.done $0x0  }
0x43f: {  	[sflag:s2] =	ssyncadd.s32 $0xFFFFF000  }
0x440: {  	_ =	swait.ge [sflag:s2], $0x1000  }
0x441: {  	[sflag:s2] =	ssyncset.done $0x0  }
0x442: {  	[sflag:s2] =	ssyncadd.s32 $0xFFFFF000  }
0x443: {  	_ =	swait.ge [sflag:s2], $0x1000  }
0x444: {  	[sflag:s2] =	ssyncset.done $0x0  }
0x445: {  	[sflag:s2] =	ssyncadd.s32 $0xFFFFF000  }
0x446: {  	_ =	swait.ge [sflag:s2], $0x1000  }
0x447: {  	[sflag:s2] =	ssyncset.done $0x0  }
0x448: {  	s28 =	simm.s32 $0x1D220;
	[sflag:s2] =	ssyncadd.s32 $0xFFFFF000  }
0x449: {  	s26 =	simm.s32 $0x0;
	v3 =	vld [tilespmem:s28+$0xFFFFFFE0]  }
0x44a: {  	s29 =	smul.u32 $0xE000, s26  }
0x44b: {  	s26 =	simm.s32 $0x0  }
0x44c: {  	s30 =	sand.u32 $0x380, s26;
	s29 =	sshra.s32 s29, $0x2  }
0x44d: {  	s29 =	sor.u32 s30, s29  }
0x44e: {  	[tilespmem:s29+$0x11600] =	vst v3  }
0x44f: {  	v3 =	vld [tilespmem:s28+$0xFFFFFFF0];
	_ =	sdelay $0x3  }
0x450: {  	s29 =	sadd.s32 $0x11600, s29  }
0x451: {  	[tilespmem:s29+$0x10] =	vst v3  }
0x452: {  	v3 =	vld [tilespmem:s28+$0x0];
	_ =	sdelay $0x4  }
0x453: {  	[tilespmem:s29+$0x20] =	vst v3  }
0x454: {  	v3 =	vld [tilespmem:s28+$0x10];
	_ =	sdelay $0x4  }
0x455: {  	s28 =	simm.s32 $0x1D2A0;
	[tilespmem:s29+$0x30] =	vst v3  }
0x456: {  	s30 =	simm.s32 $0x0;
	s29 =	simm.s32 $0x2;
	v3 =	vld [tilespmem:s28+$0xFFFFFFE0]  }
.LBB2_7:
0x457: {  	p1 =	sne.s32 s29, $0x1F;
	s30 =	smul.u32 $0xE000, s30  }
0x458: {  	s26 =	sadd.s32 $0x80, s26  }
0x459: {  	s1 =	sand.u32 $0x380, s26;
	s30 =	sshra.s32 s30, $0x2  }
0x45a: {  	s1 =	sor.u32 s1, s30  }
0x45b: {  	[tilespmem:s1+$0x11600] =	vst v3  }
0x45c: {  	v3 =	vld [tilespmem:s28+$0xFFFFFFF0];
	_ =	sdelay $0x3  }
0x45d: {  	s1 =	sadd.s32 $0x11600, s1  }
0x45e: {  	[tilespmem:s1+$0x10] =	vst v3  }
0x45f: {  	v3 =	vld [tilespmem:s28+$0x0];
	_ =	sdelay $0x4  }
0x460: {  	[tilespmem:s1+$0x20] =	vst v3  }
0x461: {  	v3 =	vld [tilespmem:s28+$0x10];
	_ =	sdelay $0x1  }
.Ltmp4:
0x462: {  	(pc) =	sbr.rel @p1 .LBB2_7-.Ltmp4, $3  }
0x463: {  	_ =	sdelay $0x1  }
0x464: {  	s28 =	sadd.s32 $0x80, s28;
	[tilespmem:s1+$0x30] =	vst v3  }
0x465: {  	s30 =	sshrl.u32 s29, $0x3;
	s29 =	sadd.s32 $0x1, s29;
	v3 =	vld [tilespmem:s28+$0xFFFFFFE0]  }
0x466: {  	s1 =	smul.u32 $0xE000, s30  }
0x467: {  	s26 =	sadd.s32 $0x80, s26  }
0x468: {  	s26 =	sand.u32 $0x380, s26;
	s1 =	sshra.s32 s1, $0x2  }
0x469: {  	s1 =	sor.u32 s26, s1  }
0x46a: {  	[tilespmem:s1+$0x11600] =	vst v3  }
0x46b: {  	v3 =	vld [tilespmem:s28+$0xFFFFFFF0];
	_ =	sdelay $0x3  }
0x46c: {  	s1 =	sadd.s32 $0x11600, s1  }
0x46d: {  	[tilespmem:s1+$0x10] =	vst v3  }
0x46e: {  	v3 =	vld [tilespmem:s28+$0x0];
	_ =	sdelay $0x4  }
0x46f: {  	[tilespmem:s1+$0x20] =	vst v3  }
0x470: {  	v3 =	vld [tilespmem:s28+$0x10];
	_ =	sdelay $0x4  }
.Ltmp5:
0x471: {  	s30 =	sadd.s32 s21, s25;
	[tilespmem:s1+$0x30] =	vst v3;
	(pc) =	sbr.rel @p0 .LBB2_10-.Ltmp5, $4  }
0x472: {  	[hbm4b:s30+s3] =	stream.linear.scatter [tilespmem:s7], [sflag:$0x3], $0xE000, $0x38;
	[tilespmem:$0x1E200] =	vst v63  }
0x473: {  	_ =	swait.ge [sflag:s22], $0xE000  }
0x474: {  	[sflag:s22] =	ssyncset.done $0x0  }
0x475: {  	[sflag:s22] =	ssyncadd.s32 $0xFFFF2000  }
0x476: {  	s24 =	sshrl.u32 s24, $0x2  }
0x477: {  	v3 =	vld [tilespmem:s24+$0x60];
	_ =	sdelay $0x4  }
0x478: {  	v4 =	vshrl.u32 v3, $0x3  }
0x479: {  	v4 =	vmul.u32 $0x70, v4  }
0x47a: {  	v3 =	vand.u32 $0x7, v3  }
0x47b: {  	v3 =	vor.u32 v3, v4  }
0x47c: {  	v4 =	vperm.xlane v3, v0;
	_ =	sdelay $0x1  }
0x47d: {  	v3 =	vperm.xlane v3, v2;
	v4 =	vadd.s32 v1, v4;
	_ =	sdelay $0x1  }
0x47e: {  	v3 =	vadd.s32 v1, v3;
	_ =	sdelay $0x2  }
0x47f: {  	[tilespmem:s7], [sflag:$0x2] =	stream.indirect_vreg.gather [hbm4b:s4+s3], $0x80, v4, vm0, $0xb8;
	[tilespmem:$0x1E200] =	vst v63  }
0x480: {  	s1 =	simm.s32 $0x11A00  }
0x481: {  	[tilespmem:s1], [sflag:$0x2] =	stream.indirect_vreg.gather [hbm4b:s4+s3], $0x80, v3, vm0, $0xb8;
	[tilespmem:$0x1E200] =	vst v63  }
0x482: {  	v3 =	vld [tilespmem:s24+$0x70];
	_ =	sdelay $0x4  }
0x483: {  	v39 =	vshrl.u32 v3, $0x3  }
0x484: {  	v4 =	vmul.u32 $0x70, v39  }
0x485: {  	v3 =	vand.u32 $0x7, v3  }
0x486: {  	v3 =	vor.u32 v3, v4  }
0x487: {  	v4 =	vperm.xlane v3, v0;
	_ =	sdelay $0x1  }
0x488: {  	v3 =	vperm.xlane v3, v2;
	v4 =	vadd.s32 v1, v4;
	_ =	sdelay $0x1  }
0x489: {  	v3 =	vadd.s32 v1, v3;
	_ =	sdelay $0x1  }
0x48a: {  	s29 =	simm.s32 $0x15200  }
0x48b: {  	[tilespmem:s29], [sflag:$0x2] =	stream.indirect_vreg.gather [hbm4b:s4+s3], $0x80, v4, vm0, $0xb8;
	[tilespmem:$0x1E200] =	vst v63  }
0x48c: {  	s30 =	simm.s32 $0x18A00  }
0x48d: {  	[tilespmem:s30], [sflag:$0x2] =	stream.indirect_vreg.gather [hbm4b:s4+s3], $0x80, v3, vm0, $0xb8;
	[tilespmem:$0x1E200] =	vst v63  }
0x48e: {  	v3 =	vld [tilespmem:s24+$0x60];
	_ =	sdelay $0x4  }
0x48f: {  	v40 =	vshrl.u32 v3, $0x3  }
0x490: {  	v4 =	vmul.u32 $0x70, v40  }
0x491: {  	v3 =	vand.u32 $0x7, v3  }
0x492: {  	v3 =	vor.u32 v3, v4  }
0x493: {  	v4 =	vperm.xlane v3, v0;
	_ =	sdelay $0x1  }
0x494: {  	v3 =	vperm.xlane v3, v2;
	v4 =	vadd.s32 v1, v4;
	_ =	sdelay $0x1  }
0x495: {  	v3 =	vadd.s32 v1, v3;
	_ =	sdelay $0x1  }
0x496: {  	s25 =	simm.s32 $0xE600  }
0x497: {  	[tilespmem:s25], [sflag:$0x2] =	stream.indirect_vreg.gather [hbm4b:s8+s3], $0x80, v4, vm0, $0xb8;
	[tilespmem:$0x1E200] =	vst v63  }
0x498: {  	s26 =	simm.s32 $0x11E00  }
0x499: {  	[tilespmem:s26], [sflag:$0x2] =	stream.indirect_vreg.gather [hbm4b:s8+s3], $0x80, v3, vm0, $0xb8;
	[tilespmem:$0x1E200] =	vst v63  }
0x49a: {  	v3 =	vld [tilespmem:s24+$0x70];
	_ =	sdelay $0x4  }
0x49b: {  	v41 =	vshrl.u32 v3, $0x3  }
0x49c: {  	v4 =	vmul.u32 $0x70, v41  }
0x49d: {  	v3 =	vand.u32 $0x7, v3  }
0x49e: {  	v3 =	vor.u32 v3, v4  }
0x49f: {  	v4 =	vperm.xlane v3, v0;
	_ =	sdelay $0x1  }
0x4a0: {  	v3 =	vperm.xlane v3, v2;
	v4 =	vadd.s32 v1, v4;
	_ =	sdelay $0x1  }
0x4a1: {  	v3 =	vadd.s32 v1, v3;
	_ =	sdelay $0x1  }
0x4a2: {  	s28 =	simm.s32 $0x15600  }
0x4a3: {  	[tilespmem:s28], [sflag:$0x2] =	stream.indirect_vreg.gather [hbm4b:s8+s3], $0x80, v4, vm0, $0xb8;
	[tilespmem:$0x1E200] =	vst v63  }
0x4a4: {  	s29 =	simm.s32 $0x18E00  }
0x4a5: {  	[tilespmem:s29], [sflag:$0x2] =	stream.indirect_vreg.gather [hbm4b:s8+s3], $0x80, v3, vm0, $0xb8;
	[tilespmem:$0x1E200] =	vst v63  }
0x4a6: {  	v3 =	vld [tilespmem:s24+$0x60];
	_ =	sdelay $0x4  }
0x4a7: {  	v42 =	vshrl.u32 v3, $0x3  }
0x4a8: {  	v4 =	vmul.u32 $0x70, v42  }
0x4a9: {  	v3 =	vand.u32 $0x7, v3  }
0x4aa: {  	v3 =	vor.u32 v3, v4  }
0x4ab: {  	v4 =	vperm.xlane v3, v0;
	_ =	sdelay $0x1  }
0x4ac: {  	v3 =	vperm.xlane v3, v2;
	v4 =	vadd.s32 v1, v4;
	_ =	sdelay $0x1  }
0x4ad: {  	v3 =	vadd.s32 v1, v3;
	_ =	sdelay $0x1  }
0x4ae: {  	s30 =	simm.s32 $0xEA00  }
0x4af: {  	[tilespmem:s30], [sflag:$0x2] =	stream.indirect_vreg.gather [hbm4b:s9+s3], $0x80, v4, vm0, $0xb8;
	[tilespmem:$0x1E200] =	vst v63  }
0x4b0: {  	s25 =	simm.s32 $0x12200  }
0x4b1: {  	[tilespmem:s25], [sflag:$0x2] =	stream.indirect_vreg.gather [hbm4b:s9+s3], $0x80, v3, vm0, $0xb8;
	[tilespmem:$0x1E200] =	vst v63  }
0x4b2: {  	v3 =	vld [tilespmem:s24+$0x70];
	_ =	sdelay $0x4  }
0x4b3: {  	v43 =	vshrl.u32 v3, $0x3  }
0x4b4: {  	v4 =	vmul.u32 $0x70, v43  }
0x4b5: {  	v3 =	vand.u32 $0x7, v3  }
0x4b6: {  	v3 =	vor.u32 v3, v4  }
0x4b7: {  	v4 =	vperm.xlane v3, v0;
	_ =	sdelay $0x1  }
0x4b8: {  	v3 =	vperm.xlane v3, v2;
	v4 =	vadd.s32 v1, v4;
	_ =	sdelay $0x1  }
0x4b9: {  	v3 =	vadd.s32 v1, v3;
	_ =	sdelay $0x1  }
0x4ba: {  	s26 =	simm.s32 $0x15A00  }
0x4bb: {  	[tilespmem:s26], [sflag:$0x2] =	stream.indirect_vreg.gather [hbm4b:s9+s3], $0x80, v4, vm0, $0xb8;
	[tilespmem:$0x1E200] =	vst v63  }
0x4bc: {  	s28 =	simm.s32 $0x19200  }
0x4bd: {  	[tilespmem:s28], [sflag:$0x2] =	stream.indirect_vreg.gather [hbm4b:s9+s3], $0x80, v3, vm0, $0xb8;
	[tilespmem:$0x1E200] =	vst v63  }
0x4be: {  	v3 =	vld [tilespmem:s24+$0x60];
	_ =	sdelay $0x4  }
0x4bf: {  	v44 =	vshrl.u32 v3, $0x3  }
0x4c0: {  	v4 =	vmul.u32 $0x70, v44  }
0x4c1: {  	v3 =	vand.u32 $0x7, v3  }
0x4c2: {  	v3 =	vor.u32 v3, v4  }
0x4c3: {  	v4 =	vperm.xlane v3, v0;
	_ =	sdelay $0x1  }
0x4c4: {  	v3 =	vperm.xlane v3, v2;
	v4 =	vadd.s32 v1, v4;
	_ =	sdelay $0x1  }
0x4c5: {  	v3 =	vadd.s32 v1, v3;
	_ =	sdelay $0x1  }
0x4c6: {  	s29 =	simm.s32 $0xEE00  }
0x4c7: {  	[tilespmem:s29], [sflag:$0x2] =	stream.indirect_vreg.gather [hbm4b:s10+s3], $0x80, v4, vm0, $0xb8;
	[tilespmem:$0x1E200] =	vst v63  }
0x4c8: {  	s30 =	simm.s32 $0x12600  }
0x4c9: {  	[tilespmem:s30], [sflag:$0x2] =	stream.indirect_vreg.gather [hbm4b:s10+s3], $0x80, v3, vm0, $0xb8;
	[tilespmem:$0x1E200] =	vst v63  }
0x4ca: {  	v3 =	vld [tilespmem:s24+$0x70];
	_ =	sdelay $0x4  }
0x4cb: {  	v45 =	vshrl.u32 v3, $0x3  }
0x4cc: {  	v4 =	vmul.u32 $0x70, v45  }
0x4cd: {  	v3 =	vand.u32 $0x7, v3  }
0x4ce: {  	v3 =	vor.u32 v3, v4  }
0x4cf: {  	v4 =	vperm.xlane v3, v0;
	_ =	sdelay $0x1  }
0x4d0: {  	v3 =	vperm.xlane v3, v2;
	v4 =	vadd.s32 v1, v4;
	_ =	sdelay $0x1  }
0x4d1: {  	v3 =	vadd.s32 v1, v3;
	_ =	sdelay $0x1  }
0x4d2: {  	s25 =	simm.s32 $0x15E00  }
0x4d3: {  	[tilespmem:s25], [sflag:$0x2] =	stream.indirect_vreg.gather [hbm4b:s10+s3], $0x80, v4, vm0, $0xb8;
	[tilespmem:$0x1E200] =	vst v63  }
0x4d4: {  	s26 =	simm.s32 $0x19600  }
0x4d5: {  	[tilespmem:s26], [sflag:$0x2] =	stream.indirect_vreg.gather [hbm4b:s10+s3], $0x80, v3, vm0, $0xb8;
	[tilespmem:$0x1E200] =	vst v63  }
0x4d6: {  	v3 =	vld [tilespmem:s24+$0x60];
	_ =	sdelay $0x4  }
0x4d7: {  	v46 =	vshrl.u32 v3, $0x3  }
0x4d8: {  	v4 =	vmul.u32 $0x70, v46  }
0x4d9: {  	v3 =	vand.u32 $0x7, v3  }
0x4da: {  	v3 =	vor.u32 v3, v4  }
0x4db: {  	v4 =	vperm.xlane v3, v0;
	_ =	sdelay $0x1  }
0x4dc: {  	v3 =	vperm.xlane v3, v2;
	v4 =	vadd.s32 v1, v4;
	_ =	sdelay $0x1  }
0x4dd: {  	v3 =	vadd.s32 v1, v3;
	_ =	sdelay $0x1  }
0x4de: {  	s28 =	simm.s32 $0xF200  }
0x4df: {  	[tilespmem:s28], [sflag:$0x2] =	stream.indirect_vreg.gather [hbm4b:s11+s3], $0x80, v4, vm0, $0xb8;
	[tilespmem:$0x1E200] =	vst v63  }
0x4e0: {  	s29 =	simm.s32 $0x12A00  }
0x4e1: {  	[tilespmem:s29], [sflag:$0x2] =	stream.indirect_vreg.gather [hbm4b:s11+s3], $0x80, v3, vm0, $0xb8;
	[tilespmem:$0x1E200] =	vst v63  }
0x4e2: {  	v3 =	vld [tilespmem:s24+$0x70];
	_ =	sdelay $0x4  }
0x4e3: {  	v47 =	vshrl.u32 v3, $0x3  }
0x4e4: {  	v4 =	vmul.u32 $0x70, v47  }
0x4e5: {  	v3 =	vand.u32 $0x7, v3  }
0x4e6: {  	v3 =	vor.u32 v3, v4  }
0x4e7: {  	v4 =	vperm.xlane v3, v0;
	_ =	sdelay $0x1  }
0x4e8: {  	v3 =	vperm.xlane v3, v2;
	v4 =	vadd.s32 v1, v4;
	_ =	sdelay $0x1  }
0x4e9: {  	v3 =	vadd.s32 v1, v3;
	_ =	sdelay $0x1  }
0x4ea: {  	s30 =	simm.s32 $0x16200  }
0x4eb: {  	[tilespmem:s30], [sflag:$0x2] =	stream.indirect_vreg.gather [hbm4b:s11+s3], $0x80, v4, vm0, $0xb8;
	[tilespmem:$0x1E200] =	vst v63  }
0x4ec: {  	s25 =	simm.s32 $0x19A00  }
0x4ed: {  	[tilespmem:s25], [sflag:$0x2] =	stream.indirect_vreg.gather [hbm4b:s11+s3], $0x80, v3, vm0, $0xb8;
	[tilespmem:$0x1E200] =	vst v63  }
0x4ee: {  	v3 =	vld [tilespmem:s24+$0x60];
	_ =	sdelay $0x4  }
0x4ef: {  	v48 =	vshrl.u32 v3, $0x3  }
0x4f0: {  	v4 =	vmul.u32 $0x70, v48  }
0x4f1: {  	v3 =	vand.u32 $0x7, v3  }
0x4f2: {  	v3 =	vor.u32 v3, v4  }
0x4f3: {  	v4 =	vperm.xlane v3, v0;
	_ =	sdelay $0x1  }
0x4f4: {  	v3 =	vperm.xlane v3, v2;
	v4 =	vadd.s32 v1, v4;
	_ =	sdelay $0x1  }
0x4f5: {  	v3 =	vadd.s32 v1, v3;
	_ =	sdelay $0x1  }
0x4f6: {  	s26 =	simm.s32 $0xF600  }
0x4f7: {  	[tilespmem:s26], [sflag:$0x2] =	stream.indirect_vreg.gather [hbm4b:s12+s3], $0x80, v4, vm0, $0xb8;
	[tilespmem:$0x1E200] =	vst v63  }
0x4f8: {  	s28 =	simm.s32 $0x12E00  }
0x4f9: {  	[tilespmem:s28], [sflag:$0x2] =	stream.indirect_vreg.gather [hbm4b:s12+s3], $0x80, v3, vm0, $0xb8;
	[tilespmem:$0x1E200] =	vst v63  }
0x4fa: {  	v3 =	vld [tilespmem:s24+$0x70];
	_ =	sdelay $0x4  }
0x4fb: {  	v49 =	vshrl.u32 v3, $0x3  }
0x4fc: {  	v4 =	vmul.u32 $0x70, v49  }
0x4fd: {  	v3 =	vand.u32 $0x7, v3  }
0x4fe: {  	v3 =	vor.u32 v3, v4  }
0x4ff: {  	v4 =	vperm.xlane v3, v0;
	_ =	sdelay $0x1  }
0x500: {  	v3 =	vperm.xlane v3, v2;
	v4 =	vadd.s32 v1, v4;
	_ =	sdelay $0x1  }
0x501: {  	v3 =	vadd.s32 v1, v3;
	_ =	sdelay $0x1  }
0x502: {  	s29 =	simm.s32 $0x16600  }
0x503: {  	[tilespmem:s29], [sflag:$0x2] =	stream.indirect_vreg.gather [hbm4b:s12+s3], $0x80, v4, vm0, $0xb8;
	[tilespmem:$0x1E200] =	vst v63  }
0x504: {  	s30 =	simm.s32 $0x19E00  }
0x505: {  	[tilespmem:s30], [sflag:$0x2] =	stream.indirect_vreg.gather [hbm4b:s12+s3], $0x80, v3, vm0, $0xb8;
	[tilespmem:$0x1E200] =	vst v63  }
0x506: {  	v3 =	vld [tilespmem:s24+$0x60];
	_ =	sdelay $0x4  }
0x507: {  	v50 =	vshrl.u32 v3, $0x3  }
0x508: {  	v4 =	vmul.u32 $0x70, v50  }
0x509: {  	v3 =	vand.u32 $0x7, v3  }
0x50a: {  	v3 =	vor.u32 v3, v4  }
0x50b: {  	v4 =	vperm.xlane v3, v0;
	_ =	sdelay $0x1  }
0x50c: {  	v3 =	vperm.xlane v3, v2;
	v4 =	vadd.s32 v1, v4;
	_ =	sdelay $0x1  }
0x50d: {  	v3 =	vadd.s32 v1, v3;
	_ =	sdelay $0x1  }
0x50e: {  	s25 =	simm.s32 $0xFA00  }
0x50f: {  	[tilespmem:s25], [sflag:$0x2] =	stream.indirect_vreg.gather [hbm4b:s13+s3], $0x80, v4, vm0, $0xb8;
	[tilespmem:$0x1E200] =	vst v63  }
0x510: {  	s26 =	simm.s32 $0x13200  }
0x511: {  	[tilespmem:s26], [sflag:$0x2] =	stream.indirect_vreg.gather [hbm4b:s13+s3], $0x80, v3, vm0, $0xb8;
	[tilespmem:$0x1E200] =	vst v63  }
0x512: {  	v3 =	vld [tilespmem:s24+$0x70];
	_ =	sdelay $0x4  }
0x513: {  	v51 =	vshrl.u32 v3, $0x3  }
0x514: {  	v4 =	vmul.u32 $0x70, v51  }
0x515: {  	v3 =	vand.u32 $0x7, v3  }
0x516: {  	v3 =	vor.u32 v3, v4  }
0x517: {  	v4 =	vperm.xlane v3, v0;
	_ =	sdelay $0x1  }
0x518: {  	v3 =	vperm.xlane v3, v2;
	v4 =	vadd.s32 v1, v4;
	_ =	sdelay $0x1  }
0x519: {  	v3 =	vadd.s32 v1, v3;
	_ =	sdelay $0x1  }
0x51a: {  	s28 =	simm.s32 $0x16A00  }
0x51b: {  	[tilespmem:s28], [sflag:$0x2] =	stream.indirect_vreg.gather [hbm4b:s13+s3], $0x80, v4, vm0, $0xb8;
	[tilespmem:$0x1E200] =	vst v63  }
0x51c: {  	s29 =	simm.s32 $0x1A200  }
0x51d: {  	[tilespmem:s29], [sflag:$0x2] =	stream.indirect_vreg.gather [hbm4b:s13+s3], $0x80, v3, vm0, $0xb8;
	[tilespmem:$0x1E200] =	vst v63  }
0x51e: {  	v3 =	vld [tilespmem:s24+$0x60];
	_ =	sdelay $0x4  }
0x51f: {  	v52 =	vshrl.u32 v3, $0x3  }
0x520: {  	v4 =	vmul.u32 $0x70, v52  }
0x521: {  	v3 =	vand.u32 $0x7, v3  }
0x522: {  	v3 =	vor.u32 v3, v4  }
0x523: {  	v4 =	vperm.xlane v3, v0;
	_ =	sdelay $0x1  }
0x524: {  	v3 =	vperm.xlane v3, v2;
	v4 =	vadd.s32 v1, v4;
	_ =	sdelay $0x1  }
0x525: {  	v3 =	vadd.s32 v1, v3;
	_ =	sdelay $0x1  }
0x526: {  	s30 =	simm.s32 $0xFE00  }
0x527: {  	[tilespmem:s30], [sflag:$0x2] =	stream.indirect_vreg.gather [hbm4b:s14+s3], $0x80, v4, vm0, $0xb8;
	[tilespmem:$0x1E200] =	vst v63  }
0x528: {  	s25 =	simm.s32 $0x13600  }
0x529: {  	[tilespmem:s25], [sflag:$0x2] =	stream.indirect_vreg.gather [hbm4b:s14+s3], $0x80, v3, vm0, $0xb8;
	[tilespmem:$0x1E200] =	vst v63  }
0x52a: {  	v3 =	vld [tilespmem:s24+$0x70];
	_ =	sdelay $0x4  }
0x52b: {  	v53 =	vshrl.u32 v3, $0x3  }
0x52c: {  	v4 =	vmul.u32 $0x70, v53  }
0x52d: {  	v3 =	vand.u32 $0x7, v3  }
0x52e: {  	v3 =	vor.u32 v3, v4  }
0x52f: {  	v4 =	vperm.xlane v3, v0;
	_ =	sdelay $0x1  }
0x530: {  	v3 =	vperm.xlane v3, v2;
	v4 =	vadd.s32 v1, v4;
	_ =	sdelay $0x1  }
0x531: {  	v3 =	vadd.s32 v1, v3;
	_ =	sdelay $0x1  }
0x532: {  	s26 =	simm.s32 $0x16E00  }
0x533: {  	[tilespmem:s26], [sflag:$0x2] =	stream.indirect_vreg.gather [hbm4b:s14+s3], $0x80, v4, vm0, $0xb8;
	[tilespmem:$0x1E200] =	vst v63  }
0x534: {  	s28 =	simm.s32 $0x1A600  }
0x535: {  	[tilespmem:s28], [sflag:$0x2] =	stream.indirect_vreg.gather [hbm4b:s14+s3], $0x80, v3, vm0, $0xb8;
	[tilespmem:$0x1E200] =	vst v63  }
0x536: {  	v3 =	vld [tilespmem:s24+$0x60];
	_ =	sdelay $0x4  }
0x537: {  	v54 =	vshrl.u32 v3, $0x3  }
0x538: {  	v4 =	vmul.u32 $0x70, v54  }
0x539: {  	v3 =	vand.u32 $0x7, v3  }
0x53a: {  	v3 =	vor.u32 v3, v4  }
0x53b: {  	v4 =	vperm.xlane v3, v0;
	_ =	sdelay $0x1  }
0x53c: {  	v3 =	vperm.xlane v3, v2;
	v4 =	vadd.s32 v1, v4;
	_ =	sdelay $0x1  }
0x53d: {  	v3 =	vadd.s32 v1, v3;
	_ =	sdelay $0x1  }
0x53e: {  	s29 =	simm.s32 $0x10200  }
0x53f: {  	[tilespmem:s29], [sflag:$0x2] =	stream.indirect_vreg.gather [hbm4b:s15+s3], $0x80, v4, vm0, $0xb8;
	[tilespmem:$0x1E200] =	vst v63  }
0x540: {  	s30 =	simm.s32 $0x13A00  }
0x541: {  	[tilespmem:s30], [sflag:$0x2] =	stream.indirect_vreg.gather [hbm4b:s15+s3], $0x80, v3, vm0, $0xb8;
	[tilespmem:$0x1E200] =	vst v63  }
0x542: {  	v3 =	vld [tilespmem:s24+$0x70];
	_ =	sdelay $0x4  }
0x543: {  	v55 =	vshrl.u32 v3, $0x3  }
0x544: {  	v4 =	vmul.u32 $0x70, v55  }
0x545: {  	v3 =	vand.u32 $0x7, v3  }
0x546: {  	v3 =	vor.u32 v3, v4  }
0x547: {  	v4 =	vperm.xlane v3, v0;
	_ =	sdelay $0x1  }
0x548: {  	v3 =	vperm.xlane v3, v2;
	v4 =	vadd.s32 v1, v4;
	_ =	sdelay $0x1  }
0x549: {  	v3 =	vadd.s32 v1, v3;
	_ =	sdelay $0x1  }
0x54a: {  	s25 =	simm.s32 $0x17200  }
0x54b: {  	[tilespmem:s25], [sflag:$0x2] =	stream.indirect_vreg.gather [hbm4b:s15+s3], $0x80, v4, vm0, $0xb8;
	[tilespmem:$0x1E200] =	vst v63  }
0x54c: {  	s26 =	simm.s32 $0x1AA00  }
0x54d: {  	[tilespmem:s26], [sflag:$0x2] =	stream.indirect_vreg.gather [hbm4b:s15+s3], $0x80, v3, vm0, $0xb8;
	[tilespmem:$0x1E200] =	vst v63  }
0x54e: {  	v3 =	vld [tilespmem:s24+$0x60];
	_ =	sdelay $0x4  }
0x54f: {  	v56 =	vshrl.u32 v3, $0x3  }
0x550: {  	v4 =	vmul.u32 $0x70, v56  }
0x551: {  	v3 =	vand.u32 $0x7, v3  }
0x552: {  	v3 =	vor.u32 v3, v4  }
0x553: {  	v4 =	vperm.xlane v3, v0;
	_ =	sdelay $0x1  }
0x554: {  	v3 =	vperm.xlane v3, v2;
	v4 =	vadd.s32 v1, v4;
	_ =	sdelay $0x1  }
0x555: {  	v3 =	vadd.s32 v1, v3;
	_ =	sdelay $0x1  }
0x556: {  	s28 =	simm.s32 $0x10600  }
0x557: {  	[tilespmem:s28], [sflag:$0x2] =	stream.indirect_vreg.gather [hbm4b:s16+s3], $0x80, v4, vm0, $0xb8;
	[tilespmem:$0x1E200] =	vst v63  }
0x558: {  	s29 =	simm.s32 $0x13E00  }
0x559: {  	[tilespmem:s29], [sflag:$0x2] =	stream.indirect_vreg.gather [hbm4b:s16+s3], $0x80, v3, vm0, $0xb8;
	[tilespmem:$0x1E200] =	vst v63  }
0x55a: {  	v3 =	vld [tilespmem:s24+$0x70];
	_ =	sdelay $0x4  }
0x55b: {  	v57 =	vshrl.u32 v3, $0x3  }
0x55c: {  	v4 =	vmul.u32 $0x70, v57  }
0x55d: {  	v3 =	vand.u32 $0x7, v3  }
0x55e: {  	v3 =	vor.u32 v3, v4  }
0x55f: {  	v4 =	vperm.xlane v3, v0;
	_ =	sdelay $0x1  }
0x560: {  	v3 =	vperm.xlane v3, v2;
	v4 =	vadd.s32 v1, v4;
	_ =	sdelay $0x1  }
0x561: {  	v3 =	vadd.s32 v1, v3;
	_ =	sdelay $0x1  }
0x562: {  	s30 =	simm.s32 $0x17600  }
0x563: {  	[tilespmem:s30], [sflag:$0x2] =	stream.indirect_vreg.gather [hbm4b:s16+s3], $0x80, v4, vm0, $0xb8;
	[tilespmem:$0x1E200] =	vst v63  }
0x564: {  	s25 =	simm.s32 $0x1AE00  }
0x565: {  	[tilespmem:s25], [sflag:$0x2] =	stream.indirect_vreg.gather [hbm4b:s16+s3], $0x80, v3, vm0, $0xb8;
	[tilespmem:$0x1E200] =	vst v63  }
0x566: {  	v3 =	vld [tilespmem:s24+$0x60];
	_ =	sdelay $0x4  }
0x567: {  	v58 =	vshrl.u32 v3, $0x3  }
0x568: {  	v4 =	vmul.u32 $0x70, v58  }
0x569: {  	v3 =	vand.u32 $0x7, v3  }
0x56a: {  	v3 =	vor.u32 v3, v4  }
0x56b: {  	v4 =	vperm.xlane v3, v0;
	_ =	sdelay $0x1  }
0x56c: {  	v3 =	vperm.xlane v3, v2;
	v4 =	vadd.s32 v1, v4;
	_ =	sdelay $0x1  }
0x56d: {  	v3 =	vadd.s32 v1, v3;
	_ =	sdelay $0x1  }
0x56e: {  	s26 =	simm.s32 $0x10A00  }
0x56f: {  	[tilespmem:s26], [sflag:$0x2] =	stream.indirect_vreg.gather [hbm4b:s17+s3], $0x80, v4, vm0, $0xb8;
	[tilespmem:$0x1E200] =	vst v63  }
0x570: {  	s28 =	simm.s32 $0x14200  }
0x571: {  	[tilespmem:s28], [sflag:$0x2] =	stream.indirect_vreg.gather [hbm4b:s17+s3], $0x80, v3, vm0, $0xb8;
	[tilespmem:$0x1E200] =	vst v63  }
0x572: {  	v3 =	vld [tilespmem:s24+$0x70];
	_ =	sdelay $0x4  }
0x573: {  	v59 =	vshrl.u32 v3, $0x3  }
0x574: {  	v4 =	vmul.u32 $0x70, v59  }
0x575: {  	v3 =	vand.u32 $0x7, v3  }
0x576: {  	v3 =	vor.u32 v3, v4  }
0x577: {  	v4 =	vperm.xlane v3, v0;
	_ =	sdelay $0x1  }
0x578: {  	v3 =	vperm.xlane v3, v2;
	v4 =	vadd.s32 v1, v4;
	_ =	sdelay $0x1  }
0x579: {  	v3 =	vadd.s32 v1, v3;
	_ =	sdelay $0x1  }
0x57a: {  	s29 =	simm.s32 $0x17A00  }
0x57b: {  	[tilespmem:s29], [sflag:$0x2] =	stream.indirect_vreg.gather [hbm4b:s17+s3], $0x80, v4, vm0, $0xb8;
	[tilespmem:$0x1E200] =	vst v63  }
0x57c: {  	s30 =	simm.s32 $0x1B200  }
0x57d: {  	[tilespmem:s30], [sflag:$0x2] =	stream.indirect_vreg.gather [hbm4b:s17+s3], $0x80, v3, vm0, $0xb8;
	[tilespmem:$0x1E200] =	vst v63  }
0x57e: {  	v3 =	vld [tilespmem:s24+$0x60];
	_ =	sdelay $0x4  }
0x57f: {  	v60 =	vshrl.u32 v3, $0x3  }
0x580: {  	v4 =	vmul.u32 $0x70, v60  }
0x581: {  	v3 =	vand.u32 $0x7, v3  }
0x582: {  	v3 =	vor.u32 v3, v4  }
0x583: {  	v4 =	vperm.xlane v3, v0;
	_ =	sdelay $0x1  }
0x584: {  	v3 =	vperm.xlane v3, v2;
	v4 =	vadd.s32 v1, v4;
	_ =	sdelay $0x1  }
0x585: {  	v3 =	vadd.s32 v1, v3;
	_ =	sdelay $0x1  }
0x586: {  	s25 =	simm.s32 $0x10E00  }
0x587: {  	[tilespmem:s25], [sflag:$0x2] =	stream.indirect_vreg.gather [hbm4b:s18+s3], $0x80, v4, vm0, $0xb8;
	[tilespmem:$0x1E200] =	vst v63  }
0x588: {  	s26 =	simm.s32 $0x14600  }
0x589: {  	[tilespmem:s26], [sflag:$0x2] =	stream.indirect_vreg.gather [hbm4b:s18+s3], $0x80, v3, vm0, $0xb8;
	[tilespmem:$0x1E200] =	vst v63  }
0x58a: {  	v3 =	vld [tilespmem:s24+$0x70];
	_ =	sdelay $0x4  }
0x58b: {  	v61 =	vshrl.u32 v3, $0x3  }
0x58c: {  	v4 =	vmul.u32 $0x70, v61  }
0x58d: {  	v3 =	vand.u32 $0x7, v3  }
0x58e: {  	v3 =	vor.u32 v3, v4  }
0x58f: {  	v4 =	vperm.xlane v3, v0;
	_ =	sdelay $0x1  }
0x590: {  	v3 =	vperm.xlane v3, v2;
	v4 =	vadd.s32 v1, v4;
	_ =	sdelay $0x1  }
0x591: {  	v3 =	vadd.s32 v1, v3;
	_ =	sdelay $0x1  }
0x592: {  	s28 =	simm.s32 $0x17E00  }
0x593: {  	[tilespmem:s28], [sflag:$0x2] =	stream.indirect_vreg.gather [hbm4b:s18+s3], $0x80, v4, vm0, $0xb8;
	[tilespmem:$0x1E200] =	vst v63  }
0x594: {  	s29 =	simm.s32 $0x1B600  }
0x595: {  	[tilespmem:s29], [sflag:$0x2] =	stream.indirect_vreg.gather [hbm4b:s18+s3], $0x80, v3, vm0, $0xb8;
	[tilespmem:$0x1E200] =	vst v63  }
0x596: {  	v3 =	vld [tilespmem:s24+$0x60];
	_ =	sdelay $0x4  }
0x597: {  	v62 =	vshrl.u32 v3, $0x3  }
0x598: {  	v4 =	vmul.u32 $0x70, v62  }
0x599: {  	v3 =	vand.u32 $0x7, v3  }
0x59a: {  	v3 =	vor.u32 v3, v4  }
0x59b: {  	v4 =	vperm.xlane v3, v0;
	_ =	sdelay $0x1  }
0x59c: {  	v3 =	vperm.xlane v3, v2;
	v4 =	vadd.s32 v1, v4;
	_ =	sdelay $0x1  }
0x59d: {  	v3 =	vadd.s32 v1, v3;
	_ =	sdelay $0x1  }
0x59e: {  	s30 =	simm.s32 $0x11200  }
0x59f: {  	[tilespmem:s30], [sflag:$0x2] =	stream.indirect_vreg.gather [hbm4b:s19+s3], $0x80, v4, vm0, $0xb8;
	[tilespmem:$0x1E200] =	vst v63  }
0x5a0: {  	s25 =	simm.s32 $0x14A00  }
0x5a1: {  	[tilespmem:s25], [sflag:$0x2] =	stream.indirect_vreg.gather [hbm4b:s19+s3], $0x80, v3, vm0, $0xb8;
	[tilespmem:$0x1E200] =	vst v63  }
0x5a2: {  	v3 =	vld [tilespmem:s24+$0x70];
	_ =	sdelay $0x4  }
0x5a3: {  	v63 =	vshrl.u32 v3, $0x3  }
0x5a4: {  	v4 =	vmul.u32 $0x70, v63  }
0x5a5: {  	v3 =	vand.u32 $0x7, v3  }
0x5a6: {  	v3 =	vor.u32 v3, v4  }
0x5a7: {  	v4 =	vperm.xlane v3, v0;
	_ =	sdelay $0x1  }
0x5a8: {  	v4 =	vadd.s32 v1, v4  }
0x5a9: {  	v3 =	vperm.xlane v3, v2;
	_ =	sdelay $0x1  }
0x5aa: {  	v3 =	vadd.s32 v1, v3  }
0x5ab: {  	s26 =	simm.s32 $0x18200  }
0x5ac: {  	[tilespmem:s26], [sflag:$0x2] =	stream.indirect_vreg.gather [hbm4b:s19+s3], $0x80, v4, vm0, $0xb8;
	[tilespmem:$0x1E200] =	vst v63  }
.Ltmp6:
0x5ad: {  	_ = 	snop;
	(pc) =	sbr.rel .LBB2_2-.Ltmp6, $4  }
0x5ae: {  	s20 =	sadd.s32 $0x1, s20;
	s28 =	simm.s32 $0x1BA00  }
0x5af: {  	[tilespmem:s28], [sflag:$0x2] =	stream.indirect_vreg.gather [hbm4b:s19+s3], $0x80, v3, vm0, $0xb8;
	[tilespmem:$0x1E200] =	vst v63  }
0x5b0: {  	s29 =	sadd.s32 $0x60, s24;
	s30 =	rddreg [dreg:$0x1];
	s25 =	simm.s32 $0x1D200  }
0x5b1: {  	[tilespmem:s25], [sflag:$0x2] =	stream.indirect.gather [hbm4b:s30+s0], $0x80, s29, s0, $0xb8;
	[tilespmem:$0x1E200] =	vst v63  }
.LBB2_11:
0x5b2: {  	_ =	sfence.sel $0x180000  }
0x5b3: {  	[bflag:$0x0] =	sbarrier.arrive $0xFFFF  }
0x5b4: {  	_ =	strace $0x90000047  }
0x5b5: {  	s0 =	stileid.u32;
	[bflag:$0x2] =	sbarrier.arrive $0xFFFF  }
0x5b6: {  	p0 =	sne.s32 s0, $0x0;
	s0 =	rddreg [dreg:$0x3]  }
0x5b7: {  	s0 =	sadd.s32 @!p0 $0x100000, s0  }
0x5b8: {  	[sflag:s0] =	ssyncadd.tile.s32 @!p0 $0x1;
	_ =	shalt  }
.Lfunc_end2:
_tile_overlayer_lowered:
.L_overlay_start_2:
0x5b9: {  	(tag) =	ssettag $0x2  }
0x5ba: {  	s0 =	rddreg [dreg:$0x0];
	s2 =	stileid.u32  }
0x5bb: {  	s1 =	rddreg [dreg:$0x1];
	p0 =	sne.s32 s2, $0x0  }
0x5bc: {  	s3 =	rddreg [dreg:$0x2];
	[bflag:$0x3] =	sbarrier.arrive $0xFFFF;
	s2 =	simm.s32 @!p0 $0x1C03  }
0x5bd: {  	[timem:s3], [sflag:s2] =	dma.local @!p0 [hbm:s0], s1  }
0x5be: {  	s0 =	simm.s32 @!p0 $0x3  }
0x5bf: {  	_ =	swait.ge @!p0 [sflag:s0], s1  }
0x5c0: {  	s1 =	ssub.s32 @!p0 $0x0, s1;
	[sflag:s0] =	ssyncset.done @!p0 $0x0  }
0x5c1: {  	[sflag:s0] =	ssyncadd.s32 @!p0 s1  }
0x5c2: {  	[bflag:$0x3] =	sbarrier.arrive $0xFFFF  }
0x5c3: {  	_ =	shalt  }

</sc_bundles>
